<compile_context>
chip_gen: v7x
topology: tpu7x:2x2x1
jax: 0.10.2.dev20260603
libtpu: 0.0.44.dev20260713+nightly
codegen_flags: <defaults>
</compile_context>

<pallas_src>
import jax
import jax.numpy as jnp
from jax import lax
from jax.experimental import pallas as pl
from jax.experimental.pallas import tpu as pltpu
from jax.experimental.pallas import tpu_sc as plsc

N = 10000
E = 320000
D1 = 128
D2 = 64
DH = (D1 + D2) // 2
DW = DH + 16
NC = 2
NS = 16
CH = 80
EPT = E // NS
NCHUNK = EPT // CH
SRCSEG = 125
DSEG = 25
ROWCHUNKS = N // CH
RR = (ROWCHUNKS + NS - 1) // NS
NBUF = 5


def _sc_body(xlo_hbm, xhi_hbm, src_hbm, dst_hbm, acc_hbm,
             acc_sp, srcseg_v, dsta_v, dstb_v, r0_v, r1_v, r2_v, r3_v, r4_v,
             sg0, sg1, sg2, sg3, sg4, ss0, ss1, ss2, ss3, ss4, sem_id):
    c = lax.axis_index("c")
    s = lax.axis_index("s")
    rows_bufs = (r0_v, r1_v, r2_v, r3_v, r4_v)
    sem_g = (sg0, sg1, sg2, sg3, sg4)
    sem_s = (ss0, ss1, ss2, ss3, ss4)

    zvec = jnp.zeros((16,), jnp.float32)

    def fill(i, carry):
        for k in range(DW // 16):
            r0_v[i, pl.ds(16 * k, 16)] = zvec
        return carry

    lax.fori_loop(0, CH, fill, 0)

    base_row = s * NCHUNK
    pltpu.sync_copy(src_hbm.at[pl.ds(base_row, SRCSEG)], srcseg_v)
    pltpu.sync_copy(dst_hbm.at[pl.ds(base_row, DSEG)], dsta_v)

    def zinit(t, carry):
        chk = t * NS + s

        @pl.when(chk < ROWCHUNKS)
        def _():
            a0 = pl.multiple_of(chk * CH, 8)
            pltpu.async_copy(r0_v, acc_sp.at[pl.ds(a0, CH)], sg0)

        return carry

    lax.fori_loop(0, RR, zinit, 0)

    def zwait(t, carry):
        chk = t * NS + s

        @pl.when(chk < ROWCHUNKS)
        def _():
            a0 = pl.multiple_of(chk * CH, 8)
            pltpu.make_async_copy(r0_v, acc_sp.at[pl.ds(a0, CH)], sg0).wait()

        return carry

    lax.fori_loop(0, RR, zwait, 0)
    plsc.subcore_barrier()

    def start_gather(j, nb, buf):
        @pl.when(c == 0)
        def _():
            pltpu.async_copy(xlo_hbm.at[srcseg_v.at[j % SRCSEG]], buf,
                             sem_g[nb])

        @pl.when(c == 1)
        def _():
            pltpu.async_copy(xhi_hbm.at[srcseg_v.at[j % SRCSEG]], buf,
                             sem_g[nb])

    def wait_gather(j, nb, buf):
        @pl.when(c == 0)
        def _():
            pltpu.make_async_copy(xlo_hbm.at[srcseg_v.at[j % SRCSEG]], buf,
                                  sem_g[nb]).wait()

        @pl.when(c == 1)
        def _():
            pltpu.make_async_copy(xhi_hbm.at[srcseg_v.at[j % SRCSEG]], buf,
                                  sem_g[nb]).wait()

    def start_scatter(j, nb, buf):
        p = (j // DSEG) % 2

        @pl.when(p == 0)
        def _():
            pltpu.async_copy(buf, acc_sp.at[dsta_v.at[j % DSEG]], sem_s[nb],
                             add=True)

        @pl.when(p == 1)
        def _():
            pltpu.async_copy(buf, acc_sp.at[dstb_v.at[j % DSEG]], sem_s[nb],
                             add=True)

    def wait_scatter(j, nb, buf):
        p = (j // DSEG) % 2

        @pl.when(p == 0)
        def _():
            pltpu.make_async_copy(buf, acc_sp.at[dsta_v.at[j % DSEG]],
                                  sem_s[nb]).wait()

        @pl.when(p == 1)
        def _():
            pltpu.make_async_copy(buf, acc_sp.at[dstb_v.at[j % DSEG]],
                                  sem_s[nb]).wait()

    start_gather(0, 0, rows_bufs[0])
    start_gather(1, 1, rows_bufs[1])
    start_gather(2, 2, rows_bufs[2])

    def outer(g, carry):
        for b in range(NBUF):
            j = g * NBUF + b

            if b == 0:
                p = (j // DSEG) % 2

                @pl.when((j % DSEG == 0) & (j > 0) & (p == 0))
                def _():
                    pltpu.make_async_copy(
                        dst_hbm.at[pl.ds(base_row + j, DSEG)], dsta_v,
                        sem_id).wait()

                @pl.when((j % DSEG == 0) & (j > 0) & (p == 1))
                def _():
                    pltpu.make_async_copy(
                        dst_hbm.at[pl.ds(base_row + j, DSEG)], dstb_v,
                        sem_id).wait()

            @pl.when(j >= 2)
            def _():
                wait_scatter(j - 2, (b - 2) % NBUF, rows_bufs[(b - 2) % NBUF])

            if b == 2:
                p = (j // DSEG) % 2

                @pl.when((j % DSEG == 2) & (j + 23 < NCHUNK) & (p == 0))
                def _():
                    pltpu.async_copy(
                        dst_hbm.at[pl.ds(base_row + j + 23, DSEG)], dstb_v,
                        sem_id)

                @pl.when((j % DSEG == 2) & (j + 23 < NCHUNK) & (p == 1))
                def _():
                    pltpu.async_copy(
                        dst_hbm.at[pl.ds(base_row + j + 23, DSEG)], dsta_v,
                        sem_id)

                @pl.when(j == SRCSEG - 3)
                def _():
                    wait_gather(j, b, rows_bufs[b])
                    wait_gather(j + 1, (b + 1) % NBUF, rows_bufs[(b + 1) % NBUF])
                    wait_gather(j + 2, (b + 2) % NBUF, rows_bufs[(b + 2) % NBUF])
                    pltpu.sync_copy(
                        src_hbm.at[pl.ds(base_row + SRCSEG, SRCSEG)],
                        srcseg_v)

            @pl.when(j + 3 < NCHUNK)
            def _():
                start_gather(j + 3, (b + 3) % NBUF, rows_bufs[(b + 3) % NBUF])

            if b == 2:
                @pl.when(j != SRCSEG - 3)
                def _():
                    wait_gather(j, b, rows_bufs[b])
            elif b == 3:
                @pl.when(j != SRCSEG - 2)
                def _():
                    wait_gather(j, b, rows_bufs[b])
            elif b == 4:
                @pl.when(j != SRCSEG - 1)
                def _():
                    wait_gather(j, b, rows_bufs[b])
            else:
                wait_gather(j, b, rows_bufs[b])

            start_scatter(j, b, rows_bufs[b])

        return carry

    lax.fori_loop(0, NCHUNK // NBUF, outer, 0)
    wait_scatter(NCHUNK - 2, (NCHUNK - 2) % NBUF, rows_bufs[(NCHUNK - 2) % NBUF])
    wait_scatter(NCHUNK - 1, (NCHUNK - 1) % NBUF, rows_bufs[(NCHUNK - 1) % NBUF])
    plsc.subcore_barrier()

    def drain(t, carry):
        chk = t * NS + s

        @pl.when(chk < ROWCHUNKS)
        def _():
            a0 = pl.multiple_of(chk * CH, 8)
            o0 = pl.multiple_of(c * N + chk * CH, 8)
            pltpu.async_copy(acc_sp.at[pl.ds(a0, CH)],
                             acc_hbm.at[pl.ds(o0, CH)], sg0)

        return carry

    lax.fori_loop(0, RR, drain, 0)

    def dwait(t, carry):
        chk = t * NS + s

        @pl.when(chk < ROWCHUNKS)
        def _():
            a0 = pl.multiple_of(chk * CH, 8)
            o0 = pl.multiple_of(c * N + chk * CH, 8)
            pltpu.make_async_copy(acc_sp.at[pl.ds(a0, CH)],
                                  acc_hbm.at[pl.ds(o0, CH)], sg0).wait()

        return carry

    lax.fori_loop(0, RR, dwait, 0)


def _sc_segment_sum(x_lo, x_hi, src2d, dst2d):
    mesh = plsc.VectorSubcoreMesh(
        core_axis_name="c", subcore_axis_name="s", num_cores=NC, num_subcores=NS)
    f = pl.kernel(
        _sc_body,
        out_type=jax.ShapeDtypeStruct((NC * N, DW), jnp.float32),
        mesh=mesh,
        scratch_types=[
            pltpu.VMEM_SHARED((N, DW), jnp.float32),
            pltpu.VMEM((SRCSEG, CH), jnp.int32),
            pltpu.VMEM((DSEG, CH), jnp.int32),
            pltpu.VMEM((DSEG, CH), jnp.int32),
            pltpu.VMEM((CH, DW), jnp.float32),
            pltpu.VMEM((CH, DW), jnp.float32),
            pltpu.VMEM((CH, DW), jnp.float32),
            pltpu.VMEM((CH, DW), jnp.float32),
            pltpu.VMEM((CH, DW), jnp.float32),
        ] + [pltpu.SemaphoreType.DMA] * 11,
        compiler_params=pltpu.CompilerParams(use_tc_tiling_on_sc=False),
    )
    return f(x_lo, x_hi, src2d, dst2d)


BLK = 2000


def _tc_body(text_ref, acclo_ref, acchi_ref,
             wg1_ref, bg1_ref, wg2_ref, bg2_ref, wf1_ref, bf1_ref,
             wf2_ref, bf2_ref, out_ref):
    lo = acclo_ref[...]
    hi = acchi_ref[...]
    d = jnp.maximum(lo[:, DH:DH + 1], 1.0)
    g1 = jnp.concatenate([lo[:, :DH], hi[:, :D1 - DH]], axis=1) / d
    g2 = hi[:, D1 - DH:DH] / d
    h1 = jnp.maximum(
        jnp.dot(g1, wg1_ref[...], preferred_element_type=jnp.float32)
        + bg1_ref[...], 0.0)
    h2 = jnp.maximum(
        jnp.dot(g2, wg2_ref[...], preferred_element_type=jnp.float32)
        + bg2_ref[...], 0.0)
    t = (jnp.dot(text_ref[...], wf1_ref[...], preferred_element_type=jnp.float32)
         + bf1_ref[...])
    w2 = wf2_ref[...]
    out = jnp.dot(t, w2[:D1], preferred_element_type=jnp.float32)
    out = out + jnp.dot(h1, w2[D1:2 * D1], preferred_element_type=jnp.float32)
    out = out + jnp.dot(h2, w2[2 * D1:], preferred_element_type=jnp.float32)
    out_ref[...] = out + bf2_ref[...]


def _tc_combine(text_emb, acc,
                W_g1, b_g1, W_g2, b_g2, W_fc1, b_fc1, W_fc2, b_fc2):
    nb = N // BLK
    row = lambda i: (i, 0)
    row_hi = lambda i: (nb + i, 0)
    full = lambda i: (0, 0)
    return pl.pallas_call(
        _tc_body,
        grid=(nb,),
        in_specs=[
            pl.BlockSpec((BLK, 256), row),
            pl.BlockSpec((BLK, DW), row),
            pl.BlockSpec((BLK, DW), row_hi),
            pl.BlockSpec((D1, D1), full),
            pl.BlockSpec((1, D1), full),
            pl.BlockSpec((D2, D2), full),
            pl.BlockSpec((1, D2), full),
            pl.BlockSpec((256, D1), full),
            pl.BlockSpec((1, D1), full),
            pl.BlockSpec((2 * D1 + D2, 256), full),
            pl.BlockSpec((1, 256), full),
        ],
        out_specs=pl.BlockSpec((BLK, 256), row),
        out_shape=jax.ShapeDtypeStruct((N, 256), jnp.float32),
    )(text_emb, acc, acc,
      W_g1, b_g1, W_g2, b_g2, W_fc1, b_fc1, W_fc2, b_fc2)


def kernel(text_emb, feature_2, graph_features, edge_index,
           W_g1, b_g1, W_g2, b_g2, W_fc1, b_fc1, W_fc2, b_fc2):
    ones = jnp.ones((N, 16), jnp.float32)
    x_lo = jnp.concatenate([graph_features[:, :DH], ones], axis=1)
    x_hi = jnp.concatenate([graph_features[:, DH:], feature_2, ones], axis=1)
    src2d = edge_index[0].reshape(E // CH, CH)
    dst2d = edge_index[1].reshape(E // CH, CH)
    acc = _sc_segment_sum(x_lo, x_hi, src2d, dst2d)
    return _tc_combine(
        text_emb, acc,
        W_g1, b_g1.reshape(1, -1), W_g2, b_g2.reshape(1, -1),
        W_fc1, b_fc1.reshape(1, -1), W_fc2, b_fc2.reshape(1, -1))

# --- scband reference (transcript-rebuilt; emitter-appended) ---
"""Pipeline reference for scband-dual-encoder-82076825026908 (READ-ONLY COPY).

The authoritative reference and input builder live on the scoring server;
editing this copy changes nothing except your own understanding.
"""

import jax, jax.numpy as jnp
import numpy as np

N = 10000
E = 320000
TEXT_DIM = 256
D_FEAT = 128
F2_DIM = 64
OUT_CH = 128
HIDDEN = 256


def setup_inputs(seed: int = 0) -> dict:
    key = jax.random.key(seed)
    ks = jax.random.split(key, 12)
    text_emb = jax.random.normal(ks[0], (N, TEXT_DIM), dtype=jnp.float32)
    feature_2 = jax.random.normal(ks[1], (N, F2_DIM), dtype=jnp.float32)
    graph_features = jax.random.normal(ks[2], (N, D_FEAT), dtype=jnp.float32)
    edge_index = jax.random.randint(ks[3], (2, E), 0, N, dtype=jnp.int32)
    # graph_model1: GCN-style layer d_feat -> out_channels
    W_g1 = jax.random.normal(ks[4], (D_FEAT, OUT_CH), dtype=jnp.float32) / np.sqrt(D_FEAT)
    b_g1 = jnp.zeros((OUT_CH,), dtype=jnp.float32)
    # graph_model2: GCN-style layer feature_2_dim -> feature_2_dim
    W_g2 = jax.random.normal(ks[5], (F2_DIM, F2_DIM), dtype=jnp.float32) / np.sqrt(F2_DIM)
    b_g2 = jnp.zeros((F2_DIM,), dtype=jnp.float32)
    # fc1: text_dim -> out_channels
    W_fc1 = jax.random.normal(ks[6], (TEXT_DIM, OUT_CH), dtype=jnp.float32) / np.sqrt(TEXT_DIM)
    b_fc1 = jnp.zeros((OUT_CH,), dtype=jnp.float32)
    # fc2: (2*out_channels + feature_2_dim) -> hidden_dim
    fc2_in = 2 * OUT_CH + F2_DIM
    W_fc2 = jax.random.normal(ks[7], (fc2_in, HIDDEN), dtype=jnp.float32) / np.sqrt(fc2_in)
    b_fc2 = jnp.zeros((HIDDEN,), dtype=jnp.float32)
    return {
        "text_emb": text_emb,
        "feature_2": feature_2,
        "graph_features": graph_features,
        "edge_index": edge_index,
        "W_g1": W_g1, "b_g1": b_g1,
        "W_g2": W_g2, "b_g2": b_g2,
        "W_fc1": W_fc1, "b_fc1": b_fc1,
        "W_fc2": W_fc2, "b_fc2": b_fc2,
    }


def _gcn(x, edge_index, W, b):
    src = edge_index[0]
    dst = edge_index[1]
    msgs = jnp.take(x, src, axis=0)                      # gather [E, d]
    agg = jax.ops.segment_sum(msgs, dst, num_segments=x.shape[0])  # scatter-add [N, d]
    deg = jax.ops.segment_sum(jnp.ones((edge_index.shape[1],), dtype=x.dtype), dst,
                              num_segments=x.shape[0])
    agg = agg / jnp.clip(deg, 1.0)[:, None]
    return jax.nn.relu(agg @ W + b)


def reference(text_emb, feature_2, graph_features, edge_index,
              W_g1, b_g1, W_g2, b_g2, W_fc1, b_fc1, W_fc2, b_fc2):
    graph_emb1 = _gcn(graph_features, edge_index, W_g1, b_g1)   # [N, out_channels]
    graph_emb2 = _gcn(feature_2, edge_index, W_g2, b_g2)        # [N, feature_2_dim]
    text = text_emb @ W_fc1 + b_fc1                              # [N, out_channels]
    combined = jnp.concatenate([text, graph_emb1, graph_emb2], axis=1)
    out = combined @ W_fc2 + b_fc2                               # [N, hidden_dim]
    return out

if __name__ == "__main__":
    import jax
    _d = setup_inputs()
    print(jax.jit(kernel)(*tuple(_d.values())))

</pallas_src>

<mosaic_0001>
#map = affine_map<(d0, d1) -> (0, 0)>
module attributes {stable_mosaic.version = 14 : i64} {
  func.func @_sc_body(%arg0: i32, %arg1: i32, %arg2: memref<10000x112xf32, #tpu.memory_space<hbm>>, %arg3: memref<10000x112xf32, #tpu.memory_space<hbm>>, %arg4: memref<4000x80xi32, #tpu.memory_space<hbm>>, %arg5: memref<4000x80xi32, #tpu.memory_space<hbm>>, %arg6: memref<20000x112xf32, #tpu.memory_space<hbm>>, %arg7: memref<10000x112xf32, #tpu.memory_space<vmem_shared>>, %arg8: memref<125x80xi32, #tpu.memory_space<vmem>>, %arg9: memref<25x80xi32, #tpu.memory_space<vmem>>, %arg10: memref<25x80xi32, #tpu.memory_space<vmem>>, %arg11: memref<80x112xf32, #tpu.memory_space<vmem>>, %arg12: memref<80x112xf32, #tpu.memory_space<vmem>>, %arg13: memref<80x112xf32, #tpu.memory_space<vmem>>, %arg14: memref<80x112xf32, #tpu.memory_space<vmem>>, %arg15: memref<80x112xf32, #tpu.memory_space<vmem>>, %arg16: memref<!tpu.dma_semaphore, #tpu.memory_space<semaphore_mem>>, %arg17: memref<!tpu.dma_semaphore, #tpu.memory_space<semaphore_mem>>, %arg18: memref<!tpu.dma_semaphore, #tpu.memory_space<semaphore_mem>>, %arg19: memref<!tpu.dma_semaphore, #tpu.memory_space<semaphore_mem>>, %arg20: memref<!tpu.dma_semaphore, #tpu.memory_space<semaphore_mem>>, %arg21: memref<!tpu.dma_semaphore, #tpu.memory_space<semaphore_mem>>, %arg22: memref<!tpu.dma_semaphore, #tpu.memory_space<semaphore_mem>>, %arg23: memref<!tpu.dma_semaphore, #tpu.memory_space<semaphore_mem>>, %arg24: memref<!tpu.dma_semaphore, #tpu.memory_space<semaphore_mem>>, %arg25: memref<!tpu.dma_semaphore, #tpu.memory_space<semaphore_mem>>, %arg26: memref<!tpu.dma_semaphore, #tpu.memory_space<semaphore_mem>>) attributes {dimension_semantics = [#tpu.dimension_semantics<core_parallel>, #tpu.dimension_semantics<subcore_parallel>], iteration_bounds = array<i64: 2, 16>, scalar_prefetch = 0 : i64, scratch_operands = 20 : i64, tpu.core_type = #tpu.core_type<sc_vector_subcore>, window_params = [{transform_indices = #map}, {transform_indices = #map}, {transform_indices = #map}, {transform_indices = #map}, {transform_indices = #map}]} {
    %broadcast_in_dim3A = arith.constant 0.000000e+00 : f32
    %broadcast_in_dim3A_0 = vector.broadcast %broadcast_in_dim3A : f32 to vector<16xf32>
    %scan3A = arith.constant 0 : i32
    %scan3A_1 = arith.constant 0 : i32
    %scan3A_2 = arith.constant 80 : i32
    %scan3A_3 = arith.addi %scan3A_1, %scan3A_2 : i32
    %scan3A_4 = arith.constant 1 : i32
    scf.for %scan3A_78 = %scan3A_1 to %scan3A_3 step %scan3A_4  : i32 {
      %swap3A = arith.index_cast %scan3A_78 : i32 to index
      %swap3A_79 = arith.constant 0 : index
      %swap3A_80 = tpu.vector_load %arg11[%swap3A, %swap3A_79] {strides = array<i32>} : memref<80x112xf32, #tpu.memory_space<vmem>>, vector<1x16xf32>,
      %swap3A_81 = vector.shape_cast %swap3A_80 : vector<1x16xf32> to vector<16xf32>
      %swap3A_82 = vector.shape_cast %broadcast_in_dim3A_0 : vector<16xf32> to vector<1x16xf32>
      tpu.vector_store %arg11[%swap3A, %swap3A_79], %swap3A_82 {strides = array<i32>} : memref<80x112xf32, #tpu.memory_space<vmem>>, vector<1x16xf32>,
      %swap3A_83 = arith.index_cast %scan3A_78 : i32 to index
      %swap3A_84 = arith.constant 16 : index
      %swap3A_85 = tpu.vector_load %arg11[%swap3A_83, %swap3A_84] {strides = array<i32>} : memref<80x112xf32, #tpu.memory_space<vmem>>, vector<1x16xf32>,
      %swap3A_86 = vector.shape_cast %swap3A_85 : vector<1x16xf32> to vector<16xf32>
      %swap3A_87 = vector.shape_cast %broadcast_in_dim3A_0 : vector<16xf32> to vector<1x16xf32>
      tpu.vector_store %arg11[%swap3A_83, %swap3A_84], %swap3A_87 {strides = array<i32>} : memref<80x112xf32, #tpu.memory_space<vmem>>, vector<1x16xf32>,
      %swap3A_88 = arith.index_cast %scan3A_78 : i32 to index
      %swap3A_89 = arith.constant 32 : index
      %swap3A_90 = tpu.vector_load %arg11[%swap3A_88, %swap3A_89] {strides = array<i32>} : memref<80x112xf32, #tpu.memory_space<vmem>>, vector<1x16xf32>,
      %swap3A_91 = vector.shape_cast %swap3A_90 : vector<1x16xf32> to vector<16xf32>
      %swap3A_92 = vector.shape_cast %broadcast_in_dim3A_0 : vector<16xf32> to vector<1x16xf32>
      tpu.vector_store %arg11[%swap3A_88, %swap3A_89], %swap3A_92 {strides = array<i32>} : memref<80x112xf32, #tpu.memory_space<vmem>>, vector<1x16xf32>,
      %swap3A_93 = arith.index_cast %scan3A_78 : i32 to index
      %swap3A_94 = arith.constant 48 : index
      %swap3A_95 = tpu.vector_load %arg11[%swap3A_93, %swap3A_94] {strides = array<i32>} : memref<80x112xf32, #tpu.memory_space<vmem>>, vector<1x16xf32>,
      %swap3A_96 = vector.shape_cast %swap3A_95 : vector<1x16xf32> to vector<16xf32>
      %swap3A_97 = vector.shape_cast %broadcast_in_dim3A_0 : vector<16xf32> to vector<1x16xf32>
      tpu.vector_store %arg11[%swap3A_93, %swap3A_94], %swap3A_97 {strides = array<i32>} : memref<80x112xf32, #tpu.memory_space<vmem>>, vector<1x16xf32>,
      %swap3A_98 = arith.index_cast %scan3A_78 : i32 to index
      %swap3A_99 = arith.constant 64 : index
      %swap3A_100 = tpu.vector_load %arg11[%swap3A_98, %swap3A_99] {strides = array<i32>} : memref<80x112xf32, #tpu.memory_space<vmem>>, vector<1x16xf32>,
      %swap3A_101 = vector.shape_cast %swap3A_100 : vector<1x16xf32> to vector<16xf32>
      %swap3A_102 = vector.shape_cast %broadcast_in_dim3A_0 : vector<16xf32> to vector<1x16xf32>
      tpu.vector_store %arg11[%swap3A_98, %swap3A_99], %swap3A_102 {strides = array<i32>} : memref<80x112xf32, #tpu.memory_space<vmem>>, vector<1x16xf32>,
      %swap3A_103 = arith.index_cast %scan3A_78 : i32 to index
      %swap3A_104 = arith.constant 80 : index
      %swap3A_105 = tpu.vector_load %arg11[%swap3A_103, %swap3A_104] {strides = array<i32>} : memref<80x112xf32, #tpu.memory_space<vmem>>, vector<1x16xf32>,
      %swap3A_106 = vector.shape_cast %swap3A_105 : vector<1x16xf32> to vector<16xf32>
      %swap3A_107 = vector.shape_cast %broadcast_in_dim3A_0 : vector<16xf32> to vector<1x16xf32>
      tpu.vector_store %arg11[%swap3A_103, %swap3A_104], %swap3A_107 {strides = array<i32>} : memref<80x112xf32, #tpu.memory_space<vmem>>, vector<1x16xf32>,
      %swap3A_108 = arith.index_cast %scan3A_78 : i32 to index
      %swap3A_109 = arith.constant 96 : index
      %swap3A_110 = tpu.vector_load %arg11[%swap3A_108, %swap3A_109] {strides = array<i32>} : memref<80x112xf32, #tpu.memory_space<vmem>>, vector<1x16xf32>,
      %swap3A_111 = vector.shape_cast %swap3A_110 : vector<1x16xf32> to vector<16xf32>
      %swap3A_112 = vector.shape_cast %broadcast_in_dim3A_0 : vector<16xf32> to vector<1x16xf32>
      tpu.vector_store %arg11[%swap3A_108, %swap3A_109], %swap3A_112 {strides = array<i32>} : memref<80x112xf32, #tpu.memory_space<vmem>>, vector<1x16xf32>,
    }
    %scan3A_5 = arith.constant 80 : i32
    %mul3A = arith.constant 250 : i32
    %mul3A_6 = arith.muli %arg1, %mul3A : i32
    "tpu.region"() ({
      %run_scoped3A = tpu.sem_alloc : memref<!tpu.dma_semaphore, #tpu.memory_space<semaphore_mem>>
      %dma_start3A = arith.constant 0 : i32
      %dma_start3A_78 = tpu.memref_slice %arg4[%mul3A_6, %dma_start3A] : memref<4000x80xi32, #tpu.memory_space<hbm>> -> memref<125x80xi32, #tpu.memory_space<hbm>>
      %dma_start3A_79 = arith.constant 0 : i32
      %dma_start3A_80 = tpu.memref_slice %arg4[%mul3A_6, %dma_start3A_79] : memref<4000x80xi32, #tpu.memory_space<hbm>> -> memref<125x80xi32, #tpu.memory_space<hbm>>
      tpu.enqueue_dma source(%dma_start3A_80 : memref<125x80xi32, #tpu.memory_space<hbm>>) target(%arg8 : memref<125x80xi32, #tpu.memory_space<vmem>>) target_semaphore(%run_scoped3A : memref<!tpu.dma_semaphore, #tpu.memory_space<semaphore_mem>>)
      %dma_wait3A_81 = arith.constant 0 : i32
      %dma_wait3A_82 = tpu.memref_slice %arg4[%mul3A_6, %dma_wait3A_81] : memref<4000x80xi32, #tpu.memory_space<hbm>> -> memref<125x80xi32, #tpu.memory_space<hbm>>
      %dma_wait3A_83 = arith.constant 0 : i32
      %dma_wait3A_84 = tpu.memref_slice %arg4[%mul3A_6, %dma_wait3A_83] : memref<4000x80xi32, #tpu.memory_space<hbm>> -> memref<125x80xi32, #tpu.memory_space<hbm>>
      tpu.wait_dma2 semaphore(%run_scoped3A : memref<!tpu.dma_semaphore, #tpu.memory_space<semaphore_mem>>) src(%dma_wait3A_84 : memref<125x80xi32, #tpu.memory_space<hbm>>) dst(%arg8 : memref<125x80xi32, #tpu.memory_space<vmem>>)
      tpu.yield
    }) : () -> ()
    "tpu.region"() ({
      %run_scoped3A = tpu.sem_alloc : memref<!tpu.dma_semaphore, #tpu.memory_space<semaphore_mem>>
      %dma_start3A = arith.constant 0 : i32
      %dma_start3A_78 = tpu.memref_slice %arg5[%mul3A_6, %dma_start3A] : memref<4000x80xi32, #tpu.memory_space<hbm>> -> memref<25x80xi32, #tpu.memory_space<hbm>>
      %dma_start3A_79 = arith.constant 0 : i32
      %dma_start3A_80 = tpu.memref_slice %arg5[%mul3A_6, %dma_start3A_79] : memref<4000x80xi32, #tpu.memory_space<hbm>> -> memref<25x80xi32, #tpu.memory_space<hbm>>
      tpu.enqueue_dma source(%dma_start3A_80 : memref<25x80xi32, #tpu.memory_space<hbm>>) target(%arg9 : memref<25x80xi32, #tpu.memory_space<vmem>>) target_semaphore(%run_scoped3A : memref<!tpu.dma_semaphore, #tpu.memory_space<semaphore_mem>>)
      %dma_wait3A_81 = arith.constant 0 : i32
      %dma_wait3A_82 = tpu.memref_slice %arg5[%mul3A_6, %dma_wait3A_81] : memref<4000x80xi32, #tpu.memory_space<hbm>> -> memref<25x80xi32, #tpu.memory_space<hbm>>
      %dma_wait3A_83 = arith.constant 0 : i32
      %dma_wait3A_84 = tpu.memref_slice %arg5[%mul3A_6, %dma_wait3A_83] : memref<4000x80xi32, #tpu.memory_space<hbm>> -> memref<25x80xi32, #tpu.memory_space<hbm>>
      tpu.wait_dma2 semaphore(%run_scoped3A : memref<!tpu.dma_semaphore, #tpu.memory_space<semaphore_mem>>) src(%dma_wait3A_84 : memref<25x80xi32, #tpu.memory_space<hbm>>) dst(%arg9 : memref<25x80xi32, #tpu.memory_space<vmem>>)
      tpu.yield
    }) : () -> ()
    %scan3A_7 = arith.constant 0 : i32
    %scan3A_8 = arith.constant 0 : i32
    %scan3A_9 = arith.constant 8 : i32
    %scan3A_10 = arith.addi %scan3A_8, %scan3A_9 : i32
    %scan3A_11 = arith.constant 1 : i32
    scf.for %scan3A_78 = %scan3A_8 to %scan3A_10 step %scan3A_11  : i32 {
      %mul3A_79 = arith.constant 16 : i32
      %mul3A_80 = arith.muli %scan3A_78, %mul3A_79 : i32
      %add3A = arith.addi %mul3A_80, %arg1 : i32
      %lt3A = arith.constant 125 : i32
      %lt3A_81 = arith.cmpi slt, %add3A, %lt3A : i32
      %convert_element_type3A_82 = arith.extui %lt3A_81 : i1 to i32
      %cond3A_83 = arith.constant 0 : i32
      %cond3A_84 = arith.cmpi ne, %convert_element_type3A_82, %cond3A_83 : i32
      scf.if %cond3A_84 {
        %mul3A_85 = arith.constant 80 : i32
        %mul3A_86 = arith.muli %add3A, %mul3A_85 : i32
        %multiple_of3A = tpu.assume_multiple %mul3A_86, 8 : i32
        %dma_start3A = arith.constant 0 : i32
        %dma_start3A_87 = tpu.memref_slice %arg7[%multiple_of3A, %dma_start3A] : memref<10000x112xf32, #tpu.memory_space<vmem_shared>> -> memref<80x112xf32, #tpu.memory_space<vmem_shared>>
        %dma_start3A_88 = arith.constant 0 : i32
        %dma_start3A_89 = tpu.memref_slice %arg7[%multiple_of3A, %dma_start3A_88] : memref<10000x112xf32, #tpu.memory_space<vmem_shared>> -> memref<80x112xf32, #tpu.memory_space<vmem_shared>>
        tpu.enqueue_dma source(%arg11 : memref<80x112xf32, #tpu.memory_space<vmem>>) target(%dma_start3A_89 : memref<80x112xf32, #tpu.memory_space<vmem_shared>>) target_semaphore(%arg16 : memref<!tpu.dma_semaphore, #tpu.memory_space<semaphore_mem>>)
      } else {
      }
    }
    %scan3A_12 = arith.constant 8 : i32
    %scan3A_13 = arith.constant 0 : i32
    %scan3A_14 = arith.constant 0 : i32
    %scan3A_15 = arith.constant 8 : i32
    %scan3A_16 = arith.addi %scan3A_14, %scan3A_15 : i32
    %scan3A_17 = arith.constant 1 : i32
    scf.for %scan3A_78 = %scan3A_14 to %scan3A_16 step %scan3A_17  : i32 {
      %mul3A_79 = arith.constant 16 : i32
      %mul3A_80 = arith.muli %scan3A_78, %mul3A_79 : i32
      %add3A = arith.addi %mul3A_80, %arg1 : i32
      %lt3A = arith.constant 125 : i32
      %lt3A_81 = arith.cmpi slt, %add3A, %lt3A : i32
      %convert_element_type3A_82 = arith.extui %lt3A_81 : i1 to i32
      %cond3A_83 = arith.constant 0 : i32
      %cond3A_84 = arith.cmpi ne, %convert_element_type3A_82, %cond3A_83 : i32
      scf.if %cond3A_84 {
        %mul3A_85 = arith.constant 80 : i32
        %mul3A_86 = arith.muli %add3A, %mul3A_85 : i32
        %multiple_of3A = tpu.assume_multiple %mul3A_86, 8 : i32
        %dma_wait3A_87 = arith.constant 0 : i32
        %dma_wait3A_88 = tpu.memref_slice %arg7[%multiple_of3A, %dma_wait3A_87] : memref<10000x112xf32, #tpu.memory_space<vmem_shared>> -> memref<80x112xf32, #tpu.memory_space<vmem_shared>>
        %dma_wait3A_89 = arith.constant 0 : i32
        %dma_wait3A_90 = tpu.memref_slice %arg7[%multiple_of3A, %dma_wait3A_89] : memref<10000x112xf32, #tpu.memory_space<vmem_shared>> -> memref<80x112xf32, #tpu.memory_space<vmem_shared>>
        tpu.wait_dma2 semaphore(%arg16 : memref<!tpu.dma_semaphore, #tpu.memory_space<semaphore_mem>>) src(%arg11 : memref<80x112xf32, #tpu.memory_space<vmem>>) dst(%dma_wait3A_90 : memref<80x112xf32, #tpu.memory_space<vmem_shared>>)
      } else {
      }
    }
    %scan3A_18 = arith.constant 8 : i32
    %barrier3A = arith.constant 0 : index
    tpu.barrier barrier_id(%barrier3A)
    %eq3A = arith.constant 0 : i32
    %eq3A_19 = arith.cmpi eq, %arg0, %eq3A : i32
    %convert_element_type3A = arith.extui %eq3A_19 : i1 to i32
    %cond3A = arith.constant 0 : i32
    %cond3A_20 = arith.cmpi ne, %convert_element_type3A, %cond3A : i32
    scf.if %cond3A_20 {
      %dma_start3A = arith.constant 0 : i32
      %dma_start3A_78 = arith.constant 0 : i32
      %dma_start3A_79 = tpu.memref_slice %arg8[%dma_start3A, %dma_start3A_78] : memref<125x80xi32, #tpu.memory_space<vmem>> -> memref<1x80xi32, #tpu.memory_space<vmem>>
      %dma_start3A_80 = tpu.memref_squeeze %dma_start3A_79 : memref<1x80xi32, #tpu.memory_space<vmem>> -> memref<80xi32, #tpu.memory_space<vmem>>
      %dma_start3A_81 = arith.constant 0 : i32
      %dma_start3A_82 = arith.constant 0 : i32
      %dma_start3A_83 = tpu.memref_slice %arg2[%dma_start3A_81, %dma_start3A_82] : memref<10000x112xf32, #tpu.memory_space<hbm>> -> memref<10000x112xf32, #tpu.memory_space<hbm>>
      tpu.enqueue_indirect_dma source(%dma_start3A_83 : memref<10000x112xf32, #tpu.memory_space<hbm>>) target(%arg11 : memref<80x112xf32, #tpu.memory_space<vmem>>) offsets(%dma_start3A_80 : memref<80xi32, #tpu.memory_space<vmem>>) semaphore(%arg16 : memref<!tpu.dma_semaphore, #tpu.memory_space<semaphore_mem>>)
    } else {
    }
    %eq3A_21 = arith.constant 1 : i32
    %eq3A_22 = arith.cmpi eq, %arg0, %eq3A_21 : i32
    %convert_element_type3A_23 = arith.extui %eq3A_22 : i1 to i32
    %cond3A_24 = arith.constant 0 : i32
    %cond3A_25 = arith.cmpi ne, %convert_element_type3A_23, %cond3A_24 : i32
    scf.if %cond3A_25 {
      %dma_start3A = arith.constant 0 : i32
      %dma_start3A_78 = arith.constant 0 : i32
      %dma_start3A_79 = tpu.memref_slice %arg8[%dma_start3A, %dma_start3A_78] : memref<125x80xi32, #tpu.memory_space<vmem>> -> memref<1x80xi32, #tpu.memory_space<vmem>>
      %dma_start3A_80 = tpu.memref_squeeze %dma_start3A_79 : memref<1x80xi32, #tpu.memory_space<vmem>> -> memref<80xi32, #tpu.memory_space<vmem>>
      %dma_start3A_81 = arith.constant 0 : i32
      %dma_start3A_82 = arith.constant 0 : i32
      %dma_start3A_83 = tpu.memref_slice %arg3[%dma_start3A_81, %dma_start3A_82] : memref<10000x112xf32, #tpu.memory_space<hbm>> -> memref<10000x112xf32, #tpu.memory_space<hbm>>
      tpu.enqueue_indirect_dma source(%dma_start3A_83 : memref<10000x112xf32, #tpu.memory_space<hbm>>) target(%arg11 : memref<80x112xf32, #tpu.memory_space<vmem>>) offsets(%dma_start3A_80 : memref<80xi32, #tpu.memory_space<vmem>>) semaphore(%arg16 : memref<!tpu.dma_semaphore, #tpu.memory_space<semaphore_mem>>)
    } else {
    }
    %eq3A_26 = arith.constant 0 : i32
    %eq3A_27 = arith.cmpi eq, %arg0, %eq3A_26 : i32
    %convert_element_type3A_28 = arith.extui %eq3A_27 : i1 to i32
    %cond3A_29 = arith.constant 0 : i32
    %cond3A_30 = arith.cmpi ne, %convert_element_type3A_28, %cond3A_29 : i32
    scf.if %cond3A_30 {
      %dma_start3A = arith.constant 1 : i32
      %dma_start3A_78 = arith.constant 0 : i32
      %dma_start3A_79 = tpu.memref_slice %arg8[%dma_start3A, %dma_start3A_78] : memref<125x80xi32, #tpu.memory_space<vmem>> -> memref<1x80xi32, #tpu.memory_space<vmem>>
      %dma_start3A_80 = tpu.memref_squeeze %dma_start3A_79 : memref<1x80xi32, #tpu.memory_space<vmem>> -> memref<80xi32, #tpu.memory_space<vmem>>
      %dma_start3A_81 = arith.constant 0 : i32
      %dma_start3A_82 = arith.constant 0 : i32
      %dma_start3A_83 = tpu.memref_slice %arg2[%dma_start3A_81, %dma_start3A_82] : memref<10000x112xf32, #tpu.memory_space<hbm>> -> memref<10000x112xf32, #tpu.memory_space<hbm>>
      tpu.enqueue_indirect_dma source(%dma_start3A_83 : memref<10000x112xf32, #tpu.memory_space<hbm>>) target(%arg12 : memref<80x112xf32, #tpu.memory_space<vmem>>) offsets(%dma_start3A_80 : memref<80xi32, #tpu.memory_space<vmem>>) semaphore(%arg17 : memref<!tpu.dma_semaphore, #tpu.memory_space<semaphore_mem>>)
    } else {
    }
    %eq3A_31 = arith.constant 1 : i32
    %eq3A_32 = arith.cmpi eq, %arg0, %eq3A_31 : i32
    %convert_element_type3A_33 = arith.extui %eq3A_32 : i1 to i32
    %cond3A_34 = arith.constant 0 : i32
    %cond3A_35 = arith.cmpi ne, %convert_element_type3A_33, %cond3A_34 : i32
    scf.if %cond3A_35 {
      %dma_start3A = arith.constant 1 : i32
      %dma_start3A_78 = arith.constant 0 : i32
      %dma_start3A_79 = tpu.memref_slice %arg8[%dma_start3A, %dma_start3A_78] : memref<125x80xi32, #tpu.memory_space<vmem>> -> memref<1x80xi32, #tpu.memory_space<vmem>>
      %dma_start3A_80 = tpu.memref_squeeze %dma_start3A_79 : memref<1x80xi32, #tpu.memory_space<vmem>> -> memref<80xi32, #tpu.memory_space<vmem>>
      %dma_start3A_81 = arith.constant 0 : i32
      %dma_start3A_82 = arith.constant 0 : i32
      %dma_start3A_83 = tpu.memref_slice %arg3[%dma_start3A_81, %dma_start3A_82] : memref<10000x112xf32, #tpu.memory_space<hbm>> -> memref<10000x112xf32, #tpu.memory_space<hbm>>
      tpu.enqueue_indirect_dma source(%dma_start3A_83 : memref<10000x112xf32, #tpu.memory_space<hbm>>) target(%arg12 : memref<80x112xf32, #tpu.memory_space<vmem>>) offsets(%dma_start3A_80 : memref<80xi32, #tpu.memory_space<vmem>>) semaphore(%arg17 : memref<!tpu.dma_semaphore, #tpu.memory_space<semaphore_mem>>)
    } else {
    }
    %eq3A_36 = arith.constant 0 : i32
    %eq3A_37 = arith.cmpi eq, %arg0, %eq3A_36 : i32
    %convert_element_type3A_38 = arith.extui %eq3A_37 : i1 to i32
    %cond3A_39 = arith.constant 0 : i32
    %cond3A_40 = arith.cmpi ne, %convert_element_type3A_38, %cond3A_39 : i32
    scf.if %cond3A_40 {
      %dma_start3A = arith.constant 2 : i32
      %dma_start3A_78 = arith.constant 0 : i32
      %dma_start3A_79 = tpu.memref_slice %arg8[%dma_start3A, %dma_start3A_78] : memref<125x80xi32, #tpu.memory_space<vmem>> -> memref<1x80xi32, #tpu.memory_space<vmem>>
      %dma_start3A_80 = tpu.memref_squeeze %dma_start3A_79 : memref<1x80xi32, #tpu.memory_space<vmem>> -> memref<80xi32, #tpu.memory_space<vmem>>
      %dma_start3A_81 = arith.constant 0 : i32
      %dma_start3A_82 = arith.constant 0 : i32
      %dma_start3A_83 = tpu.memref_slice %arg2[%dma_start3A_81, %dma_start3A_82] : memref<10000x112xf32, #tpu.memory_space<hbm>> -> memref<10000x112xf32, #tpu.memory_space<hbm>>
      tpu.enqueue_indirect_dma source(%dma_start3A_83 : memref<10000x112xf32, #tpu.memory_space<hbm>>) target(%arg13 : memref<80x112xf32, #tpu.memory_space<vmem>>) offsets(%dma_start3A_80 : memref<80xi32, #tpu.memory_space<vmem>>) semaphore(%arg18 : memref<!tpu.dma_semaphore, #tpu.memory_space<semaphore_mem>>)
    } else {
    }
    %eq3A_41 = arith.constant 1 : i32
    %eq3A_42 = arith.cmpi eq, %arg0, %eq3A_41 : i32
    %convert_element_type3A_43 = arith.extui %eq3A_42 : i1 to i32
    %cond3A_44 = arith.constant 0 : i32
    %cond3A_45 = arith.cmpi ne, %convert_element_type3A_43, %cond3A_44 : i32
    scf.if %cond3A_45 {
      %dma_start3A = arith.constant 2 : i32
      %dma_start3A_78 = arith.constant 0 : i32
      %dma_start3A_79 = tpu.memref_slice %arg8[%dma_start3A, %dma_start3A_78] : memref<125x80xi32, #tpu.memory_space<vmem>> -> memref<1x80xi32, #tpu.memory_space<vmem>>
      %dma_start3A_80 = tpu.memref_squeeze %dma_start3A_79 : memref<1x80xi32, #tpu.memory_space<vmem>> -> memref<80xi32, #tpu.memory_space<vmem>>
      %dma_start3A_81 = arith.constant 0 : i32
      %dma_start3A_82 = arith.constant 0 : i32
      %dma_start3A_83 = tpu.memref_slice %arg3[%dma_start3A_81, %dma_start3A_82] : memref<10000x112xf32, #tpu.memory_space<hbm>> -> memref<10000x112xf32, #tpu.memory_space<hbm>>
      tpu.enqueue_indirect_dma source(%dma_start3A_83 : memref<10000x112xf32, #tpu.memory_space<hbm>>) target(%arg13 : memref<80x112xf32, #tpu.memory_space<vmem>>) offsets(%dma_start3A_80 : memref<80xi32, #tpu.memory_space<vmem>>) semaphore(%arg18 : memref<!tpu.dma_semaphore, #tpu.memory_space<semaphore_mem>>)
    } else {
    }
    %scan3A_46 = arith.constant 0 : i32
    %scan3A_47 = arith.constant 0 : i32
    %scan3A_48 = arith.constant 50 : i32
    %scan3A_49 = arith.addi %scan3A_47, %scan3A_48 : i32
    %scan3A_50 = arith.constant 1 : i32
    scf.for %scan3A_78 = %scan3A_47 to %scan3A_49 step %scan3A_50  : i32 {
      %mul3A_79 = arith.constant 5 : i32
      %mul3A_80 = arith.muli %scan3A_78, %mul3A_79 : i32
      %add3A = arith.constant 0 : i32
      %add3A_81 = arith.addi %mul3A_80, %add3A : i32
      %jit3A = arith.constant 25 : i32
      %div3A = arith.divsi %add3A_81, %jit3A : i32
      %sign3A = arith.constant 0 : i32
      %sign3A_82 = arith.cmpi sgt, %add3A_81, %sign3A : i32
      %sign3A_83 = arith.extui %sign3A_82 : i1 to i32
      %sign3A_84 = arith.constant 0 : i32
      %sign3A_85 = arith.cmpi slt, %add3A_81, %sign3A_84 : i32
      %sign3A_86 = arith.extui %sign3A_85 : i1 to i32
      %sign3A_87 = arith.subi %sign3A_83, %sign3A_86 : i32
      %sign3A_88 = arith.constant 0 : i32
      %sign3A_89 = arith.cmpi sgt, %jit3A, %sign3A_88 : i32
      %sign3A_90 = arith.extui %sign3A_89 : i1 to i32
      %sign3A_91 = arith.constant 0 : i32
      %sign3A_92 = arith.cmpi slt, %jit3A, %sign3A_91 : i32
      %sign3A_93 = arith.extui %sign3A_92 : i1 to i32
      %sign3A_94 = arith.subi %sign3A_90, %sign3A_93 : i32
      %ne3A = arith.cmpi ne, %sign3A_87, %sign3A_94 : i32
      %rem3A = arith.remsi %add3A_81, %jit3A : i32
      %ne3A_95 = arith.constant 0 : i32
      %ne3A_96 = arith.cmpi ne, %rem3A, %ne3A_95 : i32
      %and3A = arith.andi %ne3A, %ne3A_96 : i1
      %sub3A = arith.constant 1 : i32
      %sub3A_97 = arith.subi %div3A, %sub3A : i32
      %select_n3A = arith.select %and3A, %sub3A_97, %div3A : i32
      %jit3A_98 = arith.constant 2 : i32
      %eq3A_99 = arith.constant 0 : i32
      %eq3A_100 = arith.cmpi eq, %jit3A_98, %eq3A_99 : i32
      %jit3A_101 = arith.constant 1 : i32
      %select_n3A_102 = arith.select %eq3A_100, %jit3A_101, %jit3A_98 : i32
      %rem3A_103 = arith.remsi %select_n3A, %select_n3A_102 : i32
      %ne3A_104 = arith.constant 0 : i32
      %ne3A_105 = arith.cmpi ne, %rem3A_103, %ne3A_104 : i32
      %lt3A = arith.constant 0 : i32
      %lt3A_106 = arith.cmpi slt, %rem3A_103, %lt3A : i32
      %lt3A_107 = arith.constant 0 : i32
      %lt3A_108 = arith.cmpi slt, %select_n3A_102, %lt3A_107 : i32
      %ne3A_109 = arith.xori %lt3A_106, %lt3A_108 : i1
      %and3A_110 = arith.andi %ne3A_109, %ne3A_105 : i1
      %add3A_111 = arith.addi %rem3A_103, %select_n3A_102 : i32
      %select_n3A_112 = arith.select %and3A_110, %add3A_111, %rem3A_103 : i32
      %jit3A_113 = arith.constant 25 : i32
      %eq3A_114 = arith.constant 0 : i32
      %eq3A_115 = arith.cmpi eq, %jit3A_113, %eq3A_114 : i32
      %jit3A_116 = arith.constant 1 : i32
      %select_n3A_117 = arith.select %eq3A_115, %jit3A_116, %jit3A_113 : i32
      %rem3A_118 = arith.remsi %add3A_81, %select_n3A_117 : i32
      %ne3A_119 = arith.constant 0 : i32
      %ne3A_120 = arith.cmpi ne, %rem3A_118, %ne3A_119 : i32
      %lt3A_121 = arith.constant 0 : i32
      %lt3A_122 = arith.cmpi slt, %rem3A_118, %lt3A_121 : i32
      %lt3A_123 = arith.constant 0 : i32
      %lt3A_124 = arith.cmpi slt, %select_n3A_117, %lt3A_123 : i32
      %ne3A_125 = arith.xori %lt3A_122, %lt3A_124 : i1
      %and3A_126 = arith.andi %ne3A_125, %ne3A_120 : i1
      %add3A_127 = arith.addi %rem3A_118, %select_n3A_117 : i32
      %select_n3A_128 = arith.select %and3A_126, %add3A_127, %rem3A_118 : i32
      %eq3A_129 = arith.constant 0 : i32
      %eq3A_130 = arith.cmpi eq, %select_n3A_128, %eq3A_129 : i32
      %gt3A = arith.constant 0 : i32
      %gt3A_131 = arith.cmpi sgt, %add3A_81, %gt3A : i32
      %and3A_132 = arith.andi %eq3A_130, %gt3A_131 : i1
      %eq3A_133 = arith.constant 0 : i32
      %eq3A_134 = arith.cmpi eq, %select_n3A_112, %eq3A_133 : i32
      %and3A_135 = arith.andi %and3A_132, %eq3A_134 : i1
      %convert_element_type3A_136 = arith.extui %and3A_135 : i1 to i32
      %cond3A_137 = arith.constant 0 : i32
      %cond3A_138 = arith.cmpi ne, %convert_element_type3A_136, %cond3A_137 : i32
      scf.if %cond3A_138 {
        %add3A_629 = arith.addi %mul3A_6, %add3A_81 : i32
        %dma_wait3A_630 = arith.constant 0 : i32
        %dma_wait3A_631 = tpu.memref_slice %arg5[%add3A_629, %dma_wait3A_630] : memref<4000x80xi32, #tpu.memory_space<hbm>> -> memref<25x80xi32, #tpu.memory_space<hbm>>
        %dma_wait3A_632 = arith.constant 0 : i32
        %dma_wait3A_633 = tpu.memref_slice %arg5[%add3A_629, %dma_wait3A_632] : memref<4000x80xi32, #tpu.memory_space<hbm>> -> memref<25x80xi32, #tpu.memory_space<hbm>>
        tpu.wait_dma2 semaphore(%arg26 : memref<!tpu.dma_semaphore, #tpu.memory_space<semaphore_mem>>) src(%dma_wait3A_633 : memref<25x80xi32, #tpu.memory_space<hbm>>) dst(%arg9 : memref<25x80xi32, #tpu.memory_space<vmem>>)
      } else {
      }
      %jit3A_139 = arith.constant 25 : i32
      %eq3A_140 = arith.constant 0 : i32
      %eq3A_141 = arith.cmpi eq, %jit3A_139, %eq3A_140 : i32
      %jit3A_142 = arith.constant 1 : i32
      %select_n3A_143 = arith.select %eq3A_141, %jit3A_142, %jit3A_139 : i32
      %rem3A_144 = arith.remsi %add3A_81, %select_n3A_143 : i32
      %ne3A_145 = arith.constant 0 : i32
      %ne3A_146 = arith.cmpi ne, %rem3A_144, %ne3A_145 : i32
      %lt3A_147 = arith.constant 0 : i32
      %lt3A_148 = arith.cmpi slt, %rem3A_144, %lt3A_147 : i32
      %lt3A_149 = arith.constant 0 : i32
      %lt3A_150 = arith.cmpi slt, %select_n3A_143, %lt3A_149 : i32
      %ne3A_151 = arith.xori %lt3A_148, %lt3A_150 : i1
      %and3A_152 = arith.andi %ne3A_151, %ne3A_146 : i1
      %add3A_153 = arith.addi %rem3A_144, %select_n3A_143 : i32
      %select_n3A_154 = arith.select %and3A_152, %add3A_153, %rem3A_144 : i32
      %eq3A_155 = arith.constant 0 : i32
      %eq3A_156 = arith.cmpi eq, %select_n3A_154, %eq3A_155 : i32
      %gt3A_157 = arith.constant 0 : i32
      %gt3A_158 = arith.cmpi sgt, %add3A_81, %gt3A_157 : i32
      %and3A_159 = arith.andi %eq3A_156, %gt3A_158 : i1
      %eq3A_160 = arith.constant 1 : i32
      %eq3A_161 = arith.cmpi eq, %select_n3A_112, %eq3A_160 : i32
      %and3A_162 = arith.andi %and3A_159, %eq3A_161 : i1
      %convert_element_type3A_163 = arith.extui %and3A_162 : i1 to i32
      %cond3A_164 = arith.constant 0 : i32
      %cond3A_165 = arith.cmpi ne, %convert_element_type3A_163, %cond3A_164 : i32
      scf.if %cond3A_165 {
        %add3A_629 = arith.addi %mul3A_6, %add3A_81 : i32
        %dma_wait3A_630 = arith.constant 0 : i32
        %dma_wait3A_631 = tpu.memref_slice %arg5[%add3A_629, %dma_wait3A_630] : memref<4000x80xi32, #tpu.memory_space<hbm>> -> memref<25x80xi32, #tpu.memory_space<hbm>>
        %dma_wait3A_632 = arith.constant 0 : i32
        %dma_wait3A_633 = tpu.memref_slice %arg5[%add3A_629, %dma_wait3A_632] : memref<4000x80xi32, #tpu.memory_space<hbm>> -> memref<25x80xi32, #tpu.memory_space<hbm>>
        tpu.wait_dma2 semaphore(%arg26 : memref<!tpu.dma_semaphore, #tpu.memory_space<semaphore_mem>>) src(%dma_wait3A_633 : memref<25x80xi32, #tpu.memory_space<hbm>>) dst(%arg10 : memref<25x80xi32, #tpu.memory_space<vmem>>)
      } else {
      }
      %ge3A = arith.constant 2 : i32
      %ge3A_166 = arith.cmpi sge, %add3A_81, %ge3A : i32
      %convert_element_type3A_167 = arith.extui %ge3A_166 : i1 to i32
      %cond3A_168 = arith.constant 0 : i32
      %cond3A_169 = arith.cmpi ne, %convert_element_type3A_167, %cond3A_168 : i32
      scf.if %cond3A_169 {
        %sub3A_629 = arith.constant 2 : i32
        %sub3A_630 = arith.subi %add3A_81, %sub3A_629 : i32
        %jit3A_631 = arith.constant 25 : i32
        %div3A_632 = arith.divsi %sub3A_630, %jit3A_631 : i32
        %sign3A_633 = arith.constant 0 : i32
        %sign3A_634 = arith.cmpi sgt, %sub3A_630, %sign3A_633 : i32
        %sign3A_635 = arith.extui %sign3A_634 : i1 to i32
        %sign3A_636 = arith.constant 0 : i32
        %sign3A_637 = arith.cmpi slt, %sub3A_630, %sign3A_636 : i32
        %sign3A_638 = arith.extui %sign3A_637 : i1 to i32
        %sign3A_639 = arith.subi %sign3A_635, %sign3A_638 : i32
        %sign3A_640 = arith.constant 0 : i32
        %sign3A_641 = arith.cmpi sgt, %jit3A_631, %sign3A_640 : i32
        %sign3A_642 = arith.extui %sign3A_641 : i1 to i32
        %sign3A_643 = arith.constant 0 : i32
        %sign3A_644 = arith.cmpi slt, %jit3A_631, %sign3A_643 : i32
        %sign3A_645 = arith.extui %sign3A_644 : i1 to i32
        %sign3A_646 = arith.subi %sign3A_642, %sign3A_645 : i32
        %ne3A_647 = arith.cmpi ne, %sign3A_639, %sign3A_646 : i32
        %rem3A_648 = arith.remsi %sub3A_630, %jit3A_631 : i32
        %ne3A_649 = arith.constant 0 : i32
        %ne3A_650 = arith.cmpi ne, %rem3A_648, %ne3A_649 : i32
        %and3A_651 = arith.andi %ne3A_647, %ne3A_650 : i1
        %sub3A_652 = arith.constant 1 : i32
        %sub3A_653 = arith.subi %div3A_632, %sub3A_652 : i32
        %select_n3A_654 = arith.select %and3A_651, %sub3A_653, %div3A_632 : i32
        %jit3A_655 = arith.constant 2 : i32
        %eq3A_656 = arith.constant 0 : i32
        %eq3A_657 = arith.cmpi eq, %jit3A_655, %eq3A_656 : i32
        %jit3A_658 = arith.constant 1 : i32
        %select_n3A_659 = arith.select %eq3A_657, %jit3A_658, %jit3A_655 : i32
        %rem3A_660 = arith.remsi %select_n3A_654, %select_n3A_659 : i32
        %ne3A_661 = arith.constant 0 : i32
        %ne3A_662 = arith.cmpi ne, %rem3A_660, %ne3A_661 : i32
        %lt3A_663 = arith.constant 0 : i32
        %lt3A_664 = arith.cmpi slt, %rem3A_660, %lt3A_663 : i32
        %lt3A_665 = arith.constant 0 : i32
        %lt3A_666 = arith.cmpi slt, %select_n3A_659, %lt3A_665 : i32
        %ne3A_667 = arith.xori %lt3A_664, %lt3A_666 : i1
        %and3A_668 = arith.andi %ne3A_667, %ne3A_662 : i1
        %add3A_669 = arith.addi %rem3A_660, %select_n3A_659 : i32
        %select_n3A_670 = arith.select %and3A_668, %add3A_669, %rem3A_660 : i32
        %eq3A_671 = arith.constant 0 : i32
        %eq3A_672 = arith.cmpi eq, %select_n3A_670, %eq3A_671 : i32
        %convert_element_type3A_673 = arith.extui %eq3A_672 : i1 to i32
        %cond3A_674 = arith.constant 0 : i32
        %cond3A_675 = arith.cmpi ne, %convert_element_type3A_673, %cond3A_674 : i32
        scf.if %cond3A_675 {
          %jit3A_681 = arith.constant 25 : i32
          %eq3A_682 = arith.constant 0 : i32
          %eq3A_683 = arith.cmpi eq, %jit3A_681, %eq3A_682 : i32
          %jit3A_684 = arith.constant 1 : i32
          %select_n3A_685 = arith.select %eq3A_683, %jit3A_684, %jit3A_681 : i32
          %rem3A_686 = arith.remsi %sub3A_630, %select_n3A_685 : i32
          %ne3A_687 = arith.constant 0 : i32
          %ne3A_688 = arith.cmpi ne, %rem3A_686, %ne3A_687 : i32
          %lt3A_689 = arith.constant 0 : i32
          %lt3A_690 = arith.cmpi slt, %rem3A_686, %lt3A_689 : i32
          %lt3A_691 = arith.constant 0 : i32
          %lt3A_692 = arith.cmpi slt, %select_n3A_685, %lt3A_691 : i32
          %ne3A_693 = arith.xori %lt3A_690, %lt3A_692 : i1
          %and3A_694 = arith.andi %ne3A_693, %ne3A_688 : i1
          %add3A_695 = arith.addi %rem3A_686, %select_n3A_685 : i32
          %select_n3A_696 = arith.select %and3A_694, %add3A_695, %rem3A_686 : i32
          %dma_wait3A_697 = arith.constant 0 : i32
          %dma_wait3A_698 = tpu.memref_slice %arg9[%select_n3A_696, %dma_wait3A_697] : memref<25x80xi32, #tpu.memory_space<vmem>> -> memref<1x80xi32, #tpu.memory_space<vmem>>
          %dma_wait3A_699 = tpu.memref_squeeze %dma_wait3A_698 : memref<1x80xi32, #tpu.memory_space<vmem>> -> memref<80xi32, #tpu.memory_space<vmem>>
          %dma_wait3A_700 = arith.constant 0 : i32
          %dma_wait3A_701 = arith.constant 0 : i32
          %dma_wait3A_702 = tpu.memref_slice %arg7[%dma_wait3A_700, %dma_wait3A_701] : memref<10000x112xf32, #tpu.memory_space<vmem_shared>> -> memref<10000x112xf32, #tpu.memory_space<vmem_shared>>
          tpu.wait_indirect_dma semaphore(%arg24 : memref<!tpu.dma_semaphore, #tpu.memory_space<semaphore_mem>>) src(%arg14 : memref<80x112xf32, #tpu.memory_space<vmem>>) dst(%dma_wait3A_702 : memref<10000x112xf32, #tpu.memory_space<vmem_shared>>)
        } else {
        }
        %eq3A_676 = arith.constant 1 : i32
        %eq3A_677 = arith.cmpi eq, %select_n3A_670, %eq3A_676 : i32
        %convert_element_type3A_678 = arith.extui %eq3A_677 : i1 to i32
        %cond3A_679 = arith.constant 0 : i32
        %cond3A_680 = arith.cmpi ne, %convert_element_type3A_678, %cond3A_679 : i32
        scf.if %cond3A_680 {
          %jit3A_681 = arith.constant 25 : i32
          %eq3A_682 = arith.constant 0 : i32
          %eq3A_683 = arith.cmpi eq, %jit3A_681, %eq3A_682 : i32
          %jit3A_684 = arith.constant 1 : i32
          %select_n3A_685 = arith.select %eq3A_683, %jit3A_684, %jit3A_681 : i32
          %rem3A_686 = arith.remsi %sub3A_630, %select_n3A_685 : i32
          %ne3A_687 = arith.constant 0 : i32
          %ne3A_688 = arith.cmpi ne, %rem3A_686, %ne3A_687 : i32
          %lt3A_689 = arith.constant 0 : i32
          %lt3A_690 = arith.cmpi slt, %rem3A_686, %lt3A_689 : i32
          %lt3A_691 = arith.constant 0 : i32
          %lt3A_692 = arith.cmpi slt, %select_n3A_685, %lt3A_691 : i32
          %ne3A_693 = arith.xori %lt3A_690, %lt3A_692 : i1
          %and3A_694 = arith.andi %ne3A_693, %ne3A_688 : i1
          %add3A_695 = arith.addi %rem3A_686, %select_n3A_685 : i32
          %select_n3A_696 = arith.select %and3A_694, %add3A_695, %rem3A_686 : i32
          %dma_wait3A_697 = arith.constant 0 : i32
          %dma_wait3A_698 = tpu.memref_slice %arg10[%select_n3A_696, %dma_wait3A_697] : memref<25x80xi32, #tpu.memory_space<vmem>> -> memref<1x80xi32, #tpu.memory_space<vmem>>
          %dma_wait3A_699 = tpu.memref_squeeze %dma_wait3A_698 : memref<1x80xi32, #tpu.memory_space<vmem>> -> memref<80xi32, #tpu.memory_space<vmem>>
          %dma_wait3A_700 = arith.constant 0 : i32
          %dma_wait3A_701 = arith.constant 0 : i32
          %dma_wait3A_702 = tpu.memref_slice %arg7[%dma_wait3A_700, %dma_wait3A_701] : memref<10000x112xf32, #tpu.memory_space<vmem_shared>> -> memref<10000x112xf32, #tpu.memory_space<vmem_shared>>
          tpu.wait_indirect_dma semaphore(%arg24 : memref<!tpu.dma_semaphore, #tpu.memory_space<semaphore_mem>>) src(%arg14 : memref<80x112xf32, #tpu.memory_space<vmem>>) dst(%dma_wait3A_702 : memref<10000x112xf32, #tpu.memory_space<vmem_shared>>)
        } else {
        }
      } else {
      }
      %add3A_170 = arith.constant 3 : i32
      %add3A_171 = arith.addi %add3A_81, %add3A_170 : i32
      %lt3A_172 = arith.constant 250 : i32
      %lt3A_173 = arith.cmpi slt, %add3A_171, %lt3A_172 : i32
      %convert_element_type3A_174 = arith.extui %lt3A_173 : i1 to i32
      %cond3A_175 = arith.constant 0 : i32
      %cond3A_176 = arith.cmpi ne, %convert_element_type3A_174, %cond3A_175 : i32
      scf.if %cond3A_176 {
        %add3A_629 = arith.constant 3 : i32
        %add3A_630 = arith.addi %add3A_81, %add3A_629 : i32
        %eq3A_631 = arith.constant 0 : i32
        %eq3A_632 = arith.cmpi eq, %arg0, %eq3A_631 : i32
        %convert_element_type3A_633 = arith.extui %eq3A_632 : i1 to i32
        %cond3A_634 = arith.constant 0 : i32
        %cond3A_635 = arith.cmpi ne, %convert_element_type3A_633, %cond3A_634 : i32
        scf.if %cond3A_635 {
          %jit3A_641 = arith.constant 125 : i32
          %eq3A_642 = arith.constant 0 : i32
          %eq3A_643 = arith.cmpi eq, %jit3A_641, %eq3A_642 : i32
          %jit3A_644 = arith.constant 1 : i32
          %select_n3A_645 = arith.select %eq3A_643, %jit3A_644, %jit3A_641 : i32
          %rem3A_646 = arith.remsi %add3A_630, %select_n3A_645 : i32
          %ne3A_647 = arith.constant 0 : i32
          %ne3A_648 = arith.cmpi ne, %rem3A_646, %ne3A_647 : i32
          %lt3A_649 = arith.constant 0 : i32
          %lt3A_650 = arith.cmpi slt, %rem3A_646, %lt3A_649 : i32
          %lt3A_651 = arith.constant 0 : i32
          %lt3A_652 = arith.cmpi slt, %select_n3A_645, %lt3A_651 : i32
          %ne3A_653 = arith.xori %lt3A_650, %lt3A_652 : i1
          %and3A_654 = arith.andi %ne3A_653, %ne3A_648 : i1
          %add3A_655 = arith.addi %rem3A_646, %select_n3A_645 : i32
          %select_n3A_656 = arith.select %and3A_654, %add3A_655, %rem3A_646 : i32
          %dma_start3A = arith.constant 0 : i32
          %dma_start3A_657 = tpu.memref_slice %arg8[%select_n3A_656, %dma_start3A] : memref<125x80xi32, #tpu.memory_space<vmem>> -> memref<1x80xi32, #tpu.memory_space<vmem>>
          %dma_start3A_658 = tpu.memref_squeeze %dma_start3A_657 : memref<1x80xi32, #tpu.memory_space<vmem>> -> memref<80xi32, #tpu.memory_space<vmem>>
          %dma_start3A_659 = arith.constant 0 : i32
          %dma_start3A_660 = arith.constant 0 : i32
          %dma_start3A_661 = tpu.memref_slice %arg2[%dma_start3A_659, %dma_start3A_660] : memref<10000x112xf32, #tpu.memory_space<hbm>> -> memref<10000x112xf32, #tpu.memory_space<hbm>>
          tpu.enqueue_indirect_dma source(%dma_start3A_661 : memref<10000x112xf32, #tpu.memory_space<hbm>>) target(%arg14 : memref<80x112xf32, #tpu.memory_space<vmem>>) offsets(%dma_start3A_658 : memref<80xi32, #tpu.memory_space<vmem>>) semaphore(%arg19 : memref<!tpu.dma_semaphore, #tpu.memory_space<semaphore_mem>>)
        } else {
        }
        %eq3A_636 = arith.constant 1 : i32
        %eq3A_637 = arith.cmpi eq, %arg0, %eq3A_636 : i32
        %convert_element_type3A_638 = arith.extui %eq3A_637 : i1 to i32
        %cond3A_639 = arith.constant 0 : i32
        %cond3A_640 = arith.cmpi ne, %convert_element_type3A_638, %cond3A_639 : i32
        scf.if %cond3A_640 {
          %jit3A_641 = arith.constant 125 : i32
          %eq3A_642 = arith.constant 0 : i32
          %eq3A_643 = arith.cmpi eq, %jit3A_641, %eq3A_642 : i32
          %jit3A_644 = arith.constant 1 : i32
          %select_n3A_645 = arith.select %eq3A_643, %jit3A_644, %jit3A_641 : i32
          %rem3A_646 = arith.remsi %add3A_630, %select_n3A_645 : i32
          %ne3A_647 = arith.constant 0 : i32
          %ne3A_648 = arith.cmpi ne, %rem3A_646, %ne3A_647 : i32
          %lt3A_649 = arith.constant 0 : i32
          %lt3A_650 = arith.cmpi slt, %rem3A_646, %lt3A_649 : i32
          %lt3A_651 = arith.constant 0 : i32
          %lt3A_652 = arith.cmpi slt, %select_n3A_645, %lt3A_651 : i32
          %ne3A_653 = arith.xori %lt3A_650, %lt3A_652 : i1
          %and3A_654 = arith.andi %ne3A_653, %ne3A_648 : i1
          %add3A_655 = arith.addi %rem3A_646, %select_n3A_645 : i32
          %select_n3A_656 = arith.select %and3A_654, %add3A_655, %rem3A_646 : i32
          %dma_start3A = arith.constant 0 : i32
          %dma_start3A_657 = tpu.memref_slice %arg8[%select_n3A_656, %dma_start3A] : memref<125x80xi32, #tpu.memory_space<vmem>> -> memref<1x80xi32, #tpu.memory_space<vmem>>
          %dma_start3A_658 = tpu.memref_squeeze %dma_start3A_657 : memref<1x80xi32, #tpu.memory_space<vmem>> -> memref<80xi32, #tpu.memory_space<vmem>>
          %dma_start3A_659 = arith.constant 0 : i32
          %dma_start3A_660 = arith.constant 0 : i32
          %dma_start3A_661 = tpu.memref_slice %arg3[%dma_start3A_659, %dma_start3A_660] : memref<10000x112xf32, #tpu.memory_space<hbm>> -> memref<10000x112xf32, #tpu.memory_space<hbm>>
          tpu.enqueue_indirect_dma source(%dma_start3A_661 : memref<10000x112xf32, #tpu.memory_space<hbm>>) target(%arg14 : memref<80x112xf32, #tpu.memory_space<vmem>>) offsets(%dma_start3A_658 : memref<80xi32, #tpu.memory_space<vmem>>) semaphore(%arg19 : memref<!tpu.dma_semaphore, #tpu.memory_space<semaphore_mem>>)
        } else {
        }
      } else {
      }
      %eq3A_177 = arith.constant 0 : i32
      %eq3A_178 = arith.cmpi eq, %arg0, %eq3A_177 : i32
      %convert_element_type3A_179 = arith.extui %eq3A_178 : i1 to i32
      %cond3A_180 = arith.constant 0 : i32
      %cond3A_181 = arith.cmpi ne, %convert_element_type3A_179, %cond3A_180 : i32
      scf.if %cond3A_181 {
        %jit3A_629 = arith.constant 125 : i32
        %eq3A_630 = arith.constant 0 : i32
        %eq3A_631 = arith.cmpi eq, %jit3A_629, %eq3A_630 : i32
        %jit3A_632 = arith.constant 1 : i32
        %select_n3A_633 = arith.select %eq3A_631, %jit3A_632, %jit3A_629 : i32
        %rem3A_634 = arith.remsi %add3A_81, %select_n3A_633 : i32
        %ne3A_635 = arith.constant 0 : i32
        %ne3A_636 = arith.cmpi ne, %rem3A_634, %ne3A_635 : i32
        %lt3A_637 = arith.constant 0 : i32
        %lt3A_638 = arith.cmpi slt, %rem3A_634, %lt3A_637 : i32
        %lt3A_639 = arith.constant 0 : i32
        %lt3A_640 = arith.cmpi slt, %select_n3A_633, %lt3A_639 : i32
        %ne3A_641 = arith.xori %lt3A_638, %lt3A_640 : i1
        %and3A_642 = arith.andi %ne3A_641, %ne3A_636 : i1
        %add3A_643 = arith.addi %rem3A_634, %select_n3A_633 : i32
        %select_n3A_644 = arith.select %and3A_642, %add3A_643, %rem3A_634 : i32
        %dma_wait3A_645 = arith.constant 0 : i32
        %dma_wait3A_646 = tpu.memref_slice %arg8[%select_n3A_644, %dma_wait3A_645] : memref<125x80xi32, #tpu.memory_space<vmem>> -> memref<1x80xi32, #tpu.memory_space<vmem>>
        %dma_wait3A_647 = tpu.memref_squeeze %dma_wait3A_646 : memref<1x80xi32, #tpu.memory_space<vmem>> -> memref<80xi32, #tpu.memory_space<vmem>>
        %dma_wait3A_648 = arith.constant 0 : i32
        %dma_wait3A_649 = arith.constant 0 : i32
        %dma_wait3A_650 = tpu.memref_slice %arg2[%dma_wait3A_648, %dma_wait3A_649] : memref<10000x112xf32, #tpu.memory_space<hbm>> -> memref<10000x112xf32, #tpu.memory_space<hbm>>
        tpu.wait_indirect_dma semaphore(%arg16 : memref<!tpu.dma_semaphore, #tpu.memory_space<semaphore_mem>>) src(%dma_wait3A_650 : memref<10000x112xf32, #tpu.memory_space<hbm>>) dst(%arg11 : memref<80x112xf32, #tpu.memory_space<vmem>>)
      } else {
      }
      %eq3A_182 = arith.constant 1 : i32
      %eq3A_183 = arith.cmpi eq, %arg0, %eq3A_182 : i32
      %convert_element_type3A_184 = arith.extui %eq3A_183 : i1 to i32
      %cond3A_185 = arith.constant 0 : i32
      %cond3A_186 = arith.cmpi ne, %convert_element_type3A_184, %cond3A_185 : i32
      scf.if %cond3A_186 {
        %jit3A_629 = arith.constant 125 : i32
        %eq3A_630 = arith.constant 0 : i32
        %eq3A_631 = arith.cmpi eq, %jit3A_629, %eq3A_630 : i32
        %jit3A_632 = arith.constant 1 : i32
        %select_n3A_633 = arith.select %eq3A_631, %jit3A_632, %jit3A_629 : i32
        %rem3A_634 = arith.remsi %add3A_81, %select_n3A_633 : i32
        %ne3A_635 = arith.constant 0 : i32
        %ne3A_636 = arith.cmpi ne, %rem3A_634, %ne3A_635 : i32
        %lt3A_637 = arith.constant 0 : i32
        %lt3A_638 = arith.cmpi slt, %rem3A_634, %lt3A_637 : i32
        %lt3A_639 = arith.constant 0 : i32
        %lt3A_640 = arith.cmpi slt, %select_n3A_633, %lt3A_639 : i32
        %ne3A_641 = arith.xori %lt3A_638, %lt3A_640 : i1
        %and3A_642 = arith.andi %ne3A_641, %ne3A_636 : i1
        %add3A_643 = arith.addi %rem3A_634, %select_n3A_633 : i32
        %select_n3A_644 = arith.select %and3A_642, %add3A_643, %rem3A_634 : i32
        %dma_wait3A_645 = arith.constant 0 : i32
        %dma_wait3A_646 = tpu.memref_slice %arg8[%select_n3A_644, %dma_wait3A_645] : memref<125x80xi32, #tpu.memory_space<vmem>> -> memref<1x80xi32, #tpu.memory_space<vmem>>
        %dma_wait3A_647 = tpu.memref_squeeze %dma_wait3A_646 : memref<1x80xi32, #tpu.memory_space<vmem>> -> memref<80xi32, #tpu.memory_space<vmem>>
        %dma_wait3A_648 = arith.constant 0 : i32
        %dma_wait3A_649 = arith.constant 0 : i32
        %dma_wait3A_650 = tpu.memref_slice %arg3[%dma_wait3A_648, %dma_wait3A_649] : memref<10000x112xf32, #tpu.memory_space<hbm>> -> memref<10000x112xf32, #tpu.memory_space<hbm>>
        tpu.wait_indirect_dma semaphore(%arg16 : memref<!tpu.dma_semaphore, #tpu.memory_space<semaphore_mem>>) src(%dma_wait3A_650 : memref<10000x112xf32, #tpu.memory_space<hbm>>) dst(%arg11 : memref<80x112xf32, #tpu.memory_space<vmem>>)
      } else {
      }
      %jit3A_187 = arith.constant 25 : i32
      %div3A_188 = arith.divsi %add3A_81, %jit3A_187 : i32
      %sign3A_189 = arith.constant 0 : i32
      %sign3A_190 = arith.cmpi sgt, %add3A_81, %sign3A_189 : i32
      %sign3A_191 = arith.extui %sign3A_190 : i1 to i32
      %sign3A_192 = arith.constant 0 : i32
      %sign3A_193 = arith.cmpi slt, %add3A_81, %sign3A_192 : i32
      %sign3A_194 = arith.extui %sign3A_193 : i1 to i32
      %sign3A_195 = arith.subi %sign3A_191, %sign3A_194 : i32
      %sign3A_196 = arith.constant 0 : i32
      %sign3A_197 = arith.cmpi sgt, %jit3A_187, %sign3A_196 : i32
      %sign3A_198 = arith.extui %sign3A_197 : i1 to i32
      %sign3A_199 = arith.constant 0 : i32
      %sign3A_200 = arith.cmpi slt, %jit3A_187, %sign3A_199 : i32
      %sign3A_201 = arith.extui %sign3A_200 : i1 to i32
      %sign3A_202 = arith.subi %sign3A_198, %sign3A_201 : i32
      %ne3A_203 = arith.cmpi ne, %sign3A_195, %sign3A_202 : i32
      %rem3A_204 = arith.remsi %add3A_81, %jit3A_187 : i32
      %ne3A_205 = arith.constant 0 : i32
      %ne3A_206 = arith.cmpi ne, %rem3A_204, %ne3A_205 : i32
      %and3A_207 = arith.andi %ne3A_203, %ne3A_206 : i1
      %sub3A_208 = arith.constant 1 : i32
      %sub3A_209 = arith.subi %div3A_188, %sub3A_208 : i32
      %select_n3A_210 = arith.select %and3A_207, %sub3A_209, %div3A_188 : i32
      %jit3A_211 = arith.constant 2 : i32
      %eq3A_212 = arith.constant 0 : i32
      %eq3A_213 = arith.cmpi eq, %jit3A_211, %eq3A_212 : i32
      %jit3A_214 = arith.constant 1 : i32
      %select_n3A_215 = arith.select %eq3A_213, %jit3A_214, %jit3A_211 : i32
      %rem3A_216 = arith.remsi %select_n3A_210, %select_n3A_215 : i32
      %ne3A_217 = arith.constant 0 : i32
      %ne3A_218 = arith.cmpi ne, %rem3A_216, %ne3A_217 : i32
      %lt3A_219 = arith.constant 0 : i32
      %lt3A_220 = arith.cmpi slt, %rem3A_216, %lt3A_219 : i32
      %lt3A_221 = arith.constant 0 : i32
      %lt3A_222 = arith.cmpi slt, %select_n3A_215, %lt3A_221 : i32
      %ne3A_223 = arith.xori %lt3A_220, %lt3A_222 : i1
      %and3A_224 = arith.andi %ne3A_223, %ne3A_218 : i1
      %add3A_225 = arith.addi %rem3A_216, %select_n3A_215 : i32
      %select_n3A_226 = arith.select %and3A_224, %add3A_225, %rem3A_216 : i32
      %eq3A_227 = arith.constant 0 : i32
      %eq3A_228 = arith.cmpi eq, %select_n3A_226, %eq3A_227 : i32
      %convert_element_type3A_229 = arith.extui %eq3A_228 : i1 to i32
      %cond3A_230 = arith.constant 0 : i32
      %cond3A_231 = arith.cmpi ne, %convert_element_type3A_229, %cond3A_230 : i32
      scf.if %cond3A_231 {
        %jit3A_629 = arith.constant 25 : i32
        %eq3A_630 = arith.constant 0 : i32
        %eq3A_631 = arith.cmpi eq, %jit3A_629, %eq3A_630 : i32
        %jit3A_632 = arith.constant 1 : i32
        %select_n3A_633 = arith.select %eq3A_631, %jit3A_632, %jit3A_629 : i32
        %rem3A_634 = arith.remsi %add3A_81, %select_n3A_633 : i32
        %ne3A_635 = arith.constant 0 : i32
        %ne3A_636 = arith.cmpi ne, %rem3A_634, %ne3A_635 : i32
        %lt3A_637 = arith.constant 0 : i32
        %lt3A_638 = arith.cmpi slt, %rem3A_634, %lt3A_637 : i32
        %lt3A_639 = arith.constant 0 : i32
        %lt3A_640 = arith.cmpi slt, %select_n3A_633, %lt3A_639 : i32
        %ne3A_641 = arith.xori %lt3A_638, %lt3A_640 : i1
        %and3A_642 = arith.andi %ne3A_641, %ne3A_636 : i1
        %add3A_643 = arith.addi %rem3A_634, %select_n3A_633 : i32
        %select_n3A_644 = arith.select %and3A_642, %add3A_643, %rem3A_634 : i32
        %dma_start3A = arith.constant 0 : i32
        %dma_start3A_645 = tpu.memref_slice %arg9[%select_n3A_644, %dma_start3A] : memref<25x80xi32, #tpu.memory_space<vmem>> -> memref<1x80xi32, #tpu.memory_space<vmem>>
        %dma_start3A_646 = tpu.memref_squeeze %dma_start3A_645 : memref<1x80xi32, #tpu.memory_space<vmem>> -> memref<80xi32, #tpu.memory_space<vmem>>
        %dma_start3A_647 = arith.constant 0 : i32
        %dma_start3A_648 = arith.constant 0 : i32
        %dma_start3A_649 = tpu.memref_slice %arg7[%dma_start3A_647, %dma_start3A_648] : memref<10000x112xf32, #tpu.memory_space<vmem_shared>> -> memref<10000x112xf32, #tpu.memory_space<vmem_shared>>
        tpu.enqueue_indirect_dma source(%arg11 : memref<80x112xf32, #tpu.memory_space<vmem>>) target(%dma_start3A_649 : memref<10000x112xf32, #tpu.memory_space<vmem_shared>>) offsets(%dma_start3A_646 : memref<80xi32, #tpu.memory_space<vmem>>) semaphore(%arg21 : memref<!tpu.dma_semaphore, #tpu.memory_space<semaphore_mem>>) {add = true}
      } else {
      }
      %eq3A_232 = arith.constant 1 : i32
      %eq3A_233 = arith.cmpi eq, %select_n3A_226, %eq3A_232 : i32
      %convert_element_type3A_234 = arith.extui %eq3A_233 : i1 to i32
      %cond3A_235 = arith.constant 0 : i32
      %cond3A_236 = arith.cmpi ne, %convert_element_type3A_234, %cond3A_235 : i32
      scf.if %cond3A_236 {
        %jit3A_629 = arith.constant 25 : i32
        %eq3A_630 = arith.constant 0 : i32
        %eq3A_631 = arith.cmpi eq, %jit3A_629, %eq3A_630 : i32
        %jit3A_632 = arith.constant 1 : i32
        %select_n3A_633 = arith.select %eq3A_631, %jit3A_632, %jit3A_629 : i32
        %rem3A_634 = arith.remsi %add3A_81, %select_n3A_633 : i32
        %ne3A_635 = arith.constant 0 : i32
        %ne3A_636 = arith.cmpi ne, %rem3A_634, %ne3A_635 : i32
        %lt3A_637 = arith.constant 0 : i32
        %lt3A_638 = arith.cmpi slt, %rem3A_634, %lt3A_637 : i32
        %lt3A_639 = arith.constant 0 : i32
        %lt3A_640 = arith.cmpi slt, %select_n3A_633, %lt3A_639 : i32
        %ne3A_641 = arith.xori %lt3A_638, %lt3A_640 : i1
        %and3A_642 = arith.andi %ne3A_641, %ne3A_636 : i1
        %add3A_643 = arith.addi %rem3A_634, %select_n3A_633 : i32
        %select_n3A_644 = arith.select %and3A_642, %add3A_643, %rem3A_634 : i32
        %dma_start3A = arith.constant 0 : i32
        %dma_start3A_645 = tpu.memref_slice %arg10[%select_n3A_644, %dma_start3A] : memref<25x80xi32, #tpu.memory_space<vmem>> -> memref<1x80xi32, #tpu.memory_space<vmem>>
        %dma_start3A_646 = tpu.memref_squeeze %dma_start3A_645 : memref<1x80xi32, #tpu.memory_space<vmem>> -> memref<80xi32, #tpu.memory_space<vmem>>
        %dma_start3A_647 = arith.constant 0 : i32
        %dma_start3A_648 = arith.constant 0 : i32
        %dma_start3A_649 = tpu.memref_slice %arg7[%dma_start3A_647, %dma_start3A_648] : memref<10000x112xf32, #tpu.memory_space<vmem_shared>> -> memref<10000x112xf32, #tpu.memory_space<vmem_shared>>
        tpu.enqueue_indirect_dma source(%arg11 : memref<80x112xf32, #tpu.memory_space<vmem>>) target(%dma_start3A_649 : memref<10000x112xf32, #tpu.memory_space<vmem_shared>>) offsets(%dma_start3A_646 : memref<80xi32, #tpu.memory_space<vmem>>) semaphore(%arg21 : memref<!tpu.dma_semaphore, #tpu.memory_space<semaphore_mem>>) {add = true}
      } else {
      }
      %mul3A_237 = arith.constant 5 : i32
      %mul3A_238 = arith.muli %scan3A_78, %mul3A_237 : i32
      %add3A_239 = arith.constant 1 : i32
      %add3A_240 = arith.addi %mul3A_238, %add3A_239 : i32
      %ge3A_241 = arith.constant 2 : i32
      %ge3A_242 = arith.cmpi sge, %add3A_240, %ge3A_241 : i32
      %convert_element_type3A_243 = arith.extui %ge3A_242 : i1 to i32
      %cond3A_244 = arith.constant 0 : i32
      %cond3A_245 = arith.cmpi ne, %convert_element_type3A_243, %cond3A_244 : i32
      scf.if %cond3A_245 {
        %sub3A_629 = arith.constant 2 : i32
        %sub3A_630 = arith.subi %add3A_240, %sub3A_629 : i32
        %jit3A_631 = arith.constant 25 : i32
        %div3A_632 = arith.divsi %sub3A_630, %jit3A_631 : i32
        %sign3A_633 = arith.constant 0 : i32
        %sign3A_634 = arith.cmpi sgt, %sub3A_630, %sign3A_633 : i32
        %sign3A_635 = arith.extui %sign3A_634 : i1 to i32
        %sign3A_636 = arith.constant 0 : i32
        %sign3A_637 = arith.cmpi slt, %sub3A_630, %sign3A_636 : i32
        %sign3A_638 = arith.extui %sign3A_637 : i1 to i32
        %sign3A_639 = arith.subi %sign3A_635, %sign3A_638 : i32
        %sign3A_640 = arith.constant 0 : i32
        %sign3A_641 = arith.cmpi sgt, %jit3A_631, %sign3A_640 : i32
        %sign3A_642 = arith.extui %sign3A_641 : i1 to i32
        %sign3A_643 = arith.constant 0 : i32
        %sign3A_644 = arith.cmpi slt, %jit3A_631, %sign3A_643 : i32
        %sign3A_645 = arith.extui %sign3A_644 : i1 to i32
        %sign3A_646 = arith.subi %sign3A_642, %sign3A_645 : i32
        %ne3A_647 = arith.cmpi ne, %sign3A_639, %sign3A_646 : i32
        %rem3A_648 = arith.remsi %sub3A_630, %jit3A_631 : i32
        %ne3A_649 = arith.constant 0 : i32
        %ne3A_650 = arith.cmpi ne, %rem3A_648, %ne3A_649 : i32
        %and3A_651 = arith.andi %ne3A_647, %ne3A_650 : i1
        %sub3A_652 = arith.constant 1 : i32
        %sub3A_653 = arith.subi %div3A_632, %sub3A_652 : i32
        %select_n3A_654 = arith.select %and3A_651, %sub3A_653, %div3A_632 : i32
        %jit3A_655 = arith.constant 2 : i32
        %eq3A_656 = arith.constant 0 : i32
        %eq3A_657 = arith.cmpi eq, %jit3A_655, %eq3A_656 : i32
        %jit3A_658 = arith.constant 1 : i32
        %select_n3A_659 = arith.select %eq3A_657, %jit3A_658, %jit3A_655 : i32
        %rem3A_660 = arith.remsi %select_n3A_654, %select_n3A_659 : i32
        %ne3A_661 = arith.constant 0 : i32
        %ne3A_662 = arith.cmpi ne, %rem3A_660, %ne3A_661 : i32
        %lt3A_663 = arith.constant 0 : i32
        %lt3A_664 = arith.cmpi slt, %rem3A_660, %lt3A_663 : i32
        %lt3A_665 = arith.constant 0 : i32
        %lt3A_666 = arith.cmpi slt, %select_n3A_659, %lt3A_665 : i32
        %ne3A_667 = arith.xori %lt3A_664, %lt3A_666 : i1
        %and3A_668 = arith.andi %ne3A_667, %ne3A_662 : i1
        %add3A_669 = arith.addi %rem3A_660, %select_n3A_659 : i32
        %select_n3A_670 = arith.select %and3A_668, %add3A_669, %rem3A_660 : i32
        %eq3A_671 = arith.constant 0 : i32
        %eq3A_672 = arith.cmpi eq, %select_n3A_670, %eq3A_671 : i32
        %convert_element_type3A_673 = arith.extui %eq3A_672 : i1 to i32
        %cond3A_674 = arith.constant 0 : i32
        %cond3A_675 = arith.cmpi ne, %convert_element_type3A_673, %cond3A_674 : i32
        scf.if %cond3A_675 {
          %jit3A_681 = arith.constant 25 : i32
          %eq3A_682 = arith.constant 0 : i32
          %eq3A_683 = arith.cmpi eq, %jit3A_681, %eq3A_682 : i32
          %jit3A_684 = arith.constant 1 : i32
          %select_n3A_685 = arith.select %eq3A_683, %jit3A_684, %jit3A_681 : i32
          %rem3A_686 = arith.remsi %sub3A_630, %select_n3A_685 : i32
          %ne3A_687 = arith.constant 0 : i32
          %ne3A_688 = arith.cmpi ne, %rem3A_686, %ne3A_687 : i32
          %lt3A_689 = arith.constant 0 : i32
          %lt3A_690 = arith.cmpi slt, %rem3A_686, %lt3A_689 : i32
          %lt3A_691 = arith.constant 0 : i32
          %lt3A_692 = arith.cmpi slt, %select_n3A_685, %lt3A_691 : i32
          %ne3A_693 = arith.xori %lt3A_690, %lt3A_692 : i1
          %and3A_694 = arith.andi %ne3A_693, %ne3A_688 : i1
          %add3A_695 = arith.addi %rem3A_686, %select_n3A_685 : i32
          %select_n3A_696 = arith.select %and3A_694, %add3A_695, %rem3A_686 : i32
          %dma_wait3A_697 = arith.constant 0 : i32
          %dma_wait3A_698 = tpu.memref_slice %arg9[%select_n3A_696, %dma_wait3A_697] : memref<25x80xi32, #tpu.memory_space<vmem>> -> memref<1x80xi32, #tpu.memory_space<vmem>>
          %dma_wait3A_699 = tpu.memref_squeeze %dma_wait3A_698 : memref<1x80xi32, #tpu.memory_space<vmem>> -> memref<80xi32, #tpu.memory_space<vmem>>
          %dma_wait3A_700 = arith.constant 0 : i32
          %dma_wait3A_701 = arith.constant 0 : i32
          %dma_wait3A_702 = tpu.memref_slice %arg7[%dma_wait3A_700, %dma_wait3A_701] : memref<10000x112xf32, #tpu.memory_space<vmem_shared>> -> memref<10000x112xf32, #tpu.memory_space<vmem_shared>>
          tpu.wait_indirect_dma semaphore(%arg25 : memref<!tpu.dma_semaphore, #tpu.memory_space<semaphore_mem>>) src(%arg15 : memref<80x112xf32, #tpu.memory_space<vmem>>) dst(%dma_wait3A_702 : memref<10000x112xf32, #tpu.memory_space<vmem_shared>>)
        } else {
        }
        %eq3A_676 = arith.constant 1 : i32
        %eq3A_677 = arith.cmpi eq, %select_n3A_670, %eq3A_676 : i32
        %convert_element_type3A_678 = arith.extui %eq3A_677 : i1 to i32
        %cond3A_679 = arith.constant 0 : i32
        %cond3A_680 = arith.cmpi ne, %convert_element_type3A_678, %cond3A_679 : i32
        scf.if %cond3A_680 {
          %jit3A_681 = arith.constant 25 : i32
          %eq3A_682 = arith.constant 0 : i32
          %eq3A_683 = arith.cmpi eq, %jit3A_681, %eq3A_682 : i32
          %jit3A_684 = arith.constant 1 : i32
          %select_n3A_685 = arith.select %eq3A_683, %jit3A_684, %jit3A_681 : i32
          %rem3A_686 = arith.remsi %sub3A_630, %select_n3A_685 : i32
          %ne3A_687 = arith.constant 0 : i32
          %ne3A_688 = arith.cmpi ne, %rem3A_686, %ne3A_687 : i32
          %lt3A_689 = arith.constant 0 : i32
          %lt3A_690 = arith.cmpi slt, %rem3A_686, %lt3A_689 : i32
          %lt3A_691 = arith.constant 0 : i32
          %lt3A_692 = arith.cmpi slt, %select_n3A_685, %lt3A_691 : i32
          %ne3A_693 = arith.xori %lt3A_690, %lt3A_692 : i1
          %and3A_694 = arith.andi %ne3A_693, %ne3A_688 : i1
          %add3A_695 = arith.addi %rem3A_686, %select_n3A_685 : i32
          %select_n3A_696 = arith.select %and3A_694, %add3A_695, %rem3A_686 : i32
          %dma_wait3A_697 = arith.constant 0 : i32
          %dma_wait3A_698 = tpu.memref_slice %arg10[%select_n3A_696, %dma_wait3A_697] : memref<25x80xi32, #tpu.memory_space<vmem>> -> memref<1x80xi32, #tpu.memory_space<vmem>>
          %dma_wait3A_699 = tpu.memref_squeeze %dma_wait3A_698 : memref<1x80xi32, #tpu.memory_space<vmem>> -> memref<80xi32, #tpu.memory_space<vmem>>
          %dma_wait3A_700 = arith.constant 0 : i32
          %dma_wait3A_701 = arith.constant 0 : i32
          %dma_wait3A_702 = tpu.memref_slice %arg7[%dma_wait3A_700, %dma_wait3A_701] : memref<10000x112xf32, #tpu.memory_space<vmem_shared>> -> memref<10000x112xf32, #tpu.memory_space<vmem_shared>>
          tpu.wait_indirect_dma semaphore(%arg25 : memref<!tpu.dma_semaphore, #tpu.memory_space<semaphore_mem>>) src(%arg15 : memref<80x112xf32, #tpu.memory_space<vmem>>) dst(%dma_wait3A_702 : memref<10000x112xf32, #tpu.memory_space<vmem_shared>>)
        } else {
        }
      } else {
      }
      %add3A_246 = arith.constant 3 : i32
      %add3A_247 = arith.addi %add3A_240, %add3A_246 : i32
      %lt3A_248 = arith.constant 250 : i32
      %lt3A_249 = arith.cmpi slt, %add3A_247, %lt3A_248 : i32
      %convert_element_type3A_250 = arith.extui %lt3A_249 : i1 to i32
      %cond3A_251 = arith.constant 0 : i32
      %cond3A_252 = arith.cmpi ne, %convert_element_type3A_250, %cond3A_251 : i32
      scf.if %cond3A_252 {
        %add3A_629 = arith.constant 3 : i32
        %add3A_630 = arith.addi %add3A_240, %add3A_629 : i32
        %eq3A_631 = arith.constant 0 : i32
        %eq3A_632 = arith.cmpi eq, %arg0, %eq3A_631 : i32
        %convert_element_type3A_633 = arith.extui %eq3A_632 : i1 to i32
        %cond3A_634 = arith.constant 0 : i32
        %cond3A_635 = arith.cmpi ne, %convert_element_type3A_633, %cond3A_634 : i32
        scf.if %cond3A_635 {
          %jit3A_641 = arith.constant 125 : i32
          %eq3A_642 = arith.constant 0 : i32
          %eq3A_643 = arith.cmpi eq, %jit3A_641, %eq3A_642 : i32
          %jit3A_644 = arith.constant 1 : i32
          %select_n3A_645 = arith.select %eq3A_643, %jit3A_644, %jit3A_641 : i32
          %rem3A_646 = arith.remsi %add3A_630, %select_n3A_645 : i32
          %ne3A_647 = arith.constant 0 : i32
          %ne3A_648 = arith.cmpi ne, %rem3A_646, %ne3A_647 : i32
          %lt3A_649 = arith.constant 0 : i32
          %lt3A_650 = arith.cmpi slt, %rem3A_646, %lt3A_649 : i32
          %lt3A_651 = arith.constant 0 : i32
          %lt3A_652 = arith.cmpi slt, %select_n3A_645, %lt3A_651 : i32
          %ne3A_653 = arith.xori %lt3A_650, %lt3A_652 : i1
          %and3A_654 = arith.andi %ne3A_653, %ne3A_648 : i1
          %add3A_655 = arith.addi %rem3A_646, %select_n3A_645 : i32
          %select_n3A_656 = arith.select %and3A_654, %add3A_655, %rem3A_646 : i32
          %dma_start3A = arith.constant 0 : i32
          %dma_start3A_657 = tpu.memref_slice %arg8[%select_n3A_656, %dma_start3A] : memref<125x80xi32, #tpu.memory_space<vmem>> -> memref<1x80xi32, #tpu.memory_space<vmem>>
          %dma_start3A_658 = tpu.memref_squeeze %dma_start3A_657 : memref<1x80xi32, #tpu.memory_space<vmem>> -> memref<80xi32, #tpu.memory_space<vmem>>
          %dma_start3A_659 = arith.constant 0 : i32
          %dma_start3A_660 = arith.constant 0 : i32
          %dma_start3A_661 = tpu.memref_slice %arg2[%dma_start3A_659, %dma_start3A_660] : memref<10000x112xf32, #tpu.memory_space<hbm>> -> memref<10000x112xf32, #tpu.memory_space<hbm>>
          tpu.enqueue_indirect_dma source(%dma_start3A_661 : memref<10000x112xf32, #tpu.memory_space<hbm>>) target(%arg15 : memref<80x112xf32, #tpu.memory_space<vmem>>) offsets(%dma_start3A_658 : memref<80xi32, #tpu.memory_space<vmem>>) semaphore(%arg20 : memref<!tpu.dma_semaphore, #tpu.memory_space<semaphore_mem>>)
        } else {
        }
        %eq3A_636 = arith.constant 1 : i32
        %eq3A_637 = arith.cmpi eq, %arg0, %eq3A_636 : i32
        %convert_element_type3A_638 = arith.extui %eq3A_637 : i1 to i32
        %cond3A_639 = arith.constant 0 : i32
        %cond3A_640 = arith.cmpi ne, %convert_element_type3A_638, %cond3A_639 : i32
        scf.if %cond3A_640 {
          %jit3A_641 = arith.constant 125 : i32
          %eq3A_642 = arith.constant 0 : i32
          %eq3A_643 = arith.cmpi eq, %jit3A_641, %eq3A_642 : i32
          %jit3A_644 = arith.constant 1 : i32
          %select_n3A_645 = arith.select %eq3A_643, %jit3A_644, %jit3A_641 : i32
          %rem3A_646 = arith.remsi %add3A_630, %select_n3A_645 : i32
          %ne3A_647 = arith.constant 0 : i32
          %ne3A_648 = arith.cmpi ne, %rem3A_646, %ne3A_647 : i32
          %lt3A_649 = arith.constant 0 : i32
          %lt3A_650 = arith.cmpi slt, %rem3A_646, %lt3A_649 : i32
          %lt3A_651 = arith.constant 0 : i32
          %lt3A_652 = arith.cmpi slt, %select_n3A_645, %lt3A_651 : i32
          %ne3A_653 = arith.xori %lt3A_650, %lt3A_652 : i1
          %and3A_654 = arith.andi %ne3A_653, %ne3A_648 : i1
          %add3A_655 = arith.addi %rem3A_646, %select_n3A_645 : i32
          %select_n3A_656 = arith.select %and3A_654, %add3A_655, %rem3A_646 : i32
          %dma_start3A = arith.constant 0 : i32
          %dma_start3A_657 = tpu.memref_slice %arg8[%select_n3A_656, %dma_start3A] : memref<125x80xi32, #tpu.memory_space<vmem>> -> memref<1x80xi32, #tpu.memory_space<vmem>>
          %dma_start3A_658 = tpu.memref_squeeze %dma_start3A_657 : memref<1x80xi32, #tpu.memory_space<vmem>> -> memref<80xi32, #tpu.memory_space<vmem>>
          %dma_start3A_659 = arith.constant 0 : i32
          %dma_start3A_660 = arith.constant 0 : i32
          %dma_start3A_661 = tpu.memref_slice %arg3[%dma_start3A_659, %dma_start3A_660] : memref<10000x112xf32, #tpu.memory_space<hbm>> -> memref<10000x112xf32, #tpu.memory_space<hbm>>
          tpu.enqueue_indirect_dma source(%dma_start3A_661 : memref<10000x112xf32, #tpu.memory_space<hbm>>) target(%arg15 : memref<80x112xf32, #tpu.memory_space<vmem>>) offsets(%dma_start3A_658 : memref<80xi32, #tpu.memory_space<vmem>>) semaphore(%arg20 : memref<!tpu.dma_semaphore, #tpu.memory_space<semaphore_mem>>)
        } else {
        }
      } else {
      }
      %eq3A_253 = arith.constant 0 : i32
      %eq3A_254 = arith.cmpi eq, %arg0, %eq3A_253 : i32
      %convert_element_type3A_255 = arith.extui %eq3A_254 : i1 to i32
      %cond3A_256 = arith.constant 0 : i32
      %cond3A_257 = arith.cmpi ne, %convert_element_type3A_255, %cond3A_256 : i32
      scf.if %cond3A_257 {
        %jit3A_629 = arith.constant 125 : i32
        %eq3A_630 = arith.constant 0 : i32
        %eq3A_631 = arith.cmpi eq, %jit3A_629, %eq3A_630 : i32
        %jit3A_632 = arith.constant 1 : i32
        %select_n3A_633 = arith.select %eq3A_631, %jit3A_632, %jit3A_629 : i32
        %rem3A_634 = arith.remsi %add3A_240, %select_n3A_633 : i32
        %ne3A_635 = arith.constant 0 : i32
        %ne3A_636 = arith.cmpi ne, %rem3A_634, %ne3A_635 : i32
        %lt3A_637 = arith.constant 0 : i32
        %lt3A_638 = arith.cmpi slt, %rem3A_634, %lt3A_637 : i32
        %lt3A_639 = arith.constant 0 : i32
        %lt3A_640 = arith.cmpi slt, %select_n3A_633, %lt3A_639 : i32
        %ne3A_641 = arith.xori %lt3A_638, %lt3A_640 : i1
        %and3A_642 = arith.andi %ne3A_641, %ne3A_636 : i1
        %add3A_643 = arith.addi %rem3A_634, %select_n3A_633 : i32
        %select_n3A_644 = arith.select %and3A_642, %add3A_643, %rem3A_634 : i32
        %dma_wait3A_645 = arith.constant 0 : i32
        %dma_wait3A_646 = tpu.memref_slice %arg8[%select_n3A_644, %dma_wait3A_645] : memref<125x80xi32, #tpu.memory_space<vmem>> -> memref<1x80xi32, #tpu.memory_space<vmem>>
        %dma_wait3A_647 = tpu.memref_squeeze %dma_wait3A_646 : memref<1x80xi32, #tpu.memory_space<vmem>> -> memref<80xi32, #tpu.memory_space<vmem>>
        %dma_wait3A_648 = arith.constant 0 : i32
        %dma_wait3A_649 = arith.constant 0 : i32
        %dma_wait3A_650 = tpu.memref_slice %arg2[%dma_wait3A_648, %dma_wait3A_649] : memref<10000x112xf32, #tpu.memory_space<hbm>> -> memref<10000x112xf32, #tpu.memory_space<hbm>>
        tpu.wait_indirect_dma semaphore(%arg17 : memref<!tpu.dma_semaphore, #tpu.memory_space<semaphore_mem>>) src(%dma_wait3A_650 : memref<10000x112xf32, #tpu.memory_space<hbm>>) dst(%arg12 : memref<80x112xf32, #tpu.memory_space<vmem>>)
      } else {
      }
      %eq3A_258 = arith.constant 1 : i32
      %eq3A_259 = arith.cmpi eq, %arg0, %eq3A_258 : i32
      %convert_element_type3A_260 = arith.extui %eq3A_259 : i1 to i32
      %cond3A_261 = arith.constant 0 : i32
      %cond3A_262 = arith.cmpi ne, %convert_element_type3A_260, %cond3A_261 : i32
      scf.if %cond3A_262 {
        %jit3A_629 = arith.constant 125 : i32
        %eq3A_630 = arith.constant 0 : i32
        %eq3A_631 = arith.cmpi eq, %jit3A_629, %eq3A_630 : i32
        %jit3A_632 = arith.constant 1 : i32
        %select_n3A_633 = arith.select %eq3A_631, %jit3A_632, %jit3A_629 : i32
        %rem3A_634 = arith.remsi %add3A_240, %select_n3A_633 : i32
        %ne3A_635 = arith.constant 0 : i32
        %ne3A_636 = arith.cmpi ne, %rem3A_634, %ne3A_635 : i32
        %lt3A_637 = arith.constant 0 : i32
        %lt3A_638 = arith.cmpi slt, %rem3A_634, %lt3A_637 : i32
        %lt3A_639 = arith.constant 0 : i32
        %lt3A_640 = arith.cmpi slt, %select_n3A_633, %lt3A_639 : i32
        %ne3A_641 = arith.xori %lt3A_638, %lt3A_640 : i1
        %and3A_642 = arith.andi %ne3A_641, %ne3A_636 : i1
        %add3A_643 = arith.addi %rem3A_634, %select_n3A_633 : i32
        %select_n3A_644 = arith.select %and3A_642, %add3A_643, %rem3A_634 : i32
        %dma_wait3A_645 = arith.constant 0 : i32
        %dma_wait3A_646 = tpu.memref_slice %arg8[%select_n3A_644, %dma_wait3A_645] : memref<125x80xi32, #tpu.memory_space<vmem>> -> memref<1x80xi32, #tpu.memory_space<vmem>>
        %dma_wait3A_647 = tpu.memref_squeeze %dma_wait3A_646 : memref<1x80xi32, #tpu.memory_space<vmem>> -> memref<80xi32, #tpu.memory_space<vmem>>
        %dma_wait3A_648 = arith.constant 0 : i32
        %dma_wait3A_649 = arith.constant 0 : i32
        %dma_wait3A_650 = tpu.memref_slice %arg3[%dma_wait3A_648, %dma_wait3A_649] : memref<10000x112xf32, #tpu.memory_space<hbm>> -> memref<10000x112xf32, #tpu.memory_space<hbm>>
        tpu.wait_indirect_dma semaphore(%arg17 : memref<!tpu.dma_semaphore, #tpu.memory_space<semaphore_mem>>) src(%dma_wait3A_650 : memref<10000x112xf32, #tpu.memory_space<hbm>>) dst(%arg12 : memref<80x112xf32, #tpu.memory_space<vmem>>)
      } else {
      }
      %jit3A_263 = arith.constant 25 : i32
      %div3A_264 = arith.divsi %add3A_240, %jit3A_263 : i32
      %sign3A_265 = arith.constant 0 : i32
      %sign3A_266 = arith.cmpi sgt, %add3A_240, %sign3A_265 : i32
      %sign3A_267 = arith.extui %sign3A_266 : i1 to i32
      %sign3A_268 = arith.constant 0 : i32
      %sign3A_269 = arith.cmpi slt, %add3A_240, %sign3A_268 : i32
      %sign3A_270 = arith.extui %sign3A_269 : i1 to i32
      %sign3A_271 = arith.subi %sign3A_267, %sign3A_270 : i32
      %sign3A_272 = arith.constant 0 : i32
      %sign3A_273 = arith.cmpi sgt, %jit3A_263, %sign3A_272 : i32
      %sign3A_274 = arith.extui %sign3A_273 : i1 to i32
      %sign3A_275 = arith.constant 0 : i32
      %sign3A_276 = arith.cmpi slt, %jit3A_263, %sign3A_275 : i32
      %sign3A_277 = arith.extui %sign3A_276 : i1 to i32
      %sign3A_278 = arith.subi %sign3A_274, %sign3A_277 : i32
      %ne3A_279 = arith.cmpi ne, %sign3A_271, %sign3A_278 : i32
      %rem3A_280 = arith.remsi %add3A_240, %jit3A_263 : i32
      %ne3A_281 = arith.constant 0 : i32
      %ne3A_282 = arith.cmpi ne, %rem3A_280, %ne3A_281 : i32
      %and3A_283 = arith.andi %ne3A_279, %ne3A_282 : i1
      %sub3A_284 = arith.constant 1 : i32
      %sub3A_285 = arith.subi %div3A_264, %sub3A_284 : i32
      %select_n3A_286 = arith.select %and3A_283, %sub3A_285, %div3A_264 : i32
      %jit3A_287 = arith.constant 2 : i32
      %eq3A_288 = arith.constant 0 : i32
      %eq3A_289 = arith.cmpi eq, %jit3A_287, %eq3A_288 : i32
      %jit3A_290 = arith.constant 1 : i32
      %select_n3A_291 = arith.select %eq3A_289, %jit3A_290, %jit3A_287 : i32
      %rem3A_292 = arith.remsi %select_n3A_286, %select_n3A_291 : i32
      %ne3A_293 = arith.constant 0 : i32
      %ne3A_294 = arith.cmpi ne, %rem3A_292, %ne3A_293 : i32
      %lt3A_295 = arith.constant 0 : i32
      %lt3A_296 = arith.cmpi slt, %rem3A_292, %lt3A_295 : i32
      %lt3A_297 = arith.constant 0 : i32
      %lt3A_298 = arith.cmpi slt, %select_n3A_291, %lt3A_297 : i32
      %ne3A_299 = arith.xori %lt3A_296, %lt3A_298 : i1
      %and3A_300 = arith.andi %ne3A_299, %ne3A_294 : i1
      %add3A_301 = arith.addi %rem3A_292, %select_n3A_291 : i32
      %select_n3A_302 = arith.select %and3A_300, %add3A_301, %rem3A_292 : i32
      %eq3A_303 = arith.constant 0 : i32
      %eq3A_304 = arith.cmpi eq, %select_n3A_302, %eq3A_303 : i32
      %convert_element_type3A_305 = arith.extui %eq3A_304 : i1 to i32
      %cond3A_306 = arith.constant 0 : i32
      %cond3A_307 = arith.cmpi ne, %convert_element_type3A_305, %cond3A_306 : i32
      scf.if %cond3A_307 {
        %jit3A_629 = arith.constant 25 : i32
        %eq3A_630 = arith.constant 0 : i32
        %eq3A_631 = arith.cmpi eq, %jit3A_629, %eq3A_630 : i32
        %jit3A_632 = arith.constant 1 : i32
        %select_n3A_633 = arith.select %eq3A_631, %jit3A_632, %jit3A_629 : i32
        %rem3A_634 = arith.remsi %add3A_240, %select_n3A_633 : i32
        %ne3A_635 = arith.constant 0 : i32
        %ne3A_636 = arith.cmpi ne, %rem3A_634, %ne3A_635 : i32
        %lt3A_637 = arith.constant 0 : i32
        %lt3A_638 = arith.cmpi slt, %rem3A_634, %lt3A_637 : i32
        %lt3A_639 = arith.constant 0 : i32
        %lt3A_640 = arith.cmpi slt, %select_n3A_633, %lt3A_639 : i32
        %ne3A_641 = arith.xori %lt3A_638, %lt3A_640 : i1
        %and3A_642 = arith.andi %ne3A_641, %ne3A_636 : i1
        %add3A_643 = arith.addi %rem3A_634, %select_n3A_633 : i32
        %select_n3A_644 = arith.select %and3A_642, %add3A_643, %rem3A_634 : i32
        %dma_start3A = arith.constant 0 : i32
        %dma_start3A_645 = tpu.memref_slice %arg9[%select_n3A_644, %dma_start3A] : memref<25x80xi32, #tpu.memory_space<vmem>> -> memref<1x80xi32, #tpu.memory_space<vmem>>
        %dma_start3A_646 = tpu.memref_squeeze %dma_start3A_645 : memref<1x80xi32, #tpu.memory_space<vmem>> -> memref<80xi32, #tpu.memory_space<vmem>>
        %dma_start3A_647 = arith.constant 0 : i32
        %dma_start3A_648 = arith.constant 0 : i32
        %dma_start3A_649 = tpu.memref_slice %arg7[%dma_start3A_647, %dma_start3A_648] : memref<10000x112xf32, #tpu.memory_space<vmem_shared>> -> memref<10000x112xf32, #tpu.memory_space<vmem_shared>>
        tpu.enqueue_indirect_dma source(%arg12 : memref<80x112xf32, #tpu.memory_space<vmem>>) target(%dma_start3A_649 : memref<10000x112xf32, #tpu.memory_space<vmem_shared>>) offsets(%dma_start3A_646 : memref<80xi32, #tpu.memory_space<vmem>>) semaphore(%arg22 : memref<!tpu.dma_semaphore, #tpu.memory_space<semaphore_mem>>) {add = true}
      } else {
      }
      %eq3A_308 = arith.constant 1 : i32
      %eq3A_309 = arith.cmpi eq, %select_n3A_302, %eq3A_308 : i32
      %convert_element_type3A_310 = arith.extui %eq3A_309 : i1 to i32
      %cond3A_311 = arith.constant 0 : i32
      %cond3A_312 = arith.cmpi ne, %convert_element_type3A_310, %cond3A_311 : i32
      scf.if %cond3A_312 {
        %jit3A_629 = arith.constant 25 : i32
        %eq3A_630 = arith.constant 0 : i32
        %eq3A_631 = arith.cmpi eq, %jit3A_629, %eq3A_630 : i32
        %jit3A_632 = arith.constant 1 : i32
        %select_n3A_633 = arith.select %eq3A_631, %jit3A_632, %jit3A_629 : i32
        %rem3A_634 = arith.remsi %add3A_240, %select_n3A_633 : i32
        %ne3A_635 = arith.constant 0 : i32
        %ne3A_636 = arith.cmpi ne, %rem3A_634, %ne3A_635 : i32
        %lt3A_637 = arith.constant 0 : i32
        %lt3A_638 = arith.cmpi slt, %rem3A_634, %lt3A_637 : i32
        %lt3A_639 = arith.constant 0 : i32
        %lt3A_640 = arith.cmpi slt, %select_n3A_633, %lt3A_639 : i32
        %ne3A_641 = arith.xori %lt3A_638, %lt3A_640 : i1
        %and3A_642 = arith.andi %ne3A_641, %ne3A_636 : i1
        %add3A_643 = arith.addi %rem3A_634, %select_n3A_633 : i32
        %select_n3A_644 = arith.select %and3A_642, %add3A_643, %rem3A_634 : i32
        %dma_start3A = arith.constant 0 : i32
        %dma_start3A_645 = tpu.memref_slice %arg10[%select_n3A_644, %dma_start3A] : memref<25x80xi32, #tpu.memory_space<vmem>> -> memref<1x80xi32, #tpu.memory_space<vmem>>
        %dma_start3A_646 = tpu.memref_squeeze %dma_start3A_645 : memref<1x80xi32, #tpu.memory_space<vmem>> -> memref<80xi32, #tpu.memory_space<vmem>>
        %dma_start3A_647 = arith.constant 0 : i32
        %dma_start3A_648 = arith.constant 0 : i32
        %dma_start3A_649 = tpu.memref_slice %arg7[%dma_start3A_647, %dma_start3A_648] : memref<10000x112xf32, #tpu.memory_space<vmem_shared>> -> memref<10000x112xf32, #tpu.memory_space<vmem_shared>>
        tpu.enqueue_indirect_dma source(%arg12 : memref<80x112xf32, #tpu.memory_space<vmem>>) target(%dma_start3A_649 : memref<10000x112xf32, #tpu.memory_space<vmem_shared>>) offsets(%dma_start3A_646 : memref<80xi32, #tpu.memory_space<vmem>>) semaphore(%arg22 : memref<!tpu.dma_semaphore, #tpu.memory_space<semaphore_mem>>) {add = true}
      } else {
      }
      %mul3A_313 = arith.constant 5 : i32
      %mul3A_314 = arith.muli %scan3A_78, %mul3A_313 : i32
      %add3A_315 = arith.constant 2 : i32
      %add3A_316 = arith.addi %mul3A_314, %add3A_315 : i32
      %ge3A_317 = arith.constant 2 : i32
      %ge3A_318 = arith.cmpi sge, %add3A_316, %ge3A_317 : i32
      %convert_element_type3A_319 = arith.extui %ge3A_318 : i1 to i32
      %cond3A_320 = arith.constant 0 : i32
      %cond3A_321 = arith.cmpi ne, %convert_element_type3A_319, %cond3A_320 : i32
      scf.if %cond3A_321 {
        %sub3A_629 = arith.constant 2 : i32
        %sub3A_630 = arith.subi %add3A_316, %sub3A_629 : i32
        %jit3A_631 = arith.constant 25 : i32
        %div3A_632 = arith.divsi %sub3A_630, %jit3A_631 : i32
        %sign3A_633 = arith.constant 0 : i32
        %sign3A_634 = arith.cmpi sgt, %sub3A_630, %sign3A_633 : i32
        %sign3A_635 = arith.extui %sign3A_634 : i1 to i32
        %sign3A_636 = arith.constant 0 : i32
        %sign3A_637 = arith.cmpi slt, %sub3A_630, %sign3A_636 : i32
        %sign3A_638 = arith.extui %sign3A_637 : i1 to i32
        %sign3A_639 = arith.subi %sign3A_635, %sign3A_638 : i32
        %sign3A_640 = arith.constant 0 : i32
        %sign3A_641 = arith.cmpi sgt, %jit3A_631, %sign3A_640 : i32
        %sign3A_642 = arith.extui %sign3A_641 : i1 to i32
        %sign3A_643 = arith.constant 0 : i32
        %sign3A_644 = arith.cmpi slt, %jit3A_631, %sign3A_643 : i32
        %sign3A_645 = arith.extui %sign3A_644 : i1 to i32
        %sign3A_646 = arith.subi %sign3A_642, %sign3A_645 : i32
        %ne3A_647 = arith.cmpi ne, %sign3A_639, %sign3A_646 : i32
        %rem3A_648 = arith.remsi %sub3A_630, %jit3A_631 : i32
        %ne3A_649 = arith.constant 0 : i32
        %ne3A_650 = arith.cmpi ne, %rem3A_648, %ne3A_649 : i32
        %and3A_651 = arith.andi %ne3A_647, %ne3A_650 : i1
        %sub3A_652 = arith.constant 1 : i32
        %sub3A_653 = arith.subi %div3A_632, %sub3A_652 : i32
        %select_n3A_654 = arith.select %and3A_651, %sub3A_653, %div3A_632 : i32
        %jit3A_655 = arith.constant 2 : i32
        %eq3A_656 = arith.constant 0 : i32
        %eq3A_657 = arith.cmpi eq, %jit3A_655, %eq3A_656 : i32
        %jit3A_658 = arith.constant 1 : i32
        %select_n3A_659 = arith.select %eq3A_657, %jit3A_658, %jit3A_655 : i32
        %rem3A_660 = arith.remsi %select_n3A_654, %select_n3A_659 : i32
        %ne3A_661 = arith.constant 0 : i32
        %ne3A_662 = arith.cmpi ne, %rem3A_660, %ne3A_661 : i32
        %lt3A_663 = arith.constant 0 : i32
        %lt3A_664 = arith.cmpi slt, %rem3A_660, %lt3A_663 : i32
        %lt3A_665 = arith.constant 0 : i32
        %lt3A_666 = arith.cmpi slt, %select_n3A_659, %lt3A_665 : i32
        %ne3A_667 = arith.xori %lt3A_664, %lt3A_666 : i1
        %and3A_668 = arith.andi %ne3A_667, %ne3A_662 : i1
        %add3A_669 = arith.addi %rem3A_660, %select_n3A_659 : i32
        %select_n3A_670 = arith.select %and3A_668, %add3A_669, %rem3A_660 : i32
        %eq3A_671 = arith.constant 0 : i32
        %eq3A_672 = arith.cmpi eq, %select_n3A_670, %eq3A_671 : i32
        %convert_element_type3A_673 = arith.extui %eq3A_672 : i1 to i32
        %cond3A_674 = arith.constant 0 : i32
        %cond3A_675 = arith.cmpi ne, %convert_element_type3A_673, %cond3A_674 : i32
        scf.if %cond3A_675 {
          %jit3A_681 = arith.constant 25 : i32
          %eq3A_682 = arith.constant 0 : i32
          %eq3A_683 = arith.cmpi eq, %jit3A_681, %eq3A_682 : i32
          %jit3A_684 = arith.constant 1 : i32
          %select_n3A_685 = arith.select %eq3A_683, %jit3A_684, %jit3A_681 : i32
          %rem3A_686 = arith.remsi %sub3A_630, %select_n3A_685 : i32
          %ne3A_687 = arith.constant 0 : i32
          %ne3A_688 = arith.cmpi ne, %rem3A_686, %ne3A_687 : i32
          %lt3A_689 = arith.constant 0 : i32
          %lt3A_690 = arith.cmpi slt, %rem3A_686, %lt3A_689 : i32
          %lt3A_691 = arith.constant 0 : i32
          %lt3A_692 = arith.cmpi slt, %select_n3A_685, %lt3A_691 : i32
          %ne3A_693 = arith.xori %lt3A_690, %lt3A_692 : i1
          %and3A_694 = arith.andi %ne3A_693, %ne3A_688 : i1
          %add3A_695 = arith.addi %rem3A_686, %select_n3A_685 : i32
          %select_n3A_696 = arith.select %and3A_694, %add3A_695, %rem3A_686 : i32
          %dma_wait3A_697 = arith.constant 0 : i32
          %dma_wait3A_698 = tpu.memref_slice %arg9[%select_n3A_696, %dma_wait3A_697] : memref<25x80xi32, #tpu.memory_space<vmem>> -> memref<1x80xi32, #tpu.memory_space<vmem>>
          %dma_wait3A_699 = tpu.memref_squeeze %dma_wait3A_698 : memref<1x80xi32, #tpu.memory_space<vmem>> -> memref<80xi32, #tpu.memory_space<vmem>>
          %dma_wait3A_700 = arith.constant 0 : i32
          %dma_wait3A_701 = arith.constant 0 : i32
          %dma_wait3A_702 = tpu.memref_slice %arg7[%dma_wait3A_700, %dma_wait3A_701] : memref<10000x112xf32, #tpu.memory_space<vmem_shared>> -> memref<10000x112xf32, #tpu.memory_space<vmem_shared>>
          tpu.wait_indirect_dma semaphore(%arg21 : memref<!tpu.dma_semaphore, #tpu.memory_space<semaphore_mem>>) src(%arg11 : memref<80x112xf32, #tpu.memory_space<vmem>>) dst(%dma_wait3A_702 : memref<10000x112xf32, #tpu.memory_space<vmem_shared>>)
        } else {
        }
        %eq3A_676 = arith.constant 1 : i32
        %eq3A_677 = arith.cmpi eq, %select_n3A_670, %eq3A_676 : i32
        %convert_element_type3A_678 = arith.extui %eq3A_677 : i1 to i32
        %cond3A_679 = arith.constant 0 : i32
        %cond3A_680 = arith.cmpi ne, %convert_element_type3A_678, %cond3A_679 : i32
        scf.if %cond3A_680 {
          %jit3A_681 = arith.constant 25 : i32
          %eq3A_682 = arith.constant 0 : i32
          %eq3A_683 = arith.cmpi eq, %jit3A_681, %eq3A_682 : i32
          %jit3A_684 = arith.constant 1 : i32
          %select_n3A_685 = arith.select %eq3A_683, %jit3A_684, %jit3A_681 : i32
          %rem3A_686 = arith.remsi %sub3A_630, %select_n3A_685 : i32
          %ne3A_687 = arith.constant 0 : i32
          %ne3A_688 = arith.cmpi ne, %rem3A_686, %ne3A_687 : i32
          %lt3A_689 = arith.constant 0 : i32
          %lt3A_690 = arith.cmpi slt, %rem3A_686, %lt3A_689 : i32
          %lt3A_691 = arith.constant 0 : i32
          %lt3A_692 = arith.cmpi slt, %select_n3A_685, %lt3A_691 : i32
          %ne3A_693 = arith.xori %lt3A_690, %lt3A_692 : i1
          %and3A_694 = arith.andi %ne3A_693, %ne3A_688 : i1
          %add3A_695 = arith.addi %rem3A_686, %select_n3A_685 : i32
          %select_n3A_696 = arith.select %and3A_694, %add3A_695, %rem3A_686 : i32
          %dma_wait3A_697 = arith.constant 0 : i32
          %dma_wait3A_698 = tpu.memref_slice %arg10[%select_n3A_696, %dma_wait3A_697] : memref<25x80xi32, #tpu.memory_space<vmem>> -> memref<1x80xi32, #tpu.memory_space<vmem>>
          %dma_wait3A_699 = tpu.memref_squeeze %dma_wait3A_698 : memref<1x80xi32, #tpu.memory_space<vmem>> -> memref<80xi32, #tpu.memory_space<vmem>>
          %dma_wait3A_700 = arith.constant 0 : i32
          %dma_wait3A_701 = arith.constant 0 : i32
          %dma_wait3A_702 = tpu.memref_slice %arg7[%dma_wait3A_700, %dma_wait3A_701] : memref<10000x112xf32, #tpu.memory_space<vmem_shared>> -> memref<10000x112xf32, #tpu.memory_space<vmem_shared>>
          tpu.wait_indirect_dma semaphore(%arg21 : memref<!tpu.dma_semaphore, #tpu.memory_space<semaphore_mem>>) src(%arg11 : memref<80x112xf32, #tpu.memory_space<vmem>>) dst(%dma_wait3A_702 : memref<10000x112xf32, #tpu.memory_space<vmem_shared>>)
        } else {
        }
      } else {
      }
      %jit3A_322 = arith.constant 25 : i32
      %div3A_323 = arith.divsi %add3A_316, %jit3A_322 : i32
      %sign3A_324 = arith.constant 0 : i32
      %sign3A_325 = arith.cmpi sgt, %add3A_316, %sign3A_324 : i32
      %sign3A_326 = arith.extui %sign3A_325 : i1 to i32
      %sign3A_327 = arith.constant 0 : i32
      %sign3A_328 = arith.cmpi slt, %add3A_316, %sign3A_327 : i32
      %sign3A_329 = arith.extui %sign3A_328 : i1 to i32
      %sign3A_330 = arith.subi %sign3A_326, %sign3A_329 : i32
      %sign3A_331 = arith.constant 0 : i32
      %sign3A_332 = arith.cmpi sgt, %jit3A_322, %sign3A_331 : i32
      %sign3A_333 = arith.extui %sign3A_332 : i1 to i32
      %sign3A_334 = arith.constant 0 : i32
      %sign3A_335 = arith.cmpi slt, %jit3A_322, %sign3A_334 : i32
      %sign3A_336 = arith.extui %sign3A_335 : i1 to i32
      %sign3A_337 = arith.subi %sign3A_333, %sign3A_336 : i32
      %ne3A_338 = arith.cmpi ne, %sign3A_330, %sign3A_337 : i32
      %rem3A_339 = arith.remsi %add3A_316, %jit3A_322 : i32
      %ne3A_340 = arith.constant 0 : i32
      %ne3A_341 = arith.cmpi ne, %rem3A_339, %ne3A_340 : i32
      %and3A_342 = arith.andi %ne3A_338, %ne3A_341 : i1
      %sub3A_343 = arith.constant 1 : i32
      %sub3A_344 = arith.subi %div3A_323, %sub3A_343 : i32
      %select_n3A_345 = arith.select %and3A_342, %sub3A_344, %div3A_323 : i32
      %jit3A_346 = arith.constant 2 : i32
      %eq3A_347 = arith.constant 0 : i32
      %eq3A_348 = arith.cmpi eq, %jit3A_346, %eq3A_347 : i32
      %jit3A_349 = arith.constant 1 : i32
      %select_n3A_350 = arith.select %eq3A_348, %jit3A_349, %jit3A_346 : i32
      %rem3A_351 = arith.remsi %select_n3A_345, %select_n3A_350 : i32
      %ne3A_352 = arith.constant 0 : i32
      %ne3A_353 = arith.cmpi ne, %rem3A_351, %ne3A_352 : i32
      %lt3A_354 = arith.constant 0 : i32
      %lt3A_355 = arith.cmpi slt, %rem3A_351, %lt3A_354 : i32
      %lt3A_356 = arith.constant 0 : i32
      %lt3A_357 = arith.cmpi slt, %select_n3A_350, %lt3A_356 : i32
      %ne3A_358 = arith.xori %lt3A_355, %lt3A_357 : i1
      %and3A_359 = arith.andi %ne3A_358, %ne3A_353 : i1
      %add3A_360 = arith.addi %rem3A_351, %select_n3A_350 : i32
      %select_n3A_361 = arith.select %and3A_359, %add3A_360, %rem3A_351 : i32
      %jit3A_362 = arith.constant 25 : i32
      %eq3A_363 = arith.constant 0 : i32
      %eq3A_364 = arith.cmpi eq, %jit3A_362, %eq3A_363 : i32
      %jit3A_365 = arith.constant 1 : i32
      %select_n3A_366 = arith.select %eq3A_364, %jit3A_365, %jit3A_362 : i32
      %rem3A_367 = arith.remsi %add3A_316, %select_n3A_366 : i32
      %ne3A_368 = arith.constant 0 : i32
      %ne3A_369 = arith.cmpi ne, %rem3A_367, %ne3A_368 : i32
      %lt3A_370 = arith.constant 0 : i32
      %lt3A_371 = arith.cmpi slt, %rem3A_367, %lt3A_370 : i32
      %lt3A_372 = arith.constant 0 : i32
      %lt3A_373 = arith.cmpi slt, %select_n3A_366, %lt3A_372 : i32
      %ne3A_374 = arith.xori %lt3A_371, %lt3A_373 : i1
      %and3A_375 = arith.andi %ne3A_374, %ne3A_369 : i1
      %add3A_376 = arith.addi %rem3A_367, %select_n3A_366 : i32
      %select_n3A_377 = arith.select %and3A_375, %add3A_376, %rem3A_367 : i32
      %eq3A_378 = arith.constant 2 : i32
      %eq3A_379 = arith.cmpi eq, %select_n3A_377, %eq3A_378 : i32
      %add3A_380 = arith.constant 23 : i32
      %add3A_381 = arith.addi %add3A_316, %add3A_380 : i32
      %lt3A_382 = arith.constant 250 : i32
      %lt3A_383 = arith.cmpi slt, %add3A_381, %lt3A_382 : i32
      %and3A_384 = arith.andi %eq3A_379, %lt3A_383 : i1
      %eq3A_385 = arith.constant 0 : i32
      %eq3A_386 = arith.cmpi eq, %select_n3A_361, %eq3A_385 : i32
      %and3A_387 = arith.andi %and3A_384, %eq3A_386 : i1
      %convert_element_type3A_388 = arith.extui %and3A_387 : i1 to i32
      %cond3A_389 = arith.constant 0 : i32
      %cond3A_390 = arith.cmpi ne, %convert_element_type3A_388, %cond3A_389 : i32
      scf.if %cond3A_390 {
        %add3A_629 = arith.addi %mul3A_6, %add3A_316 : i32
        %add3A_630 = arith.constant 23 : i32
        %add3A_631 = arith.addi %add3A_629, %add3A_630 : i32
        %dma_start3A = arith.constant 0 : i32
        %dma_start3A_632 = tpu.memref_slice %arg5[%add3A_631, %dma_start3A] : memref<4000x80xi32, #tpu.memory_space<hbm>> -> memref<25x80xi32, #tpu.memory_space<hbm>>
        %dma_start3A_633 = arith.constant 0 : i32
        %dma_start3A_634 = tpu.memref_slice %arg5[%add3A_631, %dma_start3A_633] : memref<4000x80xi32, #tpu.memory_space<hbm>> -> memref<25x80xi32, #tpu.memory_space<hbm>>
        tpu.enqueue_dma source(%dma_start3A_634 : memref<25x80xi32, #tpu.memory_space<hbm>>) target(%arg10 : memref<25x80xi32, #tpu.memory_space<vmem>>) target_semaphore(%arg26 : memref<!tpu.dma_semaphore, #tpu.memory_space<semaphore_mem>>)
      } else {
      }
      %jit3A_391 = arith.constant 25 : i32
      %eq3A_392 = arith.constant 0 : i32
      %eq3A_393 = arith.cmpi eq, %jit3A_391, %eq3A_392 : i32
      %jit3A_394 = arith.constant 1 : i32
      %select_n3A_395 = arith.select %eq3A_393, %jit3A_394, %jit3A_391 : i32
      %rem3A_396 = arith.remsi %add3A_316, %select_n3A_395 : i32
      %ne3A_397 = arith.constant 0 : i32
      %ne3A_398 = arith.cmpi ne, %rem3A_396, %ne3A_397 : i32
      %lt3A_399 = arith.constant 0 : i32
      %lt3A_400 = arith.cmpi slt, %rem3A_396, %lt3A_399 : i32
      %lt3A_401 = arith.constant 0 : i32
      %lt3A_402 = arith.cmpi slt, %select_n3A_395, %lt3A_401 : i32
      %ne3A_403 = arith.xori %lt3A_400, %lt3A_402 : i1
      %and3A_404 = arith.andi %ne3A_403, %ne3A_398 : i1
      %add3A_405 = arith.addi %rem3A_396, %select_n3A_395 : i32
      %select_n3A_406 = arith.select %and3A_404, %add3A_405, %rem3A_396 : i32
      %eq3A_407 = arith.constant 2 : i32
      %eq3A_408 = arith.cmpi eq, %select_n3A_406, %eq3A_407 : i32
      %add3A_409 = arith.constant 23 : i32
      %add3A_410 = arith.addi %add3A_316, %add3A_409 : i32
      %lt3A_411 = arith.constant 250 : i32
      %lt3A_412 = arith.cmpi slt, %add3A_410, %lt3A_411 : i32
      %and3A_413 = arith.andi %eq3A_408, %lt3A_412 : i1
      %eq3A_414 = arith.constant 1 : i32
      %eq3A_415 = arith.cmpi eq, %select_n3A_361, %eq3A_414 : i32
      %and3A_416 = arith.andi %and3A_413, %eq3A_415 : i1
      %convert_element_type3A_417 = arith.extui %and3A_416 : i1 to i32
      %cond3A_418 = arith.constant 0 : i32
      %cond3A_419 = arith.cmpi ne, %convert_element_type3A_417, %cond3A_418 : i32
      scf.if %cond3A_419 {
        %add3A_629 = arith.addi %mul3A_6, %add3A_316 : i32
        %add3A_630 = arith.constant 23 : i32
        %add3A_631 = arith.addi %add3A_629, %add3A_630 : i32
        %dma_start3A = arith.constant 0 : i32
        %dma_start3A_632 = tpu.memref_slice %arg5[%add3A_631, %dma_start3A] : memref<4000x80xi32, #tpu.memory_space<hbm>> -> memref<25x80xi32, #tpu.memory_space<hbm>>
        %dma_start3A_633 = arith.constant 0 : i32
        %dma_start3A_634 = tpu.memref_slice %arg5[%add3A_631, %dma_start3A_633] : memref<4000x80xi32, #tpu.memory_space<hbm>> -> memref<25x80xi32, #tpu.memory_space<hbm>>
        tpu.enqueue_dma source(%dma_start3A_634 : memref<25x80xi32, #tpu.memory_space<hbm>>) target(%arg9 : memref<25x80xi32, #tpu.memory_space<vmem>>) target_semaphore(%arg26 : memref<!tpu.dma_semaphore, #tpu.memory_space<semaphore_mem>>)
      } else {
      }
      %eq3A_420 = arith.constant 122 : i32
      %eq3A_421 = arith.cmpi eq, %add3A_316, %eq3A_420 : i32
      %convert_element_type3A_422 = arith.extui %eq3A_421 : i1 to i32
      %cond3A_423 = arith.constant 0 : i32
      %cond3A_424 = arith.cmpi ne, %convert_element_type3A_422, %cond3A_423 : i32
      scf.if %cond3A_424 {
        %eq3A_629 = arith.constant 0 : i32
        %eq3A_630 = arith.cmpi eq, %arg0, %eq3A_629 : i32
        %convert_element_type3A_631 = arith.extui %eq3A_630 : i1 to i32
        %cond3A_632 = arith.constant 0 : i32
        %cond3A_633 = arith.cmpi ne, %convert_element_type3A_631, %cond3A_632 : i32
        scf.if %cond3A_633 {
          %jit3A_665 = arith.constant 125 : i32
          %eq3A_666 = arith.constant 0 : i32
          %eq3A_667 = arith.cmpi eq, %jit3A_665, %eq3A_666 : i32
          %jit3A_668 = arith.constant 1 : i32
          %select_n3A_669 = arith.select %eq3A_667, %jit3A_668, %jit3A_665 : i32
          %rem3A_670 = arith.remsi %add3A_316, %select_n3A_669 : i32
          %ne3A_671 = arith.constant 0 : i32
          %ne3A_672 = arith.cmpi ne, %rem3A_670, %ne3A_671 : i32
          %lt3A_673 = arith.constant 0 : i32
          %lt3A_674 = arith.cmpi slt, %rem3A_670, %lt3A_673 : i32
          %lt3A_675 = arith.constant 0 : i32
          %lt3A_676 = arith.cmpi slt, %select_n3A_669, %lt3A_675 : i32
          %ne3A_677 = arith.xori %lt3A_674, %lt3A_676 : i1
          %and3A_678 = arith.andi %ne3A_677, %ne3A_672 : i1
          %add3A_679 = arith.addi %rem3A_670, %select_n3A_669 : i32
          %select_n3A_680 = arith.select %and3A_678, %add3A_679, %rem3A_670 : i32
          %dma_wait3A_681 = arith.constant 0 : i32
          %dma_wait3A_682 = tpu.memref_slice %arg8[%select_n3A_680, %dma_wait3A_681] : memref<125x80xi32, #tpu.memory_space<vmem>> -> memref<1x80xi32, #tpu.memory_space<vmem>>
          %dma_wait3A_683 = tpu.memref_squeeze %dma_wait3A_682 : memref<1x80xi32, #tpu.memory_space<vmem>> -> memref<80xi32, #tpu.memory_space<vmem>>
          %dma_wait3A_684 = arith.constant 0 : i32
          %dma_wait3A_685 = arith.constant 0 : i32
          %dma_wait3A_686 = tpu.memref_slice %arg2[%dma_wait3A_684, %dma_wait3A_685] : memref<10000x112xf32, #tpu.memory_space<hbm>> -> memref<10000x112xf32, #tpu.memory_space<hbm>>
          tpu.wait_indirect_dma semaphore(%arg18 : memref<!tpu.dma_semaphore, #tpu.memory_space<semaphore_mem>>) src(%dma_wait3A_686 : memref<10000x112xf32, #tpu.memory_space<hbm>>) dst(%arg13 : memref<80x112xf32, #tpu.memory_space<vmem>>)
        } else {
        }
        %eq3A_634 = arith.constant 1 : i32
        %eq3A_635 = arith.cmpi eq, %arg0, %eq3A_634 : i32
        %convert_element_type3A_636 = arith.extui %eq3A_635 : i1 to i32
        %cond3A_637 = arith.constant 0 : i32
        %cond3A_638 = arith.cmpi ne, %convert_element_type3A_636, %cond3A_637 : i32
        scf.if %cond3A_638 {
          %jit3A_665 = arith.constant 125 : i32
          %eq3A_666 = arith.constant 0 : i32
          %eq3A_667 = arith.cmpi eq, %jit3A_665, %eq3A_666 : i32
          %jit3A_668 = arith.constant 1 : i32
          %select_n3A_669 = arith.select %eq3A_667, %jit3A_668, %jit3A_665 : i32
          %rem3A_670 = arith.remsi %add3A_316, %select_n3A_669 : i32
          %ne3A_671 = arith.constant 0 : i32
          %ne3A_672 = arith.cmpi ne, %rem3A_670, %ne3A_671 : i32
          %lt3A_673 = arith.constant 0 : i32
          %lt3A_674 = arith.cmpi slt, %rem3A_670, %lt3A_673 : i32
          %lt3A_675 = arith.constant 0 : i32
          %lt3A_676 = arith.cmpi slt, %select_n3A_669, %lt3A_675 : i32
          %ne3A_677 = arith.xori %lt3A_674, %lt3A_676 : i1
          %and3A_678 = arith.andi %ne3A_677, %ne3A_672 : i1
          %add3A_679 = arith.addi %rem3A_670, %select_n3A_669 : i32
          %select_n3A_680 = arith.select %and3A_678, %add3A_679, %rem3A_670 : i32
          %dma_wait3A_681 = arith.constant 0 : i32
          %dma_wait3A_682 = tpu.memref_slice %arg8[%select_n3A_680, %dma_wait3A_681] : memref<125x80xi32, #tpu.memory_space<vmem>> -> memref<1x80xi32, #tpu.memory_space<vmem>>
          %dma_wait3A_683 = tpu.memref_squeeze %dma_wait3A_682 : memref<1x80xi32, #tpu.memory_space<vmem>> -> memref<80xi32, #tpu.memory_space<vmem>>
          %dma_wait3A_684 = arith.constant 0 : i32
          %dma_wait3A_685 = arith.constant 0 : i32
          %dma_wait3A_686 = tpu.memref_slice %arg3[%dma_wait3A_684, %dma_wait3A_685] : memref<10000x112xf32, #tpu.memory_space<hbm>> -> memref<10000x112xf32, #tpu.memory_space<hbm>>
          tpu.wait_indirect_dma semaphore(%arg18 : memref<!tpu.dma_semaphore, #tpu.memory_space<semaphore_mem>>) src(%dma_wait3A_686 : memref<10000x112xf32, #tpu.memory_space<hbm>>) dst(%arg13 : memref<80x112xf32, #tpu.memory_space<vmem>>)
        } else {
        }
        %add3A_639 = arith.constant 1 : i32
        %add3A_640 = arith.addi %add3A_316, %add3A_639 : i32
        %eq3A_641 = arith.constant 0 : i32
        %eq3A_642 = arith.cmpi eq, %arg0, %eq3A_641 : i32
        %convert_element_type3A_643 = arith.extui %eq3A_642 : i1 to i32
        %cond3A_644 = arith.constant 0 : i32
        %cond3A_645 = arith.cmpi ne, %convert_element_type3A_643, %cond3A_644 : i32
        scf.if %cond3A_645 {
          %jit3A_665 = arith.constant 125 : i32
          %eq3A_666 = arith.constant 0 : i32
          %eq3A_667 = arith.cmpi eq, %jit3A_665, %eq3A_666 : i32
          %jit3A_668 = arith.constant 1 : i32
          %select_n3A_669 = arith.select %eq3A_667, %jit3A_668, %jit3A_665 : i32
          %rem3A_670 = arith.remsi %add3A_640, %select_n3A_669 : i32
          %ne3A_671 = arith.constant 0 : i32
          %ne3A_672 = arith.cmpi ne, %rem3A_670, %ne3A_671 : i32
          %lt3A_673 = arith.constant 0 : i32
          %lt3A_674 = arith.cmpi slt, %rem3A_670, %lt3A_673 : i32
          %lt3A_675 = arith.constant 0 : i32
          %lt3A_676 = arith.cmpi slt, %select_n3A_669, %lt3A_675 : i32
          %ne3A_677 = arith.xori %lt3A_674, %lt3A_676 : i1
          %and3A_678 = arith.andi %ne3A_677, %ne3A_672 : i1
          %add3A_679 = arith.addi %rem3A_670, %select_n3A_669 : i32
          %select_n3A_680 = arith.select %and3A_678, %add3A_679, %rem3A_670 : i32
          %dma_wait3A_681 = arith.constant 0 : i32
          %dma_wait3A_682 = tpu.memref_slice %arg8[%select_n3A_680, %dma_wait3A_681] : memref<125x80xi32, #tpu.memory_space<vmem>> -> memref<1x80xi32, #tpu.memory_space<vmem>>
          %dma_wait3A_683 = tpu.memref_squeeze %dma_wait3A_682 : memref<1x80xi32, #tpu.memory_space<vmem>> -> memref<80xi32, #tpu.memory_space<vmem>>
          %dma_wait3A_684 = arith.constant 0 : i32
          %dma_wait3A_685 = arith.constant 0 : i32
          %dma_wait3A_686 = tpu.memref_slice %arg2[%dma_wait3A_684, %dma_wait3A_685] : memref<10000x112xf32, #tpu.memory_space<hbm>> -> memref<10000x112xf32, #tpu.memory_space<hbm>>
          tpu.wait_indirect_dma semaphore(%arg19 : memref<!tpu.dma_semaphore, #tpu.memory_space<semaphore_mem>>) src(%dma_wait3A_686 : memref<10000x112xf32, #tpu.memory_space<hbm>>) dst(%arg14 : memref<80x112xf32, #tpu.memory_space<vmem>>)
        } else {
        }
        %eq3A_646 = arith.constant 1 : i32
        %eq3A_647 = arith.cmpi eq, %arg0, %eq3A_646 : i32
        %convert_element_type3A_648 = arith.extui %eq3A_647 : i1 to i32
        %cond3A_649 = arith.constant 0 : i32
        %cond3A_650 = arith.cmpi ne, %convert_element_type3A_648, %cond3A_649 : i32
        scf.if %cond3A_650 {
          %jit3A_665 = arith.constant 125 : i32
          %eq3A_666 = arith.constant 0 : i32
          %eq3A_667 = arith.cmpi eq, %jit3A_665, %eq3A_666 : i32
          %jit3A_668 = arith.constant 1 : i32
          %select_n3A_669 = arith.select %eq3A_667, %jit3A_668, %jit3A_665 : i32
          %rem3A_670 = arith.remsi %add3A_640, %select_n3A_669 : i32
          %ne3A_671 = arith.constant 0 : i32
          %ne3A_672 = arith.cmpi ne, %rem3A_670, %ne3A_671 : i32
          %lt3A_673 = arith.constant 0 : i32
          %lt3A_674 = arith.cmpi slt, %rem3A_670, %lt3A_673 : i32
          %lt3A_675 = arith.constant 0 : i32
          %lt3A_676 = arith.cmpi slt, %select_n3A_669, %lt3A_675 : i32
          %ne3A_677 = arith.xori %lt3A_674, %lt3A_676 : i1
          %and3A_678 = arith.andi %ne3A_677, %ne3A_672 : i1
          %add3A_679 = arith.addi %rem3A_670, %select_n3A_669 : i32
          %select_n3A_680 = arith.select %and3A_678, %add3A_679, %rem3A_670 : i32
          %dma_wait3A_681 = arith.constant 0 : i32
          %dma_wait3A_682 = tpu.memref_slice %arg8[%select_n3A_680, %dma_wait3A_681] : memref<125x80xi32, #tpu.memory_space<vmem>> -> memref<1x80xi32, #tpu.memory_space<vmem>>
          %dma_wait3A_683 = tpu.memref_squeeze %dma_wait3A_682 : memref<1x80xi32, #tpu.memory_space<vmem>> -> memref<80xi32, #tpu.memory_space<vmem>>
          %dma_wait3A_684 = arith.constant 0 : i32
          %dma_wait3A_685 = arith.constant 0 : i32
          %dma_wait3A_686 = tpu.memref_slice %arg3[%dma_wait3A_684, %dma_wait3A_685] : memref<10000x112xf32, #tpu.memory_space<hbm>> -> memref<10000x112xf32, #tpu.memory_space<hbm>>
          tpu.wait_indirect_dma semaphore(%arg19 : memref<!tpu.dma_semaphore, #tpu.memory_space<semaphore_mem>>) src(%dma_wait3A_686 : memref<10000x112xf32, #tpu.memory_space<hbm>>) dst(%arg14 : memref<80x112xf32, #tpu.memory_space<vmem>>)
        } else {
        }
        %add3A_651 = arith.constant 2 : i32
        %add3A_652 = arith.addi %add3A_316, %add3A_651 : i32
        %eq3A_653 = arith.constant 0 : i32
        %eq3A_654 = arith.cmpi eq, %arg0, %eq3A_653 : i32
        %convert_element_type3A_655 = arith.extui %eq3A_654 : i1 to i32
        %cond3A_656 = arith.constant 0 : i32
        %cond3A_657 = arith.cmpi ne, %convert_element_type3A_655, %cond3A_656 : i32
        scf.if %cond3A_657 {
          %jit3A_665 = arith.constant 125 : i32
          %eq3A_666 = arith.constant 0 : i32
          %eq3A_667 = arith.cmpi eq, %jit3A_665, %eq3A_666 : i32
          %jit3A_668 = arith.constant 1 : i32
          %select_n3A_669 = arith.select %eq3A_667, %jit3A_668, %jit3A_665 : i32
          %rem3A_670 = arith.remsi %add3A_652, %select_n3A_669 : i32
          %ne3A_671 = arith.constant 0 : i32
          %ne3A_672 = arith.cmpi ne, %rem3A_670, %ne3A_671 : i32
          %lt3A_673 = arith.constant 0 : i32
          %lt3A_674 = arith.cmpi slt, %rem3A_670, %lt3A_673 : i32
          %lt3A_675 = arith.constant 0 : i32
          %lt3A_676 = arith.cmpi slt, %select_n3A_669, %lt3A_675 : i32
          %ne3A_677 = arith.xori %lt3A_674, %lt3A_676 : i1
          %and3A_678 = arith.andi %ne3A_677, %ne3A_672 : i1
          %add3A_679 = arith.addi %rem3A_670, %select_n3A_669 : i32
          %select_n3A_680 = arith.select %and3A_678, %add3A_679, %rem3A_670 : i32
          %dma_wait3A_681 = arith.constant 0 : i32
          %dma_wait3A_682 = tpu.memref_slice %arg8[%select_n3A_680, %dma_wait3A_681] : memref<125x80xi32, #tpu.memory_space<vmem>> -> memref<1x80xi32, #tpu.memory_space<vmem>>
          %dma_wait3A_683 = tpu.memref_squeeze %dma_wait3A_682 : memref<1x80xi32, #tpu.memory_space<vmem>> -> memref<80xi32, #tpu.memory_space<vmem>>
          %dma_wait3A_684 = arith.constant 0 : i32
          %dma_wait3A_685 = arith.constant 0 : i32
          %dma_wait3A_686 = tpu.memref_slice %arg2[%dma_wait3A_684, %dma_wait3A_685] : memref<10000x112xf32, #tpu.memory_space<hbm>> -> memref<10000x112xf32, #tpu.memory_space<hbm>>
          tpu.wait_indirect_dma semaphore(%arg20 : memref<!tpu.dma_semaphore, #tpu.memory_space<semaphore_mem>>) src(%dma_wait3A_686 : memref<10000x112xf32, #tpu.memory_space<hbm>>) dst(%arg15 : memref<80x112xf32, #tpu.memory_space<vmem>>)
        } else {
        }
        %eq3A_658 = arith.constant 1 : i32
        %eq3A_659 = arith.cmpi eq, %arg0, %eq3A_658 : i32
        %convert_element_type3A_660 = arith.extui %eq3A_659 : i1 to i32
        %cond3A_661 = arith.constant 0 : i32
        %cond3A_662 = arith.cmpi ne, %convert_element_type3A_660, %cond3A_661 : i32
        scf.if %cond3A_662 {
          %jit3A_665 = arith.constant 125 : i32
          %eq3A_666 = arith.constant 0 : i32
          %eq3A_667 = arith.cmpi eq, %jit3A_665, %eq3A_666 : i32
          %jit3A_668 = arith.constant 1 : i32
          %select_n3A_669 = arith.select %eq3A_667, %jit3A_668, %jit3A_665 : i32
          %rem3A_670 = arith.remsi %add3A_652, %select_n3A_669 : i32
          %ne3A_671 = arith.constant 0 : i32
          %ne3A_672 = arith.cmpi ne, %rem3A_670, %ne3A_671 : i32
          %lt3A_673 = arith.constant 0 : i32
          %lt3A_674 = arith.cmpi slt, %rem3A_670, %lt3A_673 : i32
          %lt3A_675 = arith.constant 0 : i32
          %lt3A_676 = arith.cmpi slt, %select_n3A_669, %lt3A_675 : i32
          %ne3A_677 = arith.xori %lt3A_674, %lt3A_676 : i1
          %and3A_678 = arith.andi %ne3A_677, %ne3A_672 : i1
          %add3A_679 = arith.addi %rem3A_670, %select_n3A_669 : i32
          %select_n3A_680 = arith.select %and3A_678, %add3A_679, %rem3A_670 : i32
          %dma_wait3A_681 = arith.constant 0 : i32
          %dma_wait3A_682 = tpu.memref_slice %arg8[%select_n3A_680, %dma_wait3A_681] : memref<125x80xi32, #tpu.memory_space<vmem>> -> memref<1x80xi32, #tpu.memory_space<vmem>>
          %dma_wait3A_683 = tpu.memref_squeeze %dma_wait3A_682 : memref<1x80xi32, #tpu.memory_space<vmem>> -> memref<80xi32, #tpu.memory_space<vmem>>
          %dma_wait3A_684 = arith.constant 0 : i32
          %dma_wait3A_685 = arith.constant 0 : i32
          %dma_wait3A_686 = tpu.memref_slice %arg3[%dma_wait3A_684, %dma_wait3A_685] : memref<10000x112xf32, #tpu.memory_space<hbm>> -> memref<10000x112xf32, #tpu.memory_space<hbm>>
          tpu.wait_indirect_dma semaphore(%arg20 : memref<!tpu.dma_semaphore, #tpu.memory_space<semaphore_mem>>) src(%dma_wait3A_686 : memref<10000x112xf32, #tpu.memory_space<hbm>>) dst(%arg15 : memref<80x112xf32, #tpu.memory_space<vmem>>)
        } else {
        }
        %add3A_663 = arith.constant 125 : i32
        %add3A_664 = arith.addi %mul3A_6, %add3A_663 : i32
        "tpu.region"() ({
          %run_scoped3A = tpu.sem_alloc : memref<!tpu.dma_semaphore, #tpu.memory_space<semaphore_mem>>
          %dma_start3A = arith.constant 0 : i32
          %dma_start3A_665 = tpu.memref_slice %arg4[%add3A_664, %dma_start3A] : memref<4000x80xi32, #tpu.memory_space<hbm>> -> memref<125x80xi32, #tpu.memory_space<hbm>>
          %dma_start3A_666 = arith.constant 0 : i32
          %dma_start3A_667 = tpu.memref_slice %arg4[%add3A_664, %dma_start3A_666] : memref<4000x80xi32, #tpu.memory_space<hbm>> -> memref<125x80xi32, #tpu.memory_space<hbm>>
          tpu.enqueue_dma source(%dma_start3A_667 : memref<125x80xi32, #tpu.memory_space<hbm>>) target(%arg8 : memref<125x80xi32, #tpu.memory_space<vmem>>) target_semaphore(%run_scoped3A : memref<!tpu.dma_semaphore, #tpu.memory_space<semaphore_mem>>)
          %dma_wait3A_668 = arith.constant 0 : i32
          %dma_wait3A_669 = tpu.memref_slice %arg4[%add3A_664, %dma_wait3A_668] : memref<4000x80xi32, #tpu.memory_space<hbm>> -> memref<125x80xi32, #tpu.memory_space<hbm>>
          %dma_wait3A_670 = arith.constant 0 : i32
          %dma_wait3A_671 = tpu.memref_slice %arg4[%add3A_664, %dma_wait3A_670] : memref<4000x80xi32, #tpu.memory_space<hbm>> -> memref<125x80xi32, #tpu.memory_space<hbm>>
          tpu.wait_dma2 semaphore(%run_scoped3A : memref<!tpu.dma_semaphore, #tpu.memory_space<semaphore_mem>>) src(%dma_wait3A_671 : memref<125x80xi32, #tpu.memory_space<hbm>>) dst(%arg8 : memref<125x80xi32, #tpu.memory_space<vmem>>)
          tpu.yield
        }) : () -> ()
      } else {
      }
      %add3A_425 = arith.constant 3 : i32
      %add3A_426 = arith.addi %add3A_316, %add3A_425 : i32
      %lt3A_427 = arith.constant 250 : i32
      %lt3A_428 = arith.cmpi slt, %add3A_426, %lt3A_427 : i32
      %convert_element_type3A_429 = arith.extui %lt3A_428 : i1 to i32
      %cond3A_430 = arith.constant 0 : i32
      %cond3A_431 = arith.cmpi ne, %convert_element_type3A_429, %cond3A_430 : i32
      scf.if %cond3A_431 {
        %add3A_629 = arith.constant 3 : i32
        %add3A_630 = arith.addi %add3A_316, %add3A_629 : i32
        %eq3A_631 = arith.constant 0 : i32
        %eq3A_632 = arith.cmpi eq, %arg0, %eq3A_631 : i32
        %convert_element_type3A_633 = arith.extui %eq3A_632 : i1 to i32
        %cond3A_634 = arith.constant 0 : i32
        %cond3A_635 = arith.cmpi ne, %convert_element_type3A_633, %cond3A_634 : i32
        scf.if %cond3A_635 {
          %jit3A_641 = arith.constant 125 : i32
          %eq3A_642 = arith.constant 0 : i32
          %eq3A_643 = arith.cmpi eq, %jit3A_641, %eq3A_642 : i32
          %jit3A_644 = arith.constant 1 : i32
          %select_n3A_645 = arith.select %eq3A_643, %jit3A_644, %jit3A_641 : i32
          %rem3A_646 = arith.remsi %add3A_630, %select_n3A_645 : i32
          %ne3A_647 = arith.constant 0 : i32
          %ne3A_648 = arith.cmpi ne, %rem3A_646, %ne3A_647 : i32
          %lt3A_649 = arith.constant 0 : i32
          %lt3A_650 = arith.cmpi slt, %rem3A_646, %lt3A_649 : i32
          %lt3A_651 = arith.constant 0 : i32
          %lt3A_652 = arith.cmpi slt, %select_n3A_645, %lt3A_651 : i32
          %ne3A_653 = arith.xori %lt3A_650, %lt3A_652 : i1
          %and3A_654 = arith.andi %ne3A_653, %ne3A_648 : i1
          %add3A_655 = arith.addi %rem3A_646, %select_n3A_645 : i32
          %select_n3A_656 = arith.select %and3A_654, %add3A_655, %rem3A_646 : i32
          %dma_start3A = arith.constant 0 : i32
          %dma_start3A_657 = tpu.memref_slice %arg8[%select_n3A_656, %dma_start3A] : memref<125x80xi32, #tpu.memory_space<vmem>> -> memref<1x80xi32, #tpu.memory_space<vmem>>
          %dma_start3A_658 = tpu.memref_squeeze %dma_start3A_657 : memref<1x80xi32, #tpu.memory_space<vmem>> -> memref<80xi32, #tpu.memory_space<vmem>>
          %dma_start3A_659 = arith.constant 0 : i32
          %dma_start3A_660 = arith.constant 0 : i32
          %dma_start3A_661 = tpu.memref_slice %arg2[%dma_start3A_659, %dma_start3A_660] : memref<10000x112xf32, #tpu.memory_space<hbm>> -> memref<10000x112xf32, #tpu.memory_space<hbm>>
          tpu.enqueue_indirect_dma source(%dma_start3A_661 : memref<10000x112xf32, #tpu.memory_space<hbm>>) target(%arg11 : memref<80x112xf32, #tpu.memory_space<vmem>>) offsets(%dma_start3A_658 : memref<80xi32, #tpu.memory_space<vmem>>) semaphore(%arg16 : memref<!tpu.dma_semaphore, #tpu.memory_space<semaphore_mem>>)
        } else {
        }
        %eq3A_636 = arith.constant 1 : i32
        %eq3A_637 = arith.cmpi eq, %arg0, %eq3A_636 : i32
        %convert_element_type3A_638 = arith.extui %eq3A_637 : i1 to i32
        %cond3A_639 = arith.constant 0 : i32
        %cond3A_640 = arith.cmpi ne, %convert_element_type3A_638, %cond3A_639 : i32
        scf.if %cond3A_640 {
          %jit3A_641 = arith.constant 125 : i32
          %eq3A_642 = arith.constant 0 : i32
          %eq3A_643 = arith.cmpi eq, %jit3A_641, %eq3A_642 : i32
          %jit3A_644 = arith.constant 1 : i32
          %select_n3A_645 = arith.select %eq3A_643, %jit3A_644, %jit3A_641 : i32
          %rem3A_646 = arith.remsi %add3A_630, %select_n3A_645 : i32
          %ne3A_647 = arith.constant 0 : i32
          %ne3A_648 = arith.cmpi ne, %rem3A_646, %ne3A_647 : i32
          %lt3A_649 = arith.constant 0 : i32
          %lt3A_650 = arith.cmpi slt, %rem3A_646, %lt3A_649 : i32
          %lt3A_651 = arith.constant 0 : i32
          %lt3A_652 = arith.cmpi slt, %select_n3A_645, %lt3A_651 : i32
          %ne3A_653 = arith.xori %lt3A_650, %lt3A_652 : i1
          %and3A_654 = arith.andi %ne3A_653, %ne3A_648 : i1
          %add3A_655 = arith.addi %rem3A_646, %select_n3A_645 : i32
          %select_n3A_656 = arith.select %and3A_654, %add3A_655, %rem3A_646 : i32
          %dma_start3A = arith.constant 0 : i32
          %dma_start3A_657 = tpu.memref_slice %arg8[%select_n3A_656, %dma_start3A] : memref<125x80xi32, #tpu.memory_space<vmem>> -> memref<1x80xi32, #tpu.memory_space<vmem>>
          %dma_start3A_658 = tpu.memref_squeeze %dma_start3A_657 : memref<1x80xi32, #tpu.memory_space<vmem>> -> memref<80xi32, #tpu.memory_space<vmem>>
          %dma_start3A_659 = arith.constant 0 : i32
          %dma_start3A_660 = arith.constant 0 : i32
          %dma_start3A_661 = tpu.memref_slice %arg3[%dma_start3A_659, %dma_start3A_660] : memref<10000x112xf32, #tpu.memory_space<hbm>> -> memref<10000x112xf32, #tpu.memory_space<hbm>>
          tpu.enqueue_indirect_dma source(%dma_start3A_661 : memref<10000x112xf32, #tpu.memory_space<hbm>>) target(%arg11 : memref<80x112xf32, #tpu.memory_space<vmem>>) offsets(%dma_start3A_658 : memref<80xi32, #tpu.memory_space<vmem>>) semaphore(%arg16 : memref<!tpu.dma_semaphore, #tpu.memory_space<semaphore_mem>>)
        } else {
        }
      } else {
      }
      %ne3A_432 = arith.constant 122 : i32
      %ne3A_433 = arith.cmpi ne, %add3A_316, %ne3A_432 : i32
      %convert_element_type3A_434 = arith.extui %ne3A_433 : i1 to i32
      %cond3A_435 = arith.constant 0 : i32
      %cond3A_436 = arith.cmpi ne, %convert_element_type3A_434, %cond3A_435 : i32
      scf.if %cond3A_436 {
        %eq3A_629 = arith.constant 0 : i32
        %eq3A_630 = arith.cmpi eq, %arg0, %eq3A_629 : i32
        %convert_element_type3A_631 = arith.extui %eq3A_630 : i1 to i32
        %cond3A_632 = arith.constant 0 : i32
        %cond3A_633 = arith.cmpi ne, %convert_element_type3A_631, %cond3A_632 : i32
        scf.if %cond3A_633 {
          %jit3A_639 = arith.constant 125 : i32
          %eq3A_640 = arith.constant 0 : i32
          %eq3A_641 = arith.cmpi eq, %jit3A_639, %eq3A_640 : i32
          %jit3A_642 = arith.constant 1 : i32
          %select_n3A_643 = arith.select %eq3A_641, %jit3A_642, %jit3A_639 : i32
          %rem3A_644 = arith.remsi %add3A_316, %select_n3A_643 : i32
          %ne3A_645 = arith.constant 0 : i32
          %ne3A_646 = arith.cmpi ne, %rem3A_644, %ne3A_645 : i32
          %lt3A_647 = arith.constant 0 : i32
          %lt3A_648 = arith.cmpi slt, %rem3A_644, %lt3A_647 : i32
          %lt3A_649 = arith.constant 0 : i32
          %lt3A_650 = arith.cmpi slt, %select_n3A_643, %lt3A_649 : i32
          %ne3A_651 = arith.xori %lt3A_648, %lt3A_650 : i1
          %and3A_652 = arith.andi %ne3A_651, %ne3A_646 : i1
          %add3A_653 = arith.addi %rem3A_644, %select_n3A_643 : i32
          %select_n3A_654 = arith.select %and3A_652, %add3A_653, %rem3A_644 : i32
          %dma_wait3A_655 = arith.constant 0 : i32
          %dma_wait3A_656 = tpu.memref_slice %arg8[%select_n3A_654, %dma_wait3A_655] : memref<125x80xi32, #tpu.memory_space<vmem>> -> memref<1x80xi32, #tpu.memory_space<vmem>>
          %dma_wait3A_657 = tpu.memref_squeeze %dma_wait3A_656 : memref<1x80xi32, #tpu.memory_space<vmem>> -> memref<80xi32, #tpu.memory_space<vmem>>
          %dma_wait3A_658 = arith.constant 0 : i32
          %dma_wait3A_659 = arith.constant 0 : i32
          %dma_wait3A_660 = tpu.memref_slice %arg2[%dma_wait3A_658, %dma_wait3A_659] : memref<10000x112xf32, #tpu.memory_space<hbm>> -> memref<10000x112xf32, #tpu.memory_space<hbm>>
          tpu.wait_indirect_dma semaphore(%arg18 : memref<!tpu.dma_semaphore, #tpu.memory_space<semaphore_mem>>) src(%dma_wait3A_660 : memref<10000x112xf32, #tpu.memory_space<hbm>>) dst(%arg13 : memref<80x112xf32, #tpu.memory_space<vmem>>)
        } else {
        }
        %eq3A_634 = arith.constant 1 : i32
        %eq3A_635 = arith.cmpi eq, %arg0, %eq3A_634 : i32
        %convert_element_type3A_636 = arith.extui %eq3A_635 : i1 to i32
        %cond3A_637 = arith.constant 0 : i32
        %cond3A_638 = arith.cmpi ne, %convert_element_type3A_636, %cond3A_637 : i32
        scf.if %cond3A_638 {
          %jit3A_639 = arith.constant 125 : i32
          %eq3A_640 = arith.constant 0 : i32
          %eq3A_641 = arith.cmpi eq, %jit3A_639, %eq3A_640 : i32
          %jit3A_642 = arith.constant 1 : i32
          %select_n3A_643 = arith.select %eq3A_641, %jit3A_642, %jit3A_639 : i32
          %rem3A_644 = arith.remsi %add3A_316, %select_n3A_643 : i32
          %ne3A_645 = arith.constant 0 : i32
          %ne3A_646 = arith.cmpi ne, %rem3A_644, %ne3A_645 : i32
          %lt3A_647 = arith.constant 0 : i32
          %lt3A_648 = arith.cmpi slt, %rem3A_644, %lt3A_647 : i32
          %lt3A_649 = arith.constant 0 : i32
          %lt3A_650 = arith.cmpi slt, %select_n3A_643, %lt3A_649 : i32
          %ne3A_651 = arith.xori %lt3A_648, %lt3A_650 : i1
          %and3A_652 = arith.andi %ne3A_651, %ne3A_646 : i1
          %add3A_653 = arith.addi %rem3A_644, %select_n3A_643 : i32
          %select_n3A_654 = arith.select %and3A_652, %add3A_653, %rem3A_644 : i32
          %dma_wait3A_655 = arith.constant 0 : i32
          %dma_wait3A_656 = tpu.memref_slice %arg8[%select_n3A_654, %dma_wait3A_655] : memref<125x80xi32, #tpu.memory_space<vmem>> -> memref<1x80xi32, #tpu.memory_space<vmem>>
          %dma_wait3A_657 = tpu.memref_squeeze %dma_wait3A_656 : memref<1x80xi32, #tpu.memory_space<vmem>> -> memref<80xi32, #tpu.memory_space<vmem>>
          %dma_wait3A_658 = arith.constant 0 : i32
          %dma_wait3A_659 = arith.constant 0 : i32
          %dma_wait3A_660 = tpu.memref_slice %arg3[%dma_wait3A_658, %dma_wait3A_659] : memref<10000x112xf32, #tpu.memory_space<hbm>> -> memref<10000x112xf32, #tpu.memory_space<hbm>>
          tpu.wait_indirect_dma semaphore(%arg18 : memref<!tpu.dma_semaphore, #tpu.memory_space<semaphore_mem>>) src(%dma_wait3A_660 : memref<10000x112xf32, #tpu.memory_space<hbm>>) dst(%arg13 : memref<80x112xf32, #tpu.memory_space<vmem>>)
        } else {
        }
      } else {
      }
      %jit3A_437 = arith.constant 25 : i32
      %div3A_438 = arith.divsi %add3A_316, %jit3A_437 : i32
      %sign3A_439 = arith.constant 0 : i32
      %sign3A_440 = arith.cmpi sgt, %add3A_316, %sign3A_439 : i32
      %sign3A_441 = arith.extui %sign3A_440 : i1 to i32
      %sign3A_442 = arith.constant 0 : i32
      %sign3A_443 = arith.cmpi slt, %add3A_316, %sign3A_442 : i32
      %sign3A_444 = arith.extui %sign3A_443 : i1 to i32
      %sign3A_445 = arith.subi %sign3A_441, %sign3A_444 : i32
      %sign3A_446 = arith.constant 0 : i32
      %sign3A_447 = arith.cmpi sgt, %jit3A_437, %sign3A_446 : i32
      %sign3A_448 = arith.extui %sign3A_447 : i1 to i32
      %sign3A_449 = arith.constant 0 : i32
      %sign3A_450 = arith.cmpi slt, %jit3A_437, %sign3A_449 : i32
      %sign3A_451 = arith.extui %sign3A_450 : i1 to i32
      %sign3A_452 = arith.subi %sign3A_448, %sign3A_451 : i32
      %ne3A_453 = arith.cmpi ne, %sign3A_445, %sign3A_452 : i32
      %rem3A_454 = arith.remsi %add3A_316, %jit3A_437 : i32
      %ne3A_455 = arith.constant 0 : i32
      %ne3A_456 = arith.cmpi ne, %rem3A_454, %ne3A_455 : i32
      %and3A_457 = arith.andi %ne3A_453, %ne3A_456 : i1
      %sub3A_458 = arith.constant 1 : i32
      %sub3A_459 = arith.subi %div3A_438, %sub3A_458 : i32
      %select_n3A_460 = arith.select %and3A_457, %sub3A_459, %div3A_438 : i32
      %jit3A_461 = arith.constant 2 : i32
      %eq3A_462 = arith.constant 0 : i32
      %eq3A_463 = arith.cmpi eq, %jit3A_461, %eq3A_462 : i32
      %jit3A_464 = arith.constant 1 : i32
      %select_n3A_465 = arith.select %eq3A_463, %jit3A_464, %jit3A_461 : i32
      %rem3A_466 = arith.remsi %select_n3A_460, %select_n3A_465 : i32
      %ne3A_467 = arith.constant 0 : i32
      %ne3A_468 = arith.cmpi ne, %rem3A_466, %ne3A_467 : i32
      %lt3A_469 = arith.constant 0 : i32
      %lt3A_470 = arith.cmpi slt, %rem3A_466, %lt3A_469 : i32
      %lt3A_471 = arith.constant 0 : i32
      %lt3A_472 = arith.cmpi slt, %select_n3A_465, %lt3A_471 : i32
      %ne3A_473 = arith.xori %lt3A_470, %lt3A_472 : i1
      %and3A_474 = arith.andi %ne3A_473, %ne3A_468 : i1
      %add3A_475 = arith.addi %rem3A_466, %select_n3A_465 : i32
      %select_n3A_476 = arith.select %and3A_474, %add3A_475, %rem3A_466 : i32
      %eq3A_477 = arith.constant 0 : i32
      %eq3A_478 = arith.cmpi eq, %select_n3A_476, %eq3A_477 : i32
      %convert_element_type3A_479 = arith.extui %eq3A_478 : i1 to i32
      %cond3A_480 = arith.constant 0 : i32
      %cond3A_481 = arith.cmpi ne, %convert_element_type3A_479, %cond3A_480 : i32
      scf.if %cond3A_481 {
        %jit3A_629 = arith.constant 25 : i32
        %eq3A_630 = arith.constant 0 : i32
        %eq3A_631 = arith.cmpi eq, %jit3A_629, %eq3A_630 : i32
        %jit3A_632 = arith.constant 1 : i32
        %select_n3A_633 = arith.select %eq3A_631, %jit3A_632, %jit3A_629 : i32
        %rem3A_634 = arith.remsi %add3A_316, %select_n3A_633 : i32
        %ne3A_635 = arith.constant 0 : i32
        %ne3A_636 = arith.cmpi ne, %rem3A_634, %ne3A_635 : i32
        %lt3A_637 = arith.constant 0 : i32
        %lt3A_638 = arith.cmpi slt, %rem3A_634, %lt3A_637 : i32
        %lt3A_639 = arith.constant 0 : i32
        %lt3A_640 = arith.cmpi slt, %select_n3A_633, %lt3A_639 : i32
        %ne3A_641 = arith.xori %lt3A_638, %lt3A_640 : i1
        %and3A_642 = arith.andi %ne3A_641, %ne3A_636 : i1
        %add3A_643 = arith.addi %rem3A_634, %select_n3A_633 : i32
        %select_n3A_644 = arith.select %and3A_642, %add3A_643, %rem3A_634 : i32
        %dma_start3A = arith.constant 0 : i32
        %dma_start3A_645 = tpu.memref_slice %arg9[%select_n3A_644, %dma_start3A] : memref<25x80xi32, #tpu.memory_space<vmem>> -> memref<1x80xi32, #tpu.memory_space<vmem>>
        %dma_start3A_646 = tpu.memref_squeeze %dma_start3A_645 : memref<1x80xi32, #tpu.memory_space<vmem>> -> memref<80xi32, #tpu.memory_space<vmem>>
        %dma_start3A_647 = arith.constant 0 : i32
        %dma_start3A_648 = arith.constant 0 : i32
        %dma_start3A_649 = tpu.memref_slice %arg7[%dma_start3A_647, %dma_start3A_648] : memref<10000x112xf32, #tpu.memory_space<vmem_shared>> -> memref<10000x112xf32, #tpu.memory_space<vmem_shared>>
        tpu.enqueue_indirect_dma source(%arg13 : memref<80x112xf32, #tpu.memory_space<vmem>>) target(%dma_start3A_649 : memref<10000x112xf32, #tpu.memory_space<vmem_shared>>) offsets(%dma_start3A_646 : memref<80xi32, #tpu.memory_space<vmem>>) semaphore(%arg23 : memref<!tpu.dma_semaphore, #tpu.memory_space<semaphore_mem>>) {add = true}
      } else {
      }
      %eq3A_482 = arith.constant 1 : i32
      %eq3A_483 = arith.cmpi eq, %select_n3A_476, %eq3A_482 : i32
      %convert_element_type3A_484 = arith.extui %eq3A_483 : i1 to i32
      %cond3A_485 = arith.constant 0 : i32
      %cond3A_486 = arith.cmpi ne, %convert_element_type3A_484, %cond3A_485 : i32
      scf.if %cond3A_486 {
        %jit3A_629 = arith.constant 25 : i32
        %eq3A_630 = arith.constant 0 : i32
        %eq3A_631 = arith.cmpi eq, %jit3A_629, %eq3A_630 : i32
        %jit3A_632 = arith.constant 1 : i32
        %select_n3A_633 = arith.select %eq3A_631, %jit3A_632, %jit3A_629 : i32
        %rem3A_634 = arith.remsi %add3A_316, %select_n3A_633 : i32
        %ne3A_635 = arith.constant 0 : i32
        %ne3A_636 = arith.cmpi ne, %rem3A_634, %ne3A_635 : i32
        %lt3A_637 = arith.constant 0 : i32
        %lt3A_638 = arith.cmpi slt, %rem3A_634, %lt3A_637 : i32
        %lt3A_639 = arith.constant 0 : i32
        %lt3A_640 = arith.cmpi slt, %select_n3A_633, %lt3A_639 : i32
        %ne3A_641 = arith.xori %lt3A_638, %lt3A_640 : i1
        %and3A_642 = arith.andi %ne3A_641, %ne3A_636 : i1
        %add3A_643 = arith.addi %rem3A_634, %select_n3A_633 : i32
        %select_n3A_644 = arith.select %and3A_642, %add3A_643, %rem3A_634 : i32
        %dma_start3A = arith.constant 0 : i32
        %dma_start3A_645 = tpu.memref_slice %arg10[%select_n3A_644, %dma_start3A] : memref<25x80xi32, #tpu.memory_space<vmem>> -> memref<1x80xi32, #tpu.memory_space<vmem>>
        %dma_start3A_646 = tpu.memref_squeeze %dma_start3A_645 : memref<1x80xi32, #tpu.memory_space<vmem>> -> memref<80xi32, #tpu.memory_space<vmem>>
        %dma_start3A_647 = arith.constant 0 : i32
        %dma_start3A_648 = arith.constant 0 : i32
        %dma_start3A_649 = tpu.memref_slice %arg7[%dma_start3A_647, %dma_start3A_648] : memref<10000x112xf32, #tpu.memory_space<vmem_shared>> -> memref<10000x112xf32, #tpu.memory_space<vmem_shared>>
        tpu.enqueue_indirect_dma source(%arg13 : memref<80x112xf32, #tpu.memory_space<vmem>>) target(%dma_start3A_649 : memref<10000x112xf32, #tpu.memory_space<vmem_shared>>) offsets(%dma_start3A_646 : memref<80xi32, #tpu.memory_space<vmem>>) semaphore(%arg23 : memref<!tpu.dma_semaphore, #tpu.memory_space<semaphore_mem>>) {add = true}
      } else {
      }
      %mul3A_487 = arith.constant 5 : i32
      %mul3A_488 = arith.muli %scan3A_78, %mul3A_487 : i32
      %add3A_489 = arith.constant 3 : i32
      %add3A_490 = arith.addi %mul3A_488, %add3A_489 : i32
      %ge3A_491 = arith.constant 2 : i32
      %ge3A_492 = arith.cmpi sge, %add3A_490, %ge3A_491 : i32
      %convert_element_type3A_493 = arith.extui %ge3A_492 : i1 to i32
      %cond3A_494 = arith.constant 0 : i32
      %cond3A_495 = arith.cmpi ne, %convert_element_type3A_493, %cond3A_494 : i32
      scf.if %cond3A_495 {
        %sub3A_629 = arith.constant 2 : i32
        %sub3A_630 = arith.subi %add3A_490, %sub3A_629 : i32
        %jit3A_631 = arith.constant 25 : i32
        %div3A_632 = arith.divsi %sub3A_630, %jit3A_631 : i32
        %sign3A_633 = arith.constant 0 : i32
        %sign3A_634 = arith.cmpi sgt, %sub3A_630, %sign3A_633 : i32
        %sign3A_635 = arith.extui %sign3A_634 : i1 to i32
        %sign3A_636 = arith.constant 0 : i32
        %sign3A_637 = arith.cmpi slt, %sub3A_630, %sign3A_636 : i32
        %sign3A_638 = arith.extui %sign3A_637 : i1 to i32
        %sign3A_639 = arith.subi %sign3A_635, %sign3A_638 : i32
        %sign3A_640 = arith.constant 0 : i32
        %sign3A_641 = arith.cmpi sgt, %jit3A_631, %sign3A_640 : i32
        %sign3A_642 = arith.extui %sign3A_641 : i1 to i32
        %sign3A_643 = arith.constant 0 : i32
        %sign3A_644 = arith.cmpi slt, %jit3A_631, %sign3A_643 : i32
        %sign3A_645 = arith.extui %sign3A_644 : i1 to i32
        %sign3A_646 = arith.subi %sign3A_642, %sign3A_645 : i32
        %ne3A_647 = arith.cmpi ne, %sign3A_639, %sign3A_646 : i32
        %rem3A_648 = arith.remsi %sub3A_630, %jit3A_631 : i32
        %ne3A_649 = arith.constant 0 : i32
        %ne3A_650 = arith.cmpi ne, %rem3A_648, %ne3A_649 : i32
        %and3A_651 = arith.andi %ne3A_647, %ne3A_650 : i1
        %sub3A_652 = arith.constant 1 : i32
        %sub3A_653 = arith.subi %div3A_632, %sub3A_652 : i32
        %select_n3A_654 = arith.select %and3A_651, %sub3A_653, %div3A_632 : i32
        %jit3A_655 = arith.constant 2 : i32
        %eq3A_656 = arith.constant 0 : i32
        %eq3A_657 = arith.cmpi eq, %jit3A_655, %eq3A_656 : i32
        %jit3A_658 = arith.constant 1 : i32
        %select_n3A_659 = arith.select %eq3A_657, %jit3A_658, %jit3A_655 : i32
        %rem3A_660 = arith.remsi %select_n3A_654, %select_n3A_659 : i32
        %ne3A_661 = arith.constant 0 : i32
        %ne3A_662 = arith.cmpi ne, %rem3A_660, %ne3A_661 : i32
        %lt3A_663 = arith.constant 0 : i32
        %lt3A_664 = arith.cmpi slt, %rem3A_660, %lt3A_663 : i32
        %lt3A_665 = arith.constant 0 : i32
        %lt3A_666 = arith.cmpi slt, %select_n3A_659, %lt3A_665 : i32
        %ne3A_667 = arith.xori %lt3A_664, %lt3A_666 : i1
        %and3A_668 = arith.andi %ne3A_667, %ne3A_662 : i1
        %add3A_669 = arith.addi %rem3A_660, %select_n3A_659 : i32
        %select_n3A_670 = arith.select %and3A_668, %add3A_669, %rem3A_660 : i32
        %eq3A_671 = arith.constant 0 : i32
        %eq3A_672 = arith.cmpi eq, %select_n3A_670, %eq3A_671 : i32
        %convert_element_type3A_673 = arith.extui %eq3A_672 : i1 to i32
        %cond3A_674 = arith.constant 0 : i32
        %cond3A_675 = arith.cmpi ne, %convert_element_type3A_673, %cond3A_674 : i32
        scf.if %cond3A_675 {
          %jit3A_681 = arith.constant 25 : i32
          %eq3A_682 = arith.constant 0 : i32
          %eq3A_683 = arith.cmpi eq, %jit3A_681, %eq3A_682 : i32
          %jit3A_684 = arith.constant 1 : i32
          %select_n3A_685 = arith.select %eq3A_683, %jit3A_684, %jit3A_681 : i32
          %rem3A_686 = arith.remsi %sub3A_630, %select_n3A_685 : i32
          %ne3A_687 = arith.constant 0 : i32
          %ne3A_688 = arith.cmpi ne, %rem3A_686, %ne3A_687 : i32
          %lt3A_689 = arith.constant 0 : i32
          %lt3A_690 = arith.cmpi slt, %rem3A_686, %lt3A_689 : i32
          %lt3A_691 = arith.constant 0 : i32
          %lt3A_692 = arith.cmpi slt, %select_n3A_685, %lt3A_691 : i32
          %ne3A_693 = arith.xori %lt3A_690, %lt3A_692 : i1
          %and3A_694 = arith.andi %ne3A_693, %ne3A_688 : i1
          %add3A_695 = arith.addi %rem3A_686, %select_n3A_685 : i32
          %select_n3A_696 = arith.select %and3A_694, %add3A_695, %rem3A_686 : i32
          %dma_wait3A_697 = arith.constant 0 : i32
          %dma_wait3A_698 = tpu.memref_slice %arg9[%select_n3A_696, %dma_wait3A_697] : memref<25x80xi32, #tpu.memory_space<vmem>> -> memref<1x80xi32, #tpu.memory_space<vmem>>
          %dma_wait3A_699 = tpu.memref_squeeze %dma_wait3A_698 : memref<1x80xi32, #tpu.memory_space<vmem>> -> memref<80xi32, #tpu.memory_space<vmem>>
          %dma_wait3A_700 = arith.constant 0 : i32
          %dma_wait3A_701 = arith.constant 0 : i32
          %dma_wait3A_702 = tpu.memref_slice %arg7[%dma_wait3A_700, %dma_wait3A_701] : memref<10000x112xf32, #tpu.memory_space<vmem_shared>> -> memref<10000x112xf32, #tpu.memory_space<vmem_shared>>
          tpu.wait_indirect_dma semaphore(%arg22 : memref<!tpu.dma_semaphore, #tpu.memory_space<semaphore_mem>>) src(%arg12 : memref<80x112xf32, #tpu.memory_space<vmem>>) dst(%dma_wait3A_702 : memref<10000x112xf32, #tpu.memory_space<vmem_shared>>)
        } else {
        }
        %eq3A_676 = arith.constant 1 : i32
        %eq3A_677 = arith.cmpi eq, %select_n3A_670, %eq3A_676 : i32
        %convert_element_type3A_678 = arith.extui %eq3A_677 : i1 to i32
        %cond3A_679 = arith.constant 0 : i32
        %cond3A_680 = arith.cmpi ne, %convert_element_type3A_678, %cond3A_679 : i32
        scf.if %cond3A_680 {
          %jit3A_681 = arith.constant 25 : i32
          %eq3A_682 = arith.constant 0 : i32
          %eq3A_683 = arith.cmpi eq, %jit3A_681, %eq3A_682 : i32
          %jit3A_684 = arith.constant 1 : i32
          %select_n3A_685 = arith.select %eq3A_683, %jit3A_684, %jit3A_681 : i32
          %rem3A_686 = arith.remsi %sub3A_630, %select_n3A_685 : i32
          %ne3A_687 = arith.constant 0 : i32
          %ne3A_688 = arith.cmpi ne, %rem3A_686, %ne3A_687 : i32
          %lt3A_689 = arith.constant 0 : i32
          %lt3A_690 = arith.cmpi slt, %rem3A_686, %lt3A_689 : i32
          %lt3A_691 = arith.constant 0 : i32
          %lt3A_692 = arith.cmpi slt, %select_n3A_685, %lt3A_691 : i32
          %ne3A_693 = arith.xori %lt3A_690, %lt3A_692 : i1
          %and3A_694 = arith.andi %ne3A_693, %ne3A_688 : i1
          %add3A_695 = arith.addi %rem3A_686, %select_n3A_685 : i32
          %select_n3A_696 = arith.select %and3A_694, %add3A_695, %rem3A_686 : i32
          %dma_wait3A_697 = arith.constant 0 : i32
          %dma_wait3A_698 = tpu.memref_slice %arg10[%select_n3A_696, %dma_wait3A_697] : memref<25x80xi32, #tpu.memory_space<vmem>> -> memref<1x80xi32, #tpu.memory_space<vmem>>
          %dma_wait3A_699 = tpu.memref_squeeze %dma_wait3A_698 : memref<1x80xi32, #tpu.memory_space<vmem>> -> memref<80xi32, #tpu.memory_space<vmem>>
          %dma_wait3A_700 = arith.constant 0 : i32
          %dma_wait3A_701 = arith.constant 0 : i32
          %dma_wait3A_702 = tpu.memref_slice %arg7[%dma_wait3A_700, %dma_wait3A_701] : memref<10000x112xf32, #tpu.memory_space<vmem_shared>> -> memref<10000x112xf32, #tpu.memory_space<vmem_shared>>
          tpu.wait_indirect_dma semaphore(%arg22 : memref<!tpu.dma_semaphore, #tpu.memory_space<semaphore_mem>>) src(%arg12 : memref<80x112xf32, #tpu.memory_space<vmem>>) dst(%dma_wait3A_702 : memref<10000x112xf32, #tpu.memory_space<vmem_shared>>)
        } else {
        }
      } else {
      }
      %add3A_496 = arith.constant 3 : i32
      %add3A_497 = arith.addi %add3A_490, %add3A_496 : i32
      %lt3A_498 = arith.constant 250 : i32
      %lt3A_499 = arith.cmpi slt, %add3A_497, %lt3A_498 : i32
      %convert_element_type3A_500 = arith.extui %lt3A_499 : i1 to i32
      %cond3A_501 = arith.constant 0 : i32
      %cond3A_502 = arith.cmpi ne, %convert_element_type3A_500, %cond3A_501 : i32
      scf.if %cond3A_502 {
        %add3A_629 = arith.constant 3 : i32
        %add3A_630 = arith.addi %add3A_490, %add3A_629 : i32
        %eq3A_631 = arith.constant 0 : i32
        %eq3A_632 = arith.cmpi eq, %arg0, %eq3A_631 : i32
        %convert_element_type3A_633 = arith.extui %eq3A_632 : i1 to i32
        %cond3A_634 = arith.constant 0 : i32
        %cond3A_635 = arith.cmpi ne, %convert_element_type3A_633, %cond3A_634 : i32
        scf.if %cond3A_635 {
          %jit3A_641 = arith.constant 125 : i32
          %eq3A_642 = arith.constant 0 : i32
          %eq3A_643 = arith.cmpi eq, %jit3A_641, %eq3A_642 : i32
          %jit3A_644 = arith.constant 1 : i32
          %select_n3A_645 = arith.select %eq3A_643, %jit3A_644, %jit3A_641 : i32
          %rem3A_646 = arith.remsi %add3A_630, %select_n3A_645 : i32
          %ne3A_647 = arith.constant 0 : i32
          %ne3A_648 = arith.cmpi ne, %rem3A_646, %ne3A_647 : i32
          %lt3A_649 = arith.constant 0 : i32
          %lt3A_650 = arith.cmpi slt, %rem3A_646, %lt3A_649 : i32
          %lt3A_651 = arith.constant 0 : i32
          %lt3A_652 = arith.cmpi slt, %select_n3A_645, %lt3A_651 : i32
          %ne3A_653 = arith.xori %lt3A_650, %lt3A_652 : i1
          %and3A_654 = arith.andi %ne3A_653, %ne3A_648 : i1
          %add3A_655 = arith.addi %rem3A_646, %select_n3A_645 : i32
          %select_n3A_656 = arith.select %and3A_654, %add3A_655, %rem3A_646 : i32
          %dma_start3A = arith.constant 0 : i32
          %dma_start3A_657 = tpu.memref_slice %arg8[%select_n3A_656, %dma_start3A] : memref<125x80xi32, #tpu.memory_space<vmem>> -> memref<1x80xi32, #tpu.memory_space<vmem>>
          %dma_start3A_658 = tpu.memref_squeeze %dma_start3A_657 : memref<1x80xi32, #tpu.memory_space<vmem>> -> memref<80xi32, #tpu.memory_space<vmem>>
          %dma_start3A_659 = arith.constant 0 : i32
          %dma_start3A_660 = arith.constant 0 : i32
          %dma_start3A_661 = tpu.memref_slice %arg2[%dma_start3A_659, %dma_start3A_660] : memref<10000x112xf32, #tpu.memory_space<hbm>> -> memref<10000x112xf32, #tpu.memory_space<hbm>>
          tpu.enqueue_indirect_dma source(%dma_start3A_661 : memref<10000x112xf32, #tpu.memory_space<hbm>>) target(%arg12 : memref<80x112xf32, #tpu.memory_space<vmem>>) offsets(%dma_start3A_658 : memref<80xi32, #tpu.memory_space<vmem>>) semaphore(%arg17 : memref<!tpu.dma_semaphore, #tpu.memory_space<semaphore_mem>>)
        } else {
        }
        %eq3A_636 = arith.constant 1 : i32
        %eq3A_637 = arith.cmpi eq, %arg0, %eq3A_636 : i32
        %convert_element_type3A_638 = arith.extui %eq3A_637 : i1 to i32
        %cond3A_639 = arith.constant 0 : i32
        %cond3A_640 = arith.cmpi ne, %convert_element_type3A_638, %cond3A_639 : i32
        scf.if %cond3A_640 {
          %jit3A_641 = arith.constant 125 : i32
          %eq3A_642 = arith.constant 0 : i32
          %eq3A_643 = arith.cmpi eq, %jit3A_641, %eq3A_642 : i32
          %jit3A_644 = arith.constant 1 : i32
          %select_n3A_645 = arith.select %eq3A_643, %jit3A_644, %jit3A_641 : i32
          %rem3A_646 = arith.remsi %add3A_630, %select_n3A_645 : i32
          %ne3A_647 = arith.constant 0 : i32
          %ne3A_648 = arith.cmpi ne, %rem3A_646, %ne3A_647 : i32
          %lt3A_649 = arith.constant 0 : i32
          %lt3A_650 = arith.cmpi slt, %rem3A_646, %lt3A_649 : i32
          %lt3A_651 = arith.constant 0 : i32
          %lt3A_652 = arith.cmpi slt, %select_n3A_645, %lt3A_651 : i32
          %ne3A_653 = arith.xori %lt3A_650, %lt3A_652 : i1
          %and3A_654 = arith.andi %ne3A_653, %ne3A_648 : i1
          %add3A_655 = arith.addi %rem3A_646, %select_n3A_645 : i32
          %select_n3A_656 = arith.select %and3A_654, %add3A_655, %rem3A_646 : i32
          %dma_start3A = arith.constant 0 : i32
          %dma_start3A_657 = tpu.memref_slice %arg8[%select_n3A_656, %dma_start3A] : memref<125x80xi32, #tpu.memory_space<vmem>> -> memref<1x80xi32, #tpu.memory_space<vmem>>
          %dma_start3A_658 = tpu.memref_squeeze %dma_start3A_657 : memref<1x80xi32, #tpu.memory_space<vmem>> -> memref<80xi32, #tpu.memory_space<vmem>>
          %dma_start3A_659 = arith.constant 0 : i32
          %dma_start3A_660 = arith.constant 0 : i32
          %dma_start3A_661 = tpu.memref_slice %arg3[%dma_start3A_659, %dma_start3A_660] : memref<10000x112xf32, #tpu.memory_space<hbm>> -> memref<10000x112xf32, #tpu.memory_space<hbm>>
          tpu.enqueue_indirect_dma source(%dma_start3A_661 : memref<10000x112xf32, #tpu.memory_space<hbm>>) target(%arg12 : memref<80x112xf32, #tpu.memory_space<vmem>>) offsets(%dma_start3A_658 : memref<80xi32, #tpu.memory_space<vmem>>) semaphore(%arg17 : memref<!tpu.dma_semaphore, #tpu.memory_space<semaphore_mem>>)
        } else {
        }
      } else {
      }
      %ne3A_503 = arith.constant 123 : i32
      %ne3A_504 = arith.cmpi ne, %add3A_490, %ne3A_503 : i32
      %convert_element_type3A_505 = arith.extui %ne3A_504 : i1 to i32
      %cond3A_506 = arith.constant 0 : i32
      %cond3A_507 = arith.cmpi ne, %convert_element_type3A_505, %cond3A_506 : i32
      scf.if %cond3A_507 {
        %eq3A_629 = arith.constant 0 : i32
        %eq3A_630 = arith.cmpi eq, %arg0, %eq3A_629 : i32
        %convert_element_type3A_631 = arith.extui %eq3A_630 : i1 to i32
        %cond3A_632 = arith.constant 0 : i32
        %cond3A_633 = arith.cmpi ne, %convert_element_type3A_631, %cond3A_632 : i32
        scf.if %cond3A_633 {
          %jit3A_639 = arith.constant 125 : i32
          %eq3A_640 = arith.constant 0 : i32
          %eq3A_641 = arith.cmpi eq, %jit3A_639, %eq3A_640 : i32
          %jit3A_642 = arith.constant 1 : i32
          %select_n3A_643 = arith.select %eq3A_641, %jit3A_642, %jit3A_639 : i32
          %rem3A_644 = arith.remsi %add3A_490, %select_n3A_643 : i32
          %ne3A_645 = arith.constant 0 : i32
          %ne3A_646 = arith.cmpi ne, %rem3A_644, %ne3A_645 : i32
          %lt3A_647 = arith.constant 0 : i32
          %lt3A_648 = arith.cmpi slt, %rem3A_644, %lt3A_647 : i32
          %lt3A_649 = arith.constant 0 : i32
          %lt3A_650 = arith.cmpi slt, %select_n3A_643, %lt3A_649 : i32
          %ne3A_651 = arith.xori %lt3A_648, %lt3A_650 : i1
          %and3A_652 = arith.andi %ne3A_651, %ne3A_646 : i1
          %add3A_653 = arith.addi %rem3A_644, %select_n3A_643 : i32
          %select_n3A_654 = arith.select %and3A_652, %add3A_653, %rem3A_644 : i32
          %dma_wait3A_655 = arith.constant 0 : i32
          %dma_wait3A_656 = tpu.memref_slice %arg8[%select_n3A_654, %dma_wait3A_655] : memref<125x80xi32, #tpu.memory_space<vmem>> -> memref<1x80xi32, #tpu.memory_space<vmem>>
          %dma_wait3A_657 = tpu.memref_squeeze %dma_wait3A_656 : memref<1x80xi32, #tpu.memory_space<vmem>> -> memref<80xi32, #tpu.memory_space<vmem>>
          %dma_wait3A_658 = arith.constant 0 : i32
          %dma_wait3A_659 = arith.constant 0 : i32
          %dma_wait3A_660 = tpu.memref_slice %arg2[%dma_wait3A_658, %dma_wait3A_659] : memref<10000x112xf32, #tpu.memory_space<hbm>> -> memref<10000x112xf32, #tpu.memory_space<hbm>>
          tpu.wait_indirect_dma semaphore(%arg19 : memref<!tpu.dma_semaphore, #tpu.memory_space<semaphore_mem>>) src(%dma_wait3A_660 : memref<10000x112xf32, #tpu.memory_space<hbm>>) dst(%arg14 : memref<80x112xf32, #tpu.memory_space<vmem>>)
        } else {
        }
        %eq3A_634 = arith.constant 1 : i32
        %eq3A_635 = arith.cmpi eq, %arg0, %eq3A_634 : i32
        %convert_element_type3A_636 = arith.extui %eq3A_635 : i1 to i32
        %cond3A_637 = arith.constant 0 : i32
        %cond3A_638 = arith.cmpi ne, %convert_element_type3A_636, %cond3A_637 : i32
        scf.if %cond3A_638 {
          %jit3A_639 = arith.constant 125 : i32
          %eq3A_640 = arith.constant 0 : i32
          %eq3A_641 = arith.cmpi eq, %jit3A_639, %eq3A_640 : i32
          %jit3A_642 = arith.constant 1 : i32
          %select_n3A_643 = arith.select %eq3A_641, %jit3A_642, %jit3A_639 : i32
          %rem3A_644 = arith.remsi %add3A_490, %select_n3A_643 : i32
          %ne3A_645 = arith.constant 0 : i32
          %ne3A_646 = arith.cmpi ne, %rem3A_644, %ne3A_645 : i32
          %lt3A_647 = arith.constant 0 : i32
          %lt3A_648 = arith.cmpi slt, %rem3A_644, %lt3A_647 : i32
          %lt3A_649 = arith.constant 0 : i32
          %lt3A_650 = arith.cmpi slt, %select_n3A_643, %lt3A_649 : i32
          %ne3A_651 = arith.xori %lt3A_648, %lt3A_650 : i1
          %and3A_652 = arith.andi %ne3A_651, %ne3A_646 : i1
          %add3A_653 = arith.addi %rem3A_644, %select_n3A_643 : i32
          %select_n3A_654 = arith.select %and3A_652, %add3A_653, %rem3A_644 : i32
          %dma_wait3A_655 = arith.constant 0 : i32
          %dma_wait3A_656 = tpu.memref_slice %arg8[%select_n3A_654, %dma_wait3A_655] : memref<125x80xi32, #tpu.memory_space<vmem>> -> memref<1x80xi32, #tpu.memory_space<vmem>>
          %dma_wait3A_657 = tpu.memref_squeeze %dma_wait3A_656 : memref<1x80xi32, #tpu.memory_space<vmem>> -> memref<80xi32, #tpu.memory_space<vmem>>
          %dma_wait3A_658 = arith.constant 0 : i32
          %dma_wait3A_659 = arith.constant 0 : i32
          %dma_wait3A_660 = tpu.memref_slice %arg3[%dma_wait3A_658, %dma_wait3A_659] : memref<10000x112xf32, #tpu.memory_space<hbm>> -> memref<10000x112xf32, #tpu.memory_space<hbm>>
          tpu.wait_indirect_dma semaphore(%arg19 : memref<!tpu.dma_semaphore, #tpu.memory_space<semaphore_mem>>) src(%dma_wait3A_660 : memref<10000x112xf32, #tpu.memory_space<hbm>>) dst(%arg14 : memref<80x112xf32, #tpu.memory_space<vmem>>)
        } else {
        }
      } else {
      }
      %jit3A_508 = arith.constant 25 : i32
      %div3A_509 = arith.divsi %add3A_490, %jit3A_508 : i32
      %sign3A_510 = arith.constant 0 : i32
      %sign3A_511 = arith.cmpi sgt, %add3A_490, %sign3A_510 : i32
      %sign3A_512 = arith.extui %sign3A_511 : i1 to i32
      %sign3A_513 = arith.constant 0 : i32
      %sign3A_514 = arith.cmpi slt, %add3A_490, %sign3A_513 : i32
      %sign3A_515 = arith.extui %sign3A_514 : i1 to i32
      %sign3A_516 = arith.subi %sign3A_512, %sign3A_515 : i32
      %sign3A_517 = arith.constant 0 : i32
      %sign3A_518 = arith.cmpi sgt, %jit3A_508, %sign3A_517 : i32
      %sign3A_519 = arith.extui %sign3A_518 : i1 to i32
      %sign3A_520 = arith.constant 0 : i32
      %sign3A_521 = arith.cmpi slt, %jit3A_508, %sign3A_520 : i32
      %sign3A_522 = arith.extui %sign3A_521 : i1 to i32
      %sign3A_523 = arith.subi %sign3A_519, %sign3A_522 : i32
      %ne3A_524 = arith.cmpi ne, %sign3A_516, %sign3A_523 : i32
      %rem3A_525 = arith.remsi %add3A_490, %jit3A_508 : i32
      %ne3A_526 = arith.constant 0 : i32
      %ne3A_527 = arith.cmpi ne, %rem3A_525, %ne3A_526 : i32
      %and3A_528 = arith.andi %ne3A_524, %ne3A_527 : i1
      %sub3A_529 = arith.constant 1 : i32
      %sub3A_530 = arith.subi %div3A_509, %sub3A_529 : i32
      %select_n3A_531 = arith.select %and3A_528, %sub3A_530, %div3A_509 : i32
      %jit3A_532 = arith.constant 2 : i32
      %eq3A_533 = arith.constant 0 : i32
      %eq3A_534 = arith.cmpi eq, %jit3A_532, %eq3A_533 : i32
      %jit3A_535 = arith.constant 1 : i32
      %select_n3A_536 = arith.select %eq3A_534, %jit3A_535, %jit3A_532 : i32
      %rem3A_537 = arith.remsi %select_n3A_531, %select_n3A_536 : i32
      %ne3A_538 = arith.constant 0 : i32
      %ne3A_539 = arith.cmpi ne, %rem3A_537, %ne3A_538 : i32
      %lt3A_540 = arith.constant 0 : i32
      %lt3A_541 = arith.cmpi slt, %rem3A_537, %lt3A_540 : i32
      %lt3A_542 = arith.constant 0 : i32
      %lt3A_543 = arith.cmpi slt, %select_n3A_536, %lt3A_542 : i32
      %ne3A_544 = arith.xori %lt3A_541, %lt3A_543 : i1
      %and3A_545 = arith.andi %ne3A_544, %ne3A_539 : i1
      %add3A_546 = arith.addi %rem3A_537, %select_n3A_536 : i32
      %select_n3A_547 = arith.select %and3A_545, %add3A_546, %rem3A_537 : i32
      %eq3A_548 = arith.constant 0 : i32
      %eq3A_549 = arith.cmpi eq, %select_n3A_547, %eq3A_548 : i32
      %convert_element_type3A_550 = arith.extui %eq3A_549 : i1 to i32
      %cond3A_551 = arith.constant 0 : i32
      %cond3A_552 = arith.cmpi ne, %convert_element_type3A_550, %cond3A_551 : i32
      scf.if %cond3A_552 {
        %jit3A_629 = arith.constant 25 : i32
        %eq3A_630 = arith.constant 0 : i32
        %eq3A_631 = arith.cmpi eq, %jit3A_629, %eq3A_630 : i32
        %jit3A_632 = arith.constant 1 : i32
        %select_n3A_633 = arith.select %eq3A_631, %jit3A_632, %jit3A_629 : i32
        %rem3A_634 = arith.remsi %add3A_490, %select_n3A_633 : i32
        %ne3A_635 = arith.constant 0 : i32
        %ne3A_636 = arith.cmpi ne, %rem3A_634, %ne3A_635 : i32
        %lt3A_637 = arith.constant 0 : i32
        %lt3A_638 = arith.cmpi slt, %rem3A_634, %lt3A_637 : i32
        %lt3A_639 = arith.constant 0 : i32
        %lt3A_640 = arith.cmpi slt, %select_n3A_633, %lt3A_639 : i32
        %ne3A_641 = arith.xori %lt3A_638, %lt3A_640 : i1
        %and3A_642 = arith.andi %ne3A_641, %ne3A_636 : i1
        %add3A_643 = arith.addi %rem3A_634, %select_n3A_633 : i32
        %select_n3A_644 = arith.select %and3A_642, %add3A_643, %rem3A_634 : i32
        %dma_start3A = arith.constant 0 : i32
        %dma_start3A_645 = tpu.memref_slice %arg9[%select_n3A_644, %dma_start3A] : memref<25x80xi32, #tpu.memory_space<vmem>> -> memref<1x80xi32, #tpu.memory_space<vmem>>
        %dma_start3A_646 = tpu.memref_squeeze %dma_start3A_645 : memref<1x80xi32, #tpu.memory_space<vmem>> -> memref<80xi32, #tpu.memory_space<vmem>>
        %dma_start3A_647 = arith.constant 0 : i32
        %dma_start3A_648 = arith.constant 0 : i32
        %dma_start3A_649 = tpu.memref_slice %arg7[%dma_start3A_647, %dma_start3A_648] : memref<10000x112xf32, #tpu.memory_space<vmem_shared>> -> memref<10000x112xf32, #tpu.memory_space<vmem_shared>>
        tpu.enqueue_indirect_dma source(%arg14 : memref<80x112xf32, #tpu.memory_space<vmem>>) target(%dma_start3A_649 : memref<10000x112xf32, #tpu.memory_space<vmem_shared>>) offsets(%dma_start3A_646 : memref<80xi32, #tpu.memory_space<vmem>>) semaphore(%arg24 : memref<!tpu.dma_semaphore, #tpu.memory_space<semaphore_mem>>) {add = true}
      } else {
      }
      %eq3A_553 = arith.constant 1 : i32
      %eq3A_554 = arith.cmpi eq, %select_n3A_547, %eq3A_553 : i32
      %convert_element_type3A_555 = arith.extui %eq3A_554 : i1 to i32
      %cond3A_556 = arith.constant 0 : i32
      %cond3A_557 = arith.cmpi ne, %convert_element_type3A_555, %cond3A_556 : i32
      scf.if %cond3A_557 {
        %jit3A_629 = arith.constant 25 : i32
        %eq3A_630 = arith.constant 0 : i32
        %eq3A_631 = arith.cmpi eq, %jit3A_629, %eq3A_630 : i32
        %jit3A_632 = arith.constant 1 : i32
        %select_n3A_633 = arith.select %eq3A_631, %jit3A_632, %jit3A_629 : i32
        %rem3A_634 = arith.remsi %add3A_490, %select_n3A_633 : i32
        %ne3A_635 = arith.constant 0 : i32
        %ne3A_636 = arith.cmpi ne, %rem3A_634, %ne3A_635 : i32
        %lt3A_637 = arith.constant 0 : i32
        %lt3A_638 = arith.cmpi slt, %rem3A_634, %lt3A_637 : i32
        %lt3A_639 = arith.constant 0 : i32
        %lt3A_640 = arith.cmpi slt, %select_n3A_633, %lt3A_639 : i32
        %ne3A_641 = arith.xori %lt3A_638, %lt3A_640 : i1
        %and3A_642 = arith.andi %ne3A_641, %ne3A_636 : i1
        %add3A_643 = arith.addi %rem3A_634, %select_n3A_633 : i32
        %select_n3A_644 = arith.select %and3A_642, %add3A_643, %rem3A_634 : i32
        %dma_start3A = arith.constant 0 : i32
        %dma_start3A_645 = tpu.memref_slice %arg10[%select_n3A_644, %dma_start3A] : memref<25x80xi32, #tpu.memory_space<vmem>> -> memref<1x80xi32, #tpu.memory_space<vmem>>
        %dma_start3A_646 = tpu.memref_squeeze %dma_start3A_645 : memref<1x80xi32, #tpu.memory_space<vmem>> -> memref<80xi32, #tpu.memory_space<vmem>>
        %dma_start3A_647 = arith.constant 0 : i32
        %dma_start3A_648 = arith.constant 0 : i32
        %dma_start3A_649 = tpu.memref_slice %arg7[%dma_start3A_647, %dma_start3A_648] : memref<10000x112xf32, #tpu.memory_space<vmem_shared>> -> memref<10000x112xf32, #tpu.memory_space<vmem_shared>>
        tpu.enqueue_indirect_dma source(%arg14 : memref<80x112xf32, #tpu.memory_space<vmem>>) target(%dma_start3A_649 : memref<10000x112xf32, #tpu.memory_space<vmem_shared>>) offsets(%dma_start3A_646 : memref<80xi32, #tpu.memory_space<vmem>>) semaphore(%arg24 : memref<!tpu.dma_semaphore, #tpu.memory_space<semaphore_mem>>) {add = true}
      } else {
      }
      %mul3A_558 = arith.constant 5 : i32
      %mul3A_559 = arith.muli %scan3A_78, %mul3A_558 : i32
      %add3A_560 = arith.constant 4 : i32
      %add3A_561 = arith.addi %mul3A_559, %add3A_560 : i32
      %ge3A_562 = arith.constant 2 : i32
      %ge3A_563 = arith.cmpi sge, %add3A_561, %ge3A_562 : i32
      %convert_element_type3A_564 = arith.extui %ge3A_563 : i1 to i32
      %cond3A_565 = arith.constant 0 : i32
      %cond3A_566 = arith.cmpi ne, %convert_element_type3A_564, %cond3A_565 : i32
      scf.if %cond3A_566 {
        %sub3A_629 = arith.constant 2 : i32
        %sub3A_630 = arith.subi %add3A_561, %sub3A_629 : i32
        %jit3A_631 = arith.constant 25 : i32
        %div3A_632 = arith.divsi %sub3A_630, %jit3A_631 : i32
        %sign3A_633 = arith.constant 0 : i32
        %sign3A_634 = arith.cmpi sgt, %sub3A_630, %sign3A_633 : i32
        %sign3A_635 = arith.extui %sign3A_634 : i1 to i32
        %sign3A_636 = arith.constant 0 : i32
        %sign3A_637 = arith.cmpi slt, %sub3A_630, %sign3A_636 : i32
        %sign3A_638 = arith.extui %sign3A_637 : i1 to i32
        %sign3A_639 = arith.subi %sign3A_635, %sign3A_638 : i32
        %sign3A_640 = arith.constant 0 : i32
        %sign3A_641 = arith.cmpi sgt, %jit3A_631, %sign3A_640 : i32
        %sign3A_642 = arith.extui %sign3A_641 : i1 to i32
        %sign3A_643 = arith.constant 0 : i32
        %sign3A_644 = arith.cmpi slt, %jit3A_631, %sign3A_643 : i32
        %sign3A_645 = arith.extui %sign3A_644 : i1 to i32
        %sign3A_646 = arith.subi %sign3A_642, %sign3A_645 : i32
        %ne3A_647 = arith.cmpi ne, %sign3A_639, %sign3A_646 : i32
        %rem3A_648 = arith.remsi %sub3A_630, %jit3A_631 : i32
        %ne3A_649 = arith.constant 0 : i32
        %ne3A_650 = arith.cmpi ne, %rem3A_648, %ne3A_649 : i32
        %and3A_651 = arith.andi %ne3A_647, %ne3A_650 : i1
        %sub3A_652 = arith.constant 1 : i32
        %sub3A_653 = arith.subi %div3A_632, %sub3A_652 : i32
        %select_n3A_654 = arith.select %and3A_651, %sub3A_653, %div3A_632 : i32
        %jit3A_655 = arith.constant 2 : i32
        %eq3A_656 = arith.constant 0 : i32
        %eq3A_657 = arith.cmpi eq, %jit3A_655, %eq3A_656 : i32
        %jit3A_658 = arith.constant 1 : i32
        %select_n3A_659 = arith.select %eq3A_657, %jit3A_658, %jit3A_655 : i32
        %rem3A_660 = arith.remsi %select_n3A_654, %select_n3A_659 : i32
        %ne3A_661 = arith.constant 0 : i32
        %ne3A_662 = arith.cmpi ne, %rem3A_660, %ne3A_661 : i32
        %lt3A_663 = arith.constant 0 : i32
        %lt3A_664 = arith.cmpi slt, %rem3A_660, %lt3A_663 : i32
        %lt3A_665 = arith.constant 0 : i32
        %lt3A_666 = arith.cmpi slt, %select_n3A_659, %lt3A_665 : i32
        %ne3A_667 = arith.xori %lt3A_664, %lt3A_666 : i1
        %and3A_668 = arith.andi %ne3A_667, %ne3A_662 : i1
        %add3A_669 = arith.addi %rem3A_660, %select_n3A_659 : i32
        %select_n3A_670 = arith.select %and3A_668, %add3A_669, %rem3A_660 : i32
        %eq3A_671 = arith.constant 0 : i32
        %eq3A_672 = arith.cmpi eq, %select_n3A_670, %eq3A_671 : i32
        %convert_element_type3A_673 = arith.extui %eq3A_672 : i1 to i32
        %cond3A_674 = arith.constant 0 : i32
        %cond3A_675 = arith.cmpi ne, %convert_element_type3A_673, %cond3A_674 : i32
        scf.if %cond3A_675 {
          %jit3A_681 = arith.constant 25 : i32
          %eq3A_682 = arith.constant 0 : i32
          %eq3A_683 = arith.cmpi eq, %jit3A_681, %eq3A_682 : i32
          %jit3A_684 = arith.constant 1 : i32
          %select_n3A_685 = arith.select %eq3A_683, %jit3A_684, %jit3A_681 : i32
          %rem3A_686 = arith.remsi %sub3A_630, %select_n3A_685 : i32
          %ne3A_687 = arith.constant 0 : i32
          %ne3A_688 = arith.cmpi ne, %rem3A_686, %ne3A_687 : i32
          %lt3A_689 = arith.constant 0 : i32
          %lt3A_690 = arith.cmpi slt, %rem3A_686, %lt3A_689 : i32
          %lt3A_691 = arith.constant 0 : i32
          %lt3A_692 = arith.cmpi slt, %select_n3A_685, %lt3A_691 : i32
          %ne3A_693 = arith.xori %lt3A_690, %lt3A_692 : i1
          %and3A_694 = arith.andi %ne3A_693, %ne3A_688 : i1
          %add3A_695 = arith.addi %rem3A_686, %select_n3A_685 : i32
          %select_n3A_696 = arith.select %and3A_694, %add3A_695, %rem3A_686 : i32
          %dma_wait3A_697 = arith.constant 0 : i32
          %dma_wait3A_698 = tpu.memref_slice %arg9[%select_n3A_696, %dma_wait3A_697] : memref<25x80xi32, #tpu.memory_space<vmem>> -> memref<1x80xi32, #tpu.memory_space<vmem>>
          %dma_wait3A_699 = tpu.memref_squeeze %dma_wait3A_698 : memref<1x80xi32, #tpu.memory_space<vmem>> -> memref<80xi32, #tpu.memory_space<vmem>>
          %dma_wait3A_700 = arith.constant 0 : i32
          %dma_wait3A_701 = arith.constant 0 : i32
          %dma_wait3A_702 = tpu.memref_slice %arg7[%dma_wait3A_700, %dma_wait3A_701] : memref<10000x112xf32, #tpu.memory_space<vmem_shared>> -> memref<10000x112xf32, #tpu.memory_space<vmem_shared>>
          tpu.wait_indirect_dma semaphore(%arg23 : memref<!tpu.dma_semaphore, #tpu.memory_space<semaphore_mem>>) src(%arg13 : memref<80x112xf32, #tpu.memory_space<vmem>>) dst(%dma_wait3A_702 : memref<10000x112xf32, #tpu.memory_space<vmem_shared>>)
        } else {
        }
        %eq3A_676 = arith.constant 1 : i32
        %eq3A_677 = arith.cmpi eq, %select_n3A_670, %eq3A_676 : i32
        %convert_element_type3A_678 = arith.extui %eq3A_677 : i1 to i32
        %cond3A_679 = arith.constant 0 : i32
        %cond3A_680 = arith.cmpi ne, %convert_element_type3A_678, %cond3A_679 : i32
        scf.if %cond3A_680 {
          %jit3A_681 = arith.constant 25 : i32
          %eq3A_682 = arith.constant 0 : i32
          %eq3A_683 = arith.cmpi eq, %jit3A_681, %eq3A_682 : i32
          %jit3A_684 = arith.constant 1 : i32
          %select_n3A_685 = arith.select %eq3A_683, %jit3A_684, %jit3A_681 : i32
          %rem3A_686 = arith.remsi %sub3A_630, %select_n3A_685 : i32
          %ne3A_687 = arith.constant 0 : i32
          %ne3A_688 = arith.cmpi ne, %rem3A_686, %ne3A_687 : i32
          %lt3A_689 = arith.constant 0 : i32
          %lt3A_690 = arith.cmpi slt, %rem3A_686, %lt3A_689 : i32
          %lt3A_691 = arith.constant 0 : i32
          %lt3A_692 = arith.cmpi slt, %select_n3A_685, %lt3A_691 : i32
          %ne3A_693 = arith.xori %lt3A_690, %lt3A_692 : i1
          %and3A_694 = arith.andi %ne3A_693, %ne3A_688 : i1
          %add3A_695 = arith.addi %rem3A_686, %select_n3A_685 : i32
          %select_n3A_696 = arith.select %and3A_694, %add3A_695, %rem3A_686 : i32
          %dma_wait3A_697 = arith.constant 0 : i32
          %dma_wait3A_698 = tpu.memref_slice %arg10[%select_n3A_696, %dma_wait3A_697] : memref<25x80xi32, #tpu.memory_space<vmem>> -> memref<1x80xi32, #tpu.memory_space<vmem>>
          %dma_wait3A_699 = tpu.memref_squeeze %dma_wait3A_698 : memref<1x80xi32, #tpu.memory_space<vmem>> -> memref<80xi32, #tpu.memory_space<vmem>>
          %dma_wait3A_700 = arith.constant 0 : i32
          %dma_wait3A_701 = arith.constant 0 : i32
          %dma_wait3A_702 = tpu.memref_slice %arg7[%dma_wait3A_700, %dma_wait3A_701] : memref<10000x112xf32, #tpu.memory_space<vmem_shared>> -> memref<10000x112xf32, #tpu.memory_space<vmem_shared>>
          tpu.wait_indirect_dma semaphore(%arg23 : memref<!tpu.dma_semaphore, #tpu.memory_space<semaphore_mem>>) src(%arg13 : memref<80x112xf32, #tpu.memory_space<vmem>>) dst(%dma_wait3A_702 : memref<10000x112xf32, #tpu.memory_space<vmem_shared>>)
        } else {
        }
      } else {
      }
      %add3A_567 = arith.constant 3 : i32
      %add3A_568 = arith.addi %add3A_561, %add3A_567 : i32
      %lt3A_569 = arith.constant 250 : i32
      %lt3A_570 = arith.cmpi slt, %add3A_568, %lt3A_569 : i32
      %convert_element_type3A_571 = arith.extui %lt3A_570 : i1 to i32
      %cond3A_572 = arith.constant 0 : i32
      %cond3A_573 = arith.cmpi ne, %convert_element_type3A_571, %cond3A_572 : i32
      scf.if %cond3A_573 {
        %add3A_629 = arith.constant 3 : i32
        %add3A_630 = arith.addi %add3A_561, %add3A_629 : i32
        %eq3A_631 = arith.constant 0 : i32
        %eq3A_632 = arith.cmpi eq, %arg0, %eq3A_631 : i32
        %convert_element_type3A_633 = arith.extui %eq3A_632 : i1 to i32
        %cond3A_634 = arith.constant 0 : i32
        %cond3A_635 = arith.cmpi ne, %convert_element_type3A_633, %cond3A_634 : i32
        scf.if %cond3A_635 {
          %jit3A_641 = arith.constant 125 : i32
          %eq3A_642 = arith.constant 0 : i32
          %eq3A_643 = arith.cmpi eq, %jit3A_641, %eq3A_642 : i32
          %jit3A_644 = arith.constant 1 : i32
          %select_n3A_645 = arith.select %eq3A_643, %jit3A_644, %jit3A_641 : i32
          %rem3A_646 = arith.remsi %add3A_630, %select_n3A_645 : i32
          %ne3A_647 = arith.constant 0 : i32
          %ne3A_648 = arith.cmpi ne, %rem3A_646, %ne3A_647 : i32
          %lt3A_649 = arith.constant 0 : i32
          %lt3A_650 = arith.cmpi slt, %rem3A_646, %lt3A_649 : i32
          %lt3A_651 = arith.constant 0 : i32
          %lt3A_652 = arith.cmpi slt, %select_n3A_645, %lt3A_651 : i32
          %ne3A_653 = arith.xori %lt3A_650, %lt3A_652 : i1
          %and3A_654 = arith.andi %ne3A_653, %ne3A_648 : i1
          %add3A_655 = arith.addi %rem3A_646, %select_n3A_645 : i32
          %select_n3A_656 = arith.select %and3A_654, %add3A_655, %rem3A_646 : i32
          %dma_start3A = arith.constant 0 : i32
          %dma_start3A_657 = tpu.memref_slice %arg8[%select_n3A_656, %dma_start3A] : memref<125x80xi32, #tpu.memory_space<vmem>> -> memref<1x80xi32, #tpu.memory_space<vmem>>
          %dma_start3A_658 = tpu.memref_squeeze %dma_start3A_657 : memref<1x80xi32, #tpu.memory_space<vmem>> -> memref<80xi32, #tpu.memory_space<vmem>>
          %dma_start3A_659 = arith.constant 0 : i32
          %dma_start3A_660 = arith.constant 0 : i32
          %dma_start3A_661 = tpu.memref_slice %arg2[%dma_start3A_659, %dma_start3A_660] : memref<10000x112xf32, #tpu.memory_space<hbm>> -> memref<10000x112xf32, #tpu.memory_space<hbm>>
          tpu.enqueue_indirect_dma source(%dma_start3A_661 : memref<10000x112xf32, #tpu.memory_space<hbm>>) target(%arg13 : memref<80x112xf32, #tpu.memory_space<vmem>>) offsets(%dma_start3A_658 : memref<80xi32, #tpu.memory_space<vmem>>) semaphore(%arg18 : memref<!tpu.dma_semaphore, #tpu.memory_space<semaphore_mem>>)
        } else {
        }
        %eq3A_636 = arith.constant 1 : i32
        %eq3A_637 = arith.cmpi eq, %arg0, %eq3A_636 : i32
        %convert_element_type3A_638 = arith.extui %eq3A_637 : i1 to i32
        %cond3A_639 = arith.constant 0 : i32
        %cond3A_640 = arith.cmpi ne, %convert_element_type3A_638, %cond3A_639 : i32
        scf.if %cond3A_640 {
          %jit3A_641 = arith.constant 125 : i32
          %eq3A_642 = arith.constant 0 : i32
          %eq3A_643 = arith.cmpi eq, %jit3A_641, %eq3A_642 : i32
          %jit3A_644 = arith.constant 1 : i32
          %select_n3A_645 = arith.select %eq3A_643, %jit3A_644, %jit3A_641 : i32
          %rem3A_646 = arith.remsi %add3A_630, %select_n3A_645 : i32
          %ne3A_647 = arith.constant 0 : i32
          %ne3A_648 = arith.cmpi ne, %rem3A_646, %ne3A_647 : i32
          %lt3A_649 = arith.constant 0 : i32
          %lt3A_650 = arith.cmpi slt, %rem3A_646, %lt3A_649 : i32
          %lt3A_651 = arith.constant 0 : i32
          %lt3A_652 = arith.cmpi slt, %select_n3A_645, %lt3A_651 : i32
          %ne3A_653 = arith.xori %lt3A_650, %lt3A_652 : i1
          %and3A_654 = arith.andi %ne3A_653, %ne3A_648 : i1
          %add3A_655 = arith.addi %rem3A_646, %select_n3A_645 : i32
          %select_n3A_656 = arith.select %and3A_654, %add3A_655, %rem3A_646 : i32
          %dma_start3A = arith.constant 0 : i32
          %dma_start3A_657 = tpu.memref_slice %arg8[%select_n3A_656, %dma_start3A] : memref<125x80xi32, #tpu.memory_space<vmem>> -> memref<1x80xi32, #tpu.memory_space<vmem>>
          %dma_start3A_658 = tpu.memref_squeeze %dma_start3A_657 : memref<1x80xi32, #tpu.memory_space<vmem>> -> memref<80xi32, #tpu.memory_space<vmem>>
          %dma_start3A_659 = arith.constant 0 : i32
          %dma_start3A_660 = arith.constant 0 : i32
          %dma_start3A_661 = tpu.memref_slice %arg3[%dma_start3A_659, %dma_start3A_660] : memref<10000x112xf32, #tpu.memory_space<hbm>> -> memref<10000x112xf32, #tpu.memory_space<hbm>>
          tpu.enqueue_indirect_dma source(%dma_start3A_661 : memref<10000x112xf32, #tpu.memory_space<hbm>>) target(%arg13 : memref<80x112xf32, #tpu.memory_space<vmem>>) offsets(%dma_start3A_658 : memref<80xi32, #tpu.memory_space<vmem>>) semaphore(%arg18 : memref<!tpu.dma_semaphore, #tpu.memory_space<semaphore_mem>>)
        } else {
        }
      } else {
      }
      %ne3A_574 = arith.constant 124 : i32
      %ne3A_575 = arith.cmpi ne, %add3A_561, %ne3A_574 : i32
      %convert_element_type3A_576 = arith.extui %ne3A_575 : i1 to i32
      %cond3A_577 = arith.constant 0 : i32
      %cond3A_578 = arith.cmpi ne, %convert_element_type3A_576, %cond3A_577 : i32
      scf.if %cond3A_578 {
        %eq3A_629 = arith.constant 0 : i32
        %eq3A_630 = arith.cmpi eq, %arg0, %eq3A_629 : i32
        %convert_element_type3A_631 = arith.extui %eq3A_630 : i1 to i32
        %cond3A_632 = arith.constant 0 : i32
        %cond3A_633 = arith.cmpi ne, %convert_element_type3A_631, %cond3A_632 : i32
        scf.if %cond3A_633 {
          %jit3A_639 = arith.constant 125 : i32
          %eq3A_640 = arith.constant 0 : i32
          %eq3A_641 = arith.cmpi eq, %jit3A_639, %eq3A_640 : i32
          %jit3A_642 = arith.constant 1 : i32
          %select_n3A_643 = arith.select %eq3A_641, %jit3A_642, %jit3A_639 : i32
          %rem3A_644 = arith.remsi %add3A_561, %select_n3A_643 : i32
          %ne3A_645 = arith.constant 0 : i32
          %ne3A_646 = arith.cmpi ne, %rem3A_644, %ne3A_645 : i32
          %lt3A_647 = arith.constant 0 : i32
          %lt3A_648 = arith.cmpi slt, %rem3A_644, %lt3A_647 : i32
          %lt3A_649 = arith.constant 0 : i32
          %lt3A_650 = arith.cmpi slt, %select_n3A_643, %lt3A_649 : i32
          %ne3A_651 = arith.xori %lt3A_648, %lt3A_650 : i1
          %and3A_652 = arith.andi %ne3A_651, %ne3A_646 : i1
          %add3A_653 = arith.addi %rem3A_644, %select_n3A_643 : i32
          %select_n3A_654 = arith.select %and3A_652, %add3A_653, %rem3A_644 : i32
          %dma_wait3A_655 = arith.constant 0 : i32
          %dma_wait3A_656 = tpu.memref_slice %arg8[%select_n3A_654, %dma_wait3A_655] : memref<125x80xi32, #tpu.memory_space<vmem>> -> memref<1x80xi32, #tpu.memory_space<vmem>>
          %dma_wait3A_657 = tpu.memref_squeeze %dma_wait3A_656 : memref<1x80xi32, #tpu.memory_space<vmem>> -> memref<80xi32, #tpu.memory_space<vmem>>
          %dma_wait3A_658 = arith.constant 0 : i32
          %dma_wait3A_659 = arith.constant 0 : i32
          %dma_wait3A_660 = tpu.memref_slice %arg2[%dma_wait3A_658, %dma_wait3A_659] : memref<10000x112xf32, #tpu.memory_space<hbm>> -> memref<10000x112xf32, #tpu.memory_space<hbm>>
          tpu.wait_indirect_dma semaphore(%arg20 : memref<!tpu.dma_semaphore, #tpu.memory_space<semaphore_mem>>) src(%dma_wait3A_660 : memref<10000x112xf32, #tpu.memory_space<hbm>>) dst(%arg15 : memref<80x112xf32, #tpu.memory_space<vmem>>)
        } else {
        }
        %eq3A_634 = arith.constant 1 : i32
        %eq3A_635 = arith.cmpi eq, %arg0, %eq3A_634 : i32
        %convert_element_type3A_636 = arith.extui %eq3A_635 : i1 to i32
        %cond3A_637 = arith.constant 0 : i32
        %cond3A_638 = arith.cmpi ne, %convert_element_type3A_636, %cond3A_637 : i32
        scf.if %cond3A_638 {
          %jit3A_639 = arith.constant 125 : i32
          %eq3A_640 = arith.constant 0 : i32
          %eq3A_641 = arith.cmpi eq, %jit3A_639, %eq3A_640 : i32
          %jit3A_642 = arith.constant 1 : i32
          %select_n3A_643 = arith.select %eq3A_641, %jit3A_642, %jit3A_639 : i32
          %rem3A_644 = arith.remsi %add3A_561, %select_n3A_643 : i32
          %ne3A_645 = arith.constant 0 : i32
          %ne3A_646 = arith.cmpi ne, %rem3A_644, %ne3A_645 : i32
          %lt3A_647 = arith.constant 0 : i32
          %lt3A_648 = arith.cmpi slt, %rem3A_644, %lt3A_647 : i32
          %lt3A_649 = arith.constant 0 : i32
          %lt3A_650 = arith.cmpi slt, %select_n3A_643, %lt3A_649 : i32
          %ne3A_651 = arith.xori %lt3A_648, %lt3A_650 : i1
          %and3A_652 = arith.andi %ne3A_651, %ne3A_646 : i1
          %add3A_653 = arith.addi %rem3A_644, %select_n3A_643 : i32
          %select_n3A_654 = arith.select %and3A_652, %add3A_653, %rem3A_644 : i32
          %dma_wait3A_655 = arith.constant 0 : i32
          %dma_wait3A_656 = tpu.memref_slice %arg8[%select_n3A_654, %dma_wait3A_655] : memref<125x80xi32, #tpu.memory_space<vmem>> -> memref<1x80xi32, #tpu.memory_space<vmem>>
          %dma_wait3A_657 = tpu.memref_squeeze %dma_wait3A_656 : memref<1x80xi32, #tpu.memory_space<vmem>> -> memref<80xi32, #tpu.memory_space<vmem>>
          %dma_wait3A_658 = arith.constant 0 : i32
          %dma_wait3A_659 = arith.constant 0 : i32
          %dma_wait3A_660 = tpu.memref_slice %arg3[%dma_wait3A_658, %dma_wait3A_659] : memref<10000x112xf32, #tpu.memory_space<hbm>> -> memref<10000x112xf32, #tpu.memory_space<hbm>>
          tpu.wait_indirect_dma semaphore(%arg20 : memref<!tpu.dma_semaphore, #tpu.memory_space<semaphore_mem>>) src(%dma_wait3A_660 : memref<10000x112xf32, #tpu.memory_space<hbm>>) dst(%arg15 : memref<80x112xf32, #tpu.memory_space<vmem>>)
        } else {
        }
      } else {
      }
      %jit3A_579 = arith.constant 25 : i32
      %div3A_580 = arith.divsi %add3A_561, %jit3A_579 : i32
      %sign3A_581 = arith.constant 0 : i32
      %sign3A_582 = arith.cmpi sgt, %add3A_561, %sign3A_581 : i32
      %sign3A_583 = arith.extui %sign3A_582 : i1 to i32
      %sign3A_584 = arith.constant 0 : i32
      %sign3A_585 = arith.cmpi slt, %add3A_561, %sign3A_584 : i32
      %sign3A_586 = arith.extui %sign3A_585 : i1 to i32
      %sign3A_587 = arith.subi %sign3A_583, %sign3A_586 : i32
      %sign3A_588 = arith.constant 0 : i32
      %sign3A_589 = arith.cmpi sgt, %jit3A_579, %sign3A_588 : i32
      %sign3A_590 = arith.extui %sign3A_589 : i1 to i32
      %sign3A_591 = arith.constant 0 : i32
      %sign3A_592 = arith.cmpi slt, %jit3A_579, %sign3A_591 : i32
      %sign3A_593 = arith.extui %sign3A_592 : i1 to i32
      %sign3A_594 = arith.subi %sign3A_590, %sign3A_593 : i32
      %ne3A_595 = arith.cmpi ne, %sign3A_587, %sign3A_594 : i32
      %rem3A_596 = arith.remsi %add3A_561, %jit3A_579 : i32
      %ne3A_597 = arith.constant 0 : i32
      %ne3A_598 = arith.cmpi ne, %rem3A_596, %ne3A_597 : i32
      %and3A_599 = arith.andi %ne3A_595, %ne3A_598 : i1
      %sub3A_600 = arith.constant 1 : i32
      %sub3A_601 = arith.subi %div3A_580, %sub3A_600 : i32
      %select_n3A_602 = arith.select %and3A_599, %sub3A_601, %div3A_580 : i32
      %jit3A_603 = arith.constant 2 : i32
      %eq3A_604 = arith.constant 0 : i32
      %eq3A_605 = arith.cmpi eq, %jit3A_603, %eq3A_604 : i32
      %jit3A_606 = arith.constant 1 : i32
      %select_n3A_607 = arith.select %eq3A_605, %jit3A_606, %jit3A_603 : i32
      %rem3A_608 = arith.remsi %select_n3A_602, %select_n3A_607 : i32
      %ne3A_609 = arith.constant 0 : i32
      %ne3A_610 = arith.cmpi ne, %rem3A_608, %ne3A_609 : i32
      %lt3A_611 = arith.constant 0 : i32
      %lt3A_612 = arith.cmpi slt, %rem3A_608, %lt3A_611 : i32
      %lt3A_613 = arith.constant 0 : i32
      %lt3A_614 = arith.cmpi slt, %select_n3A_607, %lt3A_613 : i32
      %ne3A_615 = arith.xori %lt3A_612, %lt3A_614 : i1
      %and3A_616 = arith.andi %ne3A_615, %ne3A_610 : i1
      %add3A_617 = arith.addi %rem3A_608, %select_n3A_607 : i32
      %select_n3A_618 = arith.select %and3A_616, %add3A_617, %rem3A_608 : i32
      %eq3A_619 = arith.constant 0 : i32
      %eq3A_620 = arith.cmpi eq, %select_n3A_618, %eq3A_619 : i32
      %convert_element_type3A_621 = arith.extui %eq3A_620 : i1 to i32
      %cond3A_622 = arith.constant 0 : i32
      %cond3A_623 = arith.cmpi ne, %convert_element_type3A_621, %cond3A_622 : i32
      scf.if %cond3A_623 {
        %jit3A_629 = arith.constant 25 : i32
        %eq3A_630 = arith.constant 0 : i32
        %eq3A_631 = arith.cmpi eq, %jit3A_629, %eq3A_630 : i32
        %jit3A_632 = arith.constant 1 : i32
        %select_n3A_633 = arith.select %eq3A_631, %jit3A_632, %jit3A_629 : i32
        %rem3A_634 = arith.remsi %add3A_561, %select_n3A_633 : i32
        %ne3A_635 = arith.constant 0 : i32
        %ne3A_636 = arith.cmpi ne, %rem3A_634, %ne3A_635 : i32
        %lt3A_637 = arith.constant 0 : i32
        %lt3A_638 = arith.cmpi slt, %rem3A_634, %lt3A_637 : i32
        %lt3A_639 = arith.constant 0 : i32
        %lt3A_640 = arith.cmpi slt, %select_n3A_633, %lt3A_639 : i32
        %ne3A_641 = arith.xori %lt3A_638, %lt3A_640 : i1
        %and3A_642 = arith.andi %ne3A_641, %ne3A_636 : i1
        %add3A_643 = arith.addi %rem3A_634, %select_n3A_633 : i32
        %select_n3A_644 = arith.select %and3A_642, %add3A_643, %rem3A_634 : i32
        %dma_start3A = arith.constant 0 : i32
        %dma_start3A_645 = tpu.memref_slice %arg9[%select_n3A_644, %dma_start3A] : memref<25x80xi32, #tpu.memory_space<vmem>> -> memref<1x80xi32, #tpu.memory_space<vmem>>
        %dma_start3A_646 = tpu.memref_squeeze %dma_start3A_645 : memref<1x80xi32, #tpu.memory_space<vmem>> -> memref<80xi32, #tpu.memory_space<vmem>>
        %dma_start3A_647 = arith.constant 0 : i32
        %dma_start3A_648 = arith.constant 0 : i32
        %dma_start3A_649 = tpu.memref_slice %arg7[%dma_start3A_647, %dma_start3A_648] : memref<10000x112xf32, #tpu.memory_space<vmem_shared>> -> memref<10000x112xf32, #tpu.memory_space<vmem_shared>>
        tpu.enqueue_indirect_dma source(%arg15 : memref<80x112xf32, #tpu.memory_space<vmem>>) target(%dma_start3A_649 : memref<10000x112xf32, #tpu.memory_space<vmem_shared>>) offsets(%dma_start3A_646 : memref<80xi32, #tpu.memory_space<vmem>>) semaphore(%arg25 : memref<!tpu.dma_semaphore, #tpu.memory_space<semaphore_mem>>) {add = true}
      } else {
      }
      %eq3A_624 = arith.constant 1 : i32
      %eq3A_625 = arith.cmpi eq, %select_n3A_618, %eq3A_624 : i32
      %convert_element_type3A_626 = arith.extui %eq3A_625 : i1 to i32
      %cond3A_627 = arith.constant 0 : i32
      %cond3A_628 = arith.cmpi ne, %convert_element_type3A_626, %cond3A_627 : i32
      scf.if %cond3A_628 {
        %jit3A_629 = arith.constant 25 : i32
        %eq3A_630 = arith.constant 0 : i32
        %eq3A_631 = arith.cmpi eq, %jit3A_629, %eq3A_630 : i32
        %jit3A_632 = arith.constant 1 : i32
        %select_n3A_633 = arith.select %eq3A_631, %jit3A_632, %jit3A_629 : i32
        %rem3A_634 = arith.remsi %add3A_561, %select_n3A_633 : i32
        %ne3A_635 = arith.constant 0 : i32
        %ne3A_636 = arith.cmpi ne, %rem3A_634, %ne3A_635 : i32
        %lt3A_637 = arith.constant 0 : i32
        %lt3A_638 = arith.cmpi slt, %rem3A_634, %lt3A_637 : i32
        %lt3A_639 = arith.constant 0 : i32
        %lt3A_640 = arith.cmpi slt, %select_n3A_633, %lt3A_639 : i32
        %ne3A_641 = arith.xori %lt3A_638, %lt3A_640 : i1
        %and3A_642 = arith.andi %ne3A_641, %ne3A_636 : i1
        %add3A_643 = arith.addi %rem3A_634, %select_n3A_633 : i32
        %select_n3A_644 = arith.select %and3A_642, %add3A_643, %rem3A_634 : i32
        %dma_start3A = arith.constant 0 : i32
        %dma_start3A_645 = tpu.memref_slice %arg10[%select_n3A_644, %dma_start3A] : memref<25x80xi32, #tpu.memory_space<vmem>> -> memref<1x80xi32, #tpu.memory_space<vmem>>
        %dma_start3A_646 = tpu.memref_squeeze %dma_start3A_645 : memref<1x80xi32, #tpu.memory_space<vmem>> -> memref<80xi32, #tpu.memory_space<vmem>>
        %dma_start3A_647 = arith.constant 0 : i32
        %dma_start3A_648 = arith.constant 0 : i32
        %dma_start3A_649 = tpu.memref_slice %arg7[%dma_start3A_647, %dma_start3A_648] : memref<10000x112xf32, #tpu.memory_space<vmem_shared>> -> memref<10000x112xf32, #tpu.memory_space<vmem_shared>>
        tpu.enqueue_indirect_dma source(%arg15 : memref<80x112xf32, #tpu.memory_space<vmem>>) target(%dma_start3A_649 : memref<10000x112xf32, #tpu.memory_space<vmem_shared>>) offsets(%dma_start3A_646 : memref<80xi32, #tpu.memory_space<vmem>>) semaphore(%arg25 : memref<!tpu.dma_semaphore, #tpu.memory_space<semaphore_mem>>) {add = true}
      } else {
      }
    }
    %scan3A_51 = arith.constant 50 : i32
    %dma_wait3A = arith.constant 23 : i32
    %dma_wait3A_52 = arith.constant 0 : i32
    %dma_wait3A_53 = tpu.memref_slice %arg10[%dma_wait3A, %dma_wait3A_52] : memref<25x80xi32, #tpu.memory_space<vmem>> -> memref<1x80xi32, #tpu.memory_space<vmem>>
    %dma_wait3A_54 = tpu.memref_squeeze %dma_wait3A_53 : memref<1x80xi32, #tpu.memory_space<vmem>> -> memref<80xi32, #tpu.memory_space<vmem>>
    %dma_wait3A_55 = arith.constant 0 : i32
    %dma_wait3A_56 = arith.constant 0 : i32
    %dma_wait3A_57 = tpu.memref_slice %arg7[%dma_wait3A_55, %dma_wait3A_56] : memref<10000x112xf32, #tpu.memory_space<vmem_shared>> -> memref<10000x112xf32, #tpu.memory_space<vmem_shared>>
    tpu.wait_indirect_dma semaphore(%arg24 : memref<!tpu.dma_semaphore, #tpu.memory_space<semaphore_mem>>) src(%arg14 : memref<80x112xf32, #tpu.memory_space<vmem>>) dst(%dma_wait3A_57 : memref<10000x112xf32, #tpu.memory_space<vmem_shared>>)
    %dma_wait3A_58 = arith.constant 24 : i32
    %dma_wait3A_59 = arith.constant 0 : i32
    %dma_wait3A_60 = tpu.memref_slice %arg10[%dma_wait3A_58, %dma_wait3A_59] : memref<25x80xi32, #tpu.memory_space<vmem>> -> memref<1x80xi32, #tpu.memory_space<vmem>>
    %dma_wait3A_61 = tpu.memref_squeeze %dma_wait3A_60 : memref<1x80xi32, #tpu.memory_space<vmem>> -> memref<80xi32, #tpu.memory_space<vmem>>
    %dma_wait3A_62 = arith.constant 0 : i32
    %dma_wait3A_63 = arith.constant 0 : i32
    %dma_wait3A_64 = tpu.memref_slice %arg7[%dma_wait3A_62, %dma_wait3A_63] : memref<10000x112xf32, #tpu.memory_space<vmem_shared>> -> memref<10000x112xf32, #tpu.memory_space<vmem_shared>>
    tpu.wait_indirect_dma semaphore(%arg25 : memref<!tpu.dma_semaphore, #tpu.memory_space<semaphore_mem>>) src(%arg15 : memref<80x112xf32, #tpu.memory_space<vmem>>) dst(%dma_wait3A_64 : memref<10000x112xf32, #tpu.memory_space<vmem_shared>>)
    %barrier3A_65 = arith.constant 0 : index
    tpu.barrier barrier_id(%barrier3A_65)
    %scan3A_66 = arith.constant 0 : i32
    %scan3A_67 = arith.constant 0 : i32
    %scan3A_68 = arith.constant 8 : i32
    %scan3A_69 = arith.addi %scan3A_67, %scan3A_68 : i32
    %scan3A_70 = arith.constant 1 : i32
    scf.for %scan3A_78 = %scan3A_67 to %scan3A_69 step %scan3A_70  : i32 {
      %mul3A_79 = arith.constant 16 : i32
      %mul3A_80 = arith.muli %scan3A_78, %mul3A_79 : i32
      %add3A = arith.addi %mul3A_80, %arg1 : i32
      %lt3A = arith.constant 125 : i32
      %lt3A_81 = arith.cmpi slt, %add3A, %lt3A : i32
      %convert_element_type3A_82 = arith.extui %lt3A_81 : i1 to i32
      %cond3A_83 = arith.constant 0 : i32
      %cond3A_84 = arith.cmpi ne, %convert_element_type3A_82, %cond3A_83 : i32
      scf.if %cond3A_84 {
        %mul3A_85 = arith.constant 80 : i32
        %mul3A_86 = arith.muli %add3A, %mul3A_85 : i32
        %multiple_of3A = tpu.assume_multiple %mul3A_86, 8 : i32
        %mul3A_87 = arith.constant 10000 : i32
        %mul3A_88 = arith.muli %arg0, %mul3A_87 : i32
        %mul3A_89 = arith.constant 80 : i32
        %mul3A_90 = arith.muli %add3A, %mul3A_89 : i32
        %add3A_91 = arith.addi %mul3A_88, %mul3A_90 : i32
        %multiple_of3A_92 = tpu.assume_multiple %add3A_91, 8 : i32
        %dma_start3A = arith.constant 0 : i32
        %dma_start3A_93 = tpu.memref_slice %arg6[%multiple_of3A_92, %dma_start3A] : memref<20000x112xf32, #tpu.memory_space<hbm>> -> memref<80x112xf32, #tpu.memory_space<hbm>>
        %dma_start3A_94 = arith.constant 0 : i32
        %dma_start3A_95 = tpu.memref_slice %arg7[%multiple_of3A, %dma_start3A_94] : memref<10000x112xf32, #tpu.memory_space<vmem_shared>> -> memref<80x112xf32, #tpu.memory_space<vmem_shared>>
        tpu.enqueue_dma source(%dma_start3A_95 : memref<80x112xf32, #tpu.memory_space<vmem_shared>>) target(%dma_start3A_93 : memref<80x112xf32, #tpu.memory_space<hbm>>) target_semaphore(%arg16 : memref<!tpu.dma_semaphore, #tpu.memory_space<semaphore_mem>>)
      } else {
      }
    }
    %scan3A_71 = arith.constant 8 : i32
    %scan3A_72 = arith.constant 0 : i32
    %scan3A_73 = arith.constant 0 : i32
    %scan3A_74 = arith.constant 8 : i32
    %scan3A_75 = arith.addi %scan3A_73, %scan3A_74 : i32
    %scan3A_76 = arith.constant 1 : i32
    scf.for %scan3A_78 = %scan3A_73 to %scan3A_75 step %scan3A_76  : i32 {
      %mul3A_79 = arith.constant 16 : i32
      %mul3A_80 = arith.muli %scan3A_78, %mul3A_79 : i32
      %add3A = arith.addi %mul3A_80, %arg1 : i32
      %lt3A = arith.constant 125 : i32
      %lt3A_81 = arith.cmpi slt, %add3A, %lt3A : i32
      %convert_element_type3A_82 = arith.extui %lt3A_81 : i1 to i32
      %cond3A_83 = arith.constant 0 : i32
      %cond3A_84 = arith.cmpi ne, %convert_element_type3A_82, %cond3A_83 : i32
      scf.if %cond3A_84 {
        %mul3A_85 = arith.constant 80 : i32
        %mul3A_86 = arith.muli %add3A, %mul3A_85 : i32
        %multiple_of3A = tpu.assume_multiple %mul3A_86, 8 : i32
        %mul3A_87 = arith.constant 10000 : i32
        %mul3A_88 = arith.muli %arg0, %mul3A_87 : i32
        %mul3A_89 = arith.constant 80 : i32
        %mul3A_90 = arith.muli %add3A, %mul3A_89 : i32
        %add3A_91 = arith.addi %mul3A_88, %mul3A_90 : i32
        %multiple_of3A_92 = tpu.assume_multiple %add3A_91, 8 : i32
        %dma_wait3A_93 = arith.constant 0 : i32
        %dma_wait3A_94 = tpu.memref_slice %arg6[%multiple_of3A_92, %dma_wait3A_93] : memref<20000x112xf32, #tpu.memory_space<hbm>> -> memref<80x112xf32, #tpu.memory_space<hbm>>
        %dma_wait3A_95 = arith.constant 0 : i32
        %dma_wait3A_96 = tpu.memref_slice %arg7[%multiple_of3A, %dma_wait3A_95] : memref<10000x112xf32, #tpu.memory_space<vmem_shared>> -> memref<80x112xf32, #tpu.memory_space<vmem_shared>>
        tpu.wait_dma2 semaphore(%arg16 : memref<!tpu.dma_semaphore, #tpu.memory_space<semaphore_mem>>) src(%dma_wait3A_96 : memref<80x112xf32, #tpu.memory_space<vmem_shared>>) dst(%dma_wait3A_94 : memref<80x112xf32, #tpu.memory_space<hbm>>)
      } else {
      }
    }
    %scan3A_77 = arith.constant 8 : i32
    return
  }
}

module attributes {stable_mosaic.version = 14 : i64} {
  func.func @_tc_body(%arg0: i32, %arg1: memref<2000x256xf32, #tpu.memory_space<vmem>>, %arg2: memref<2000x112xf32, #tpu.memory_space<vmem>>, %arg3: memref<2000x112xf32, #tpu.memory_space<vmem>>, %arg4: memref<128x128xf32, #tpu.memory_space<vmem>>, %arg5: memref<1x128xf32, #tpu.memory_space<vmem>>, %arg6: memref<64x64xf32, #tpu.memory_space<vmem>>, %arg7: memref<1x64xf32, #tpu.memory_space<vmem>>, %arg8: memref<256x128xf32, #tpu.memory_space<vmem>>, %arg9: memref<1x128xf32, #tpu.memory_space<vmem>>, %arg10: memref<320x256xf32, #tpu.memory_space<vmem>>, %arg11: memref<1x256xf32, #tpu.memory_space<vmem>>, %arg12: memref<2000x256xf32, #tpu.memory_space<vmem>>) attributes {dimension_semantics = [#tpu.dimension_semantics<arbitrary>], iteration_bounds = array<i64: 5>, scalar_prefetch = 0 : i64, scratch_operands = 0 : i64, tpu.core_type = #tpu.core_type<tc>, window_params = [{transform_indices = @transform_0, window_bounds = array<i64: 2000, 256>}, {transform_indices = @transform_1, window_bounds = array<i64: 2000, 112>}, {transform_indices = @transform_2, window_bounds = array<i64: 2000, 112>}, {pipeline_mode = #tpu.pipeline_mode<synchronous>, transform_indices = @transform_3, window_bounds = array<i64: 128, 128>}, {pipeline_mode = #tpu.pipeline_mode<synchronous>, transform_indices = @transform_4, window_bounds = array<i64: 1, 128>}, {pipeline_mode = #tpu.pipeline_mode<synchronous>, transform_indices = @transform_5, window_bounds = array<i64: 64, 64>}, {pipeline_mode = #tpu.pipeline_mode<synchronous>, transform_indices = @transform_6, window_bounds = array<i64: 1, 64>}, {pipeline_mode = #tpu.pipeline_mode<synchronous>, transform_indices = @transform_7, window_bounds = array<i64: 256, 128>}, {pipeline_mode = #tpu.pipeline_mode<synchronous>, transform_indices = @transform_8, window_bounds = array<i64: 1, 128>}, {pipeline_mode = #tpu.pipeline_mode<synchronous>, transform_indices = @transform_9, window_bounds = array<i64: 320, 256>}, {pipeline_mode = #tpu.pipeline_mode<synchronous>, transform_indices = @transform_10, window_bounds = array<i64: 1, 256>}, {transform_indices = @transform_11, window_bounds = array<i64: 2000, 256>}]} {
    %get3A = arith.constant 0 : index
    %get3A_0 = arith.constant 0 : index
    %get3A_1 = vector.load %arg2[%get3A, %get3A_0] : memref<2000x112xf32, #tpu.memory_space<vmem>>, vector<2000x112xf32>
    %get3A_2 = arith.constant 0 : index
    %get3A_3 = arith.constant 0 : index
    %get3A_4 = vector.load %arg3[%get3A_2, %get3A_3] : memref<2000x112xf32, #tpu.memory_space<vmem>>, vector<2000x112xf32>
    %slice3A = vector.extract_strided_slice %get3A_1 {offsets = [0, 96], sizes = [2000, 1], strides = [1, 1]} : vector<2000x112xf32> to vector<2000x1xf32>
    %max3A = arith.constant 1.000000e+00 : f32
    %max3A_5 = vector.broadcast %max3A : f32 to vector<2000x1xf32>
    %max3A_6 = arith.maximumf %slice3A, %max3A_5 : vector<2000x1xf32>
    %slice3A_7 = vector.extract_strided_slice %get3A_1 {offsets = [0, 0], sizes = [2000, 96], strides = [1, 1]} : vector<2000x112xf32> to vector<2000x96xf32>
    %slice3A_8 = vector.extract_strided_slice %get3A_4 {offsets = [0, 0], sizes = [2000, 32], strides = [1, 1]} : vector<2000x112xf32> to vector<2000x32xf32>
    %concatenate3A = tpu.concatenate %slice3A_7, %slice3A_8 in 1 : vector<2000x96xf32>, vector<2000x32xf32> -> vector<2000x128xf32>
    %div3A = vector.broadcast %max3A_6 : vector<2000x1xf32> to vector<2000x128xf32>
    %div3A_9 = arith.divf %concatenate3A, %div3A : vector<2000x128xf32>
    %slice3A_10 = vector.extract_strided_slice %get3A_4 {offsets = [0, 32], sizes = [2000, 64], strides = [1, 1]} : vector<2000x112xf32> to vector<2000x64xf32>
    %div3A_11 = vector.broadcast %max3A_6 : vector<2000x1xf32> to vector<2000x64xf32>
    %div3A_12 = arith.divf %slice3A_10, %div3A_11 : vector<2000x64xf32>
    %get3A_13 = arith.constant 0 : index
    %get3A_14 = arith.constant 0 : index
    %get3A_15 = vector.load %arg4[%get3A_13, %get3A_14] : memref<128x128xf32, #tpu.memory_space<vmem>>, vector<128x128xf32>
    %dot_general3A = arith.constant dense<0.000000e+00> : vector<2000x128xf32>
    %dot_general3A_16 = tpu.matmul %div3A_9, %get3A_15, %dot_general3A {dimension_numbers = #tpu.dot_dimension_numbers<[1], [0], [0], [1], [0, 0, 1, 1], [], []>, transpose_lhs_hint = false} : vector<2000x128xf32>, vector<128x128xf32>, vector<2000x128xf32> -> vector<2000x128xf32>
    %get3A_17 = arith.constant 0 : index
    %get3A_18 = arith.constant 0 : index
    %get3A_19 = vector.load %arg5[%get3A_17, %get3A_18] : memref<1x128xf32, #tpu.memory_space<vmem>>, vector<1x128xf32>
    %add3A = vector.broadcast %get3A_19 : vector<1x128xf32> to vector<2000x128xf32>
    %add3A_20 = arith.addf %dot_general3A_16, %add3A : vector<2000x128xf32>
    %max3A_21 = arith.constant 0.000000e+00 : f32
    %max3A_22 = vector.broadcast %max3A_21 : f32 to vector<2000x128xf32>
    %max3A_23 = arith.maximumf %add3A_20, %max3A_22 : vector<2000x128xf32>
    %get3A_24 = arith.constant 0 : index
    %get3A_25 = arith.constant 0 : index
    %get3A_26 = vector.load %arg6[%get3A_24, %get3A_25] : memref<64x64xf32, #tpu.memory_space<vmem>>, vector<64x64xf32>
    %dot_general3A_27 = arith.constant dense<0.000000e+00> : vector<2000x64xf32>
    %dot_general3A_28 = tpu.matmul %div3A_12, %get3A_26, %dot_general3A_27 {dimension_numbers = #tpu.dot_dimension_numbers<[1], [0], [0], [1], [0, 0, 1, 1], [], []>, transpose_lhs_hint = false} : vector<2000x64xf32>, vector<64x64xf32>, vector<2000x64xf32> -> vector<2000x64xf32>
    %get3A_29 = arith.constant 0 : index
    %get3A_30 = arith.constant 0 : index
    %get3A_31 = vector.load %arg7[%get3A_29, %get3A_30] : memref<1x64xf32, #tpu.memory_space<vmem>>, vector<1x64xf32>
    %add3A_32 = vector.broadcast %get3A_31 : vector<1x64xf32> to vector<2000x64xf32>
    %add3A_33 = arith.addf %dot_general3A_28, %add3A_32 : vector<2000x64xf32>
    %max3A_34 = arith.constant 0.000000e+00 : f32
    %max3A_35 = vector.broadcast %max3A_34 : f32 to vector<2000x64xf32>
    %max3A_36 = arith.maximumf %add3A_33, %max3A_35 : vector<2000x64xf32>
    %get3A_37 = arith.constant 0 : index
    %get3A_38 = arith.constant 0 : index
    %get3A_39 = vector.load %arg1[%get3A_37, %get3A_38] : memref<2000x256xf32, #tpu.memory_space<vmem>>, vector<2000x256xf32>
    %get3A_40 = arith.constant 0 : index
    %get3A_41 = arith.constant 0 : index
    %get3A_42 = vector.load %arg8[%get3A_40, %get3A_41] : memref<256x128xf32, #tpu.memory_space<vmem>>, vector<256x128xf32>
    %dot_general3A_43 = arith.constant dense<0.000000e+00> : vector<2000x128xf32>
    %dot_general3A_44 = tpu.matmul %get3A_39, %get3A_42, %dot_general3A_43 {dimension_numbers = #tpu.dot_dimension_numbers<[1], [0], [0], [1], [0, 0, 1, 1], [], []>, transpose_lhs_hint = false} : vector<2000x256xf32>, vector<256x128xf32>, vector<2000x128xf32> -> vector<2000x128xf32>
    %get3A_45 = arith.constant 0 : index
    %get3A_46 = arith.constant 0 : index
    %get3A_47 = vector.load %arg9[%get3A_45, %get3A_46] : memref<1x128xf32, #tpu.memory_space<vmem>>, vector<1x128xf32>
    %add3A_48 = vector.broadcast %get3A_47 : vector<1x128xf32> to vector<2000x128xf32>
    %add3A_49 = arith.addf %dot_general3A_44, %add3A_48 : vector<2000x128xf32>
    %get3A_50 = arith.constant 0 : index
    %get3A_51 = arith.constant 0 : index
    %get3A_52 = vector.load %arg10[%get3A_50, %get3A_51] : memref<320x256xf32, #tpu.memory_space<vmem>>, vector<320x256xf32>
    %slice3A_53 = vector.extract_strided_slice %get3A_52 {offsets = [0, 0], sizes = [128, 256], strides = [1, 1]} : vector<320x256xf32> to vector<128x256xf32>
    %dot_general3A_54 = arith.constant dense<0.000000e+00> : vector<2000x256xf32>
    %dot_general3A_55 = tpu.matmul %add3A_49, %slice3A_53, %dot_general3A_54 {dimension_numbers = #tpu.dot_dimension_numbers<[1], [0], [0], [1], [0, 0, 1, 1], [], []>, transpose_lhs_hint = false} : vector<2000x128xf32>, vector<128x256xf32>, vector<2000x256xf32> -> vector<2000x256xf32>
    %slice3A_56 = vector.extract_strided_slice %get3A_52 {offsets = [128, 0], sizes = [128, 256], strides = [1, 1]} : vector<320x256xf32> to vector<128x256xf32>
    %dot_general3A_57 = arith.constant dense<0.000000e+00> : vector<2000x256xf32>
    %dot_general3A_58 = tpu.matmul %max3A_23, %slice3A_56, %dot_general3A_57 {dimension_numbers = #tpu.dot_dimension_numbers<[1], [0], [0], [1], [0, 0, 1, 1], [], []>, transpose_lhs_hint = false} : vector<2000x128xf32>, vector<128x256xf32>, vector<2000x256xf32> -> vector<2000x256xf32>
    %add3A_59 = arith.addf %dot_general3A_55, %dot_general3A_58 : vector<2000x256xf32>
    %slice3A_60 = vector.extract_strided_slice %get3A_52 {offsets = [256, 0], sizes = [64, 256], strides = [1, 1]} : vector<320x256xf32> to vector<64x256xf32>
    %dot_general3A_61 = arith.constant dense<0.000000e+00> : vector<2000x256xf32>
    %dot_general3A_62 = tpu.matmul %max3A_36, %slice3A_60, %dot_general3A_61 {dimension_numbers = #tpu.dot_dimension_numbers<[1], [0], [0], [1], [0, 0, 1, 1], [], []>, transpose_lhs_hint = false} : vector<2000x64xf32>, vector<64x256xf32>, vector<2000x256xf32> -> vector<2000x256xf32>
    %add3A_63 = arith.addf %add3A_59, %dot_general3A_62 : vector<2000x256xf32>
    %get3A_64 = arith.constant 0 : index
    %get3A_65 = arith.constant 0 : index
    %get3A_66 = vector.load %arg11[%get3A_64, %get3A_65] : memref<1x256xf32, #tpu.memory_space<vmem>>, vector<1x256xf32>
    %add3A_67 = vector.broadcast %get3A_66 : vector<1x256xf32> to vector<2000x256xf32>
    %add3A_68 = arith.addf %add3A_63, %add3A_67 : vector<2000x256xf32>
    %swap3A = arith.constant 0 : index
    %swap3A_69 = arith.constant 0 : index
    %swap3A_70 = vector.load %arg12[%swap3A, %swap3A_69] : memref<2000x256xf32, #tpu.memory_space<vmem>>, vector<2000x256xf32>
    tpu.vector_store %arg12[%swap3A, %swap3A_69], %add3A_68 {strides = array<i32>} : memref<2000x256xf32, #tpu.memory_space<vmem>>, vector<2000x256xf32>,
    return
  }
  func.func @transform_0(%arg0: i32) -> (i32, i32) {
    %c0_i32 = arith.constant 0 : i32
    %c0_i32_0 = arith.constant 0 : i32
    return %arg0, %c0_i32 : i32, i32
  }
  func.func @transform_1(%arg0: i32) -> (i32, i32) {
    %c0_i32 = arith.constant 0 : i32
    %c0_i32_0 = arith.constant 0 : i32
    return %arg0, %c0_i32 : i32, i32
  }
  func.func @transform_2(%arg0: i32) -> (i32, i32) {
    %add3A = arith.constant 5 : i32
    %add3A_0 = arith.addi %add3A, %arg0 : i32
    %c0_i32 = arith.constant 0 : i32
    %c0_i32_1 = arith.constant 0 : i32
    return %add3A_0, %c0_i32 : i32, i32
  }
  func.func @transform_3(%arg0: i32) -> (i32, i32) {
    %c0_i32 = arith.constant 0 : i32
    %c0_i32_0 = arith.constant 0 : i32
    %c0_i32_1 = arith.constant 0 : i32
    return %c0_i32, %c0_i32_0 : i32, i32
  }
  func.func @transform_4(%arg0: i32) -> (i32, i32) {
    %c0_i32 = arith.constant 0 : i32
    %c0_i32_0 = arith.constant 0 : i32
    %c0_i32_1 = arith.constant 0 : i32
    return %c0_i32, %c0_i32_0 : i32, i32
  }
  func.func @transform_5(%arg0: i32) -> (i32, i32) {
    %c0_i32 = arith.constant 0 : i32
    %c0_i32_0 = arith.constant 0 : i32
    %c0_i32_1 = arith.constant 0 : i32
    return %c0_i32, %c0_i32_0 : i32, i32
  }
  func.func @transform_6(%arg0: i32) -> (i32, i32) {
    %c0_i32 = arith.constant 0 : i32
    %c0_i32_0 = arith.constant 0 : i32
    %c0_i32_1 = arith.constant 0 : i32
    return %c0_i32, %c0_i32_0 : i32, i32
  }
  func.func @transform_7(%arg0: i32) -> (i32, i32) {
    %c0_i32 = arith.constant 0 : i32
    %c0_i32_0 = arith.constant 0 : i32
    %c0_i32_1 = arith.constant 0 : i32
    return %c0_i32, %c0_i32_0 : i32, i32
  }
  func.func @transform_8(%arg0: i32) -> (i32, i32) {
    %c0_i32 = arith.constant 0 : i32
    %c0_i32_0 = arith.constant 0 : i32
    %c0_i32_1 = arith.constant 0 : i32
    return %c0_i32, %c0_i32_0 : i32, i32
  }
  func.func @transform_9(%arg0: i32) -> (i32, i32) {
    %c0_i32 = arith.constant 0 : i32
    %c0_i32_0 = arith.constant 0 : i32
    %c0_i32_1 = arith.constant 0 : i32
    return %c0_i32, %c0_i32_0 : i32, i32
  }
  func.func @transform_10(%arg0: i32) -> (i32, i32) {
    %c0_i32 = arith.constant 0 : i32
    %c0_i32_0 = arith.constant 0 : i32
    %c0_i32_1 = arith.constant 0 : i32
    return %c0_i32, %c0_i32_0 : i32, i32
  }
  func.func @transform_11(%arg0: i32) -> (i32, i32) {
    %c0_i32 = arith.constant 0 : i32
    %c0_i32_0 = arith.constant 0 : i32
    return %arg0, %c0_i32 : i32, i32
  }
}

</mosaic_0001>

<sc_bundles>
// kernel: kernel.4.cloned.1.call-start
scs
__scs_entry_jumppad:
0x0: {  	(pc) =	sbr.rel $0x88, $3  }
0x1: {  	(tag) =	ssettag $0x0;
	lr =	simm.s32 $0x1  }
0x2: {  	[smem:$0x3F95] =	sst lr;
	_ =	strace $0xD0000000  }
0x3: {  	_ = 	snop  }
0x4: {  	_ = 	snop  }
0x5: {  	_ = 	snop  }
0x6: {  	_ = 	snop  }
0x7: {  	_ = 	snop  }
__scs_overlays_trampoline_lowered:
0x8: {  	[smem:$0x3FA4] =	sst s0  }
0x9: {  	[smem:$0x3FA5] =	sst s1  }
0xa: {  	[smem:$0x3FA6] =	sst s2  }
0xb: {  	[smem:$0x3FA7] =	sst s3  }
0xc: {  	[smem:$0x3FA8] =	sst s4  }
0xd: {  	[smem:$0x3FA9] =	sst s5  }
0xe: {  	[smem:$0x3FAA] =	sst s6  }
0xf: {  	[smem:$0x3FAB] =	sst s7  }
0x10: {  	[smem:$0x3FAC] =	sst s8  }
0x11: {  	[smem:$0x3FAD] =	sst s9;
	s0 =	simm.s32 @!p0 $0x0  }
0x12: {  	s1 =	sld [smem:$0x3F93];
	s0 =	simm.s32 @p0 $0x1  }
0x13: {  	[smem:$0x3FAE] =	sst s0;
	s0 =	simm.s32 @!p1 $0x0  }
0x14: {  	s2 =	sld [smem:$0x3F92];
	s0 =	simm.s32 @p1 $0x1  }
0x15: {  	[smem:$0x3FAF] =	sst s0;
	s0 =	simm.s32 @!p2 $0x0  }
0x16: {  	s3 =	sld [smem:$0x3FDB];
	s0 =	simm.s32 @p2 $0x1  }
0x17: {  	s4 =	simm.s32 $0x1BF5;
	[smem:$0x3FB1] =	sst s0  }
0x18: {  	s0 =	sld [smem:$0x3F94];
	_ =	swait.ge [sflag:s4], $0x0  }
0x19: {  	s7 =	sld [smem:$0x3F95]  }
0x1a: {  	s8 =	sadd.s32 $0xFFFFE003, lr  }
0x1b: {  	s9 =	sadd.s32 $0xFFFFFEF7, lr;
	s5 =	simm.s32 $0xFFFFFFFF;
	p2 =	slt.u32 s8, $0xFFFFF086  }
0x1c: {  	p1 =	slt.u32 s9, $0xF7A;
	s5 =	simm.s32 @!p2 $0x0  }
0x1d: {  	s5 =	simm.s32 @p1 $0x1;
	p0 =	seq.s32 s7, s2  }
0x1e: {  	s7 =	smul.u32 @!p0 $0xF7A, s2;
	p2 =	seq.s32 @!p0 s5, $0x0  }
0x1f: {  	s9 =	smul.u32 $0xF7A, s1;
	s8 =	simm.s32 @!p0 $0x1BF5;
	p2 =	por !p2, p0  }
0x20: {  	[sflag:s8] =	ssyncset.s32 @!p0 $0xFFFFF086;
	s6 =	sadd.s32 @!p0 s3, s7;
	s7 =	simm.s32 @!p0 $0x108  }
0x21: {  	s3 =	sadd.s32 s3, s9;
	s6 =	sadd.s32 @!p0 $0x88, s6;
	s7 =	simm.s32 @p2 $0x1082  }
0x22: {  	[simem:s7], [sflag:s8] =	dma.local @!p0 [hbm:s6], $0xF7A  }
0x23: {  	s9 =	sor.u32 $0xD0000000, s2;
	s6 =	simm.s32 $0x108;
	_ =	swait.ge @!p0 [sflag:s8], $0x0  }
0x24: {  	s3 =	sadd.s32 $0x88, s3;
	s6 =	simm.s32 @!p1 $0x1082;
	[sflag:s4] =	ssyncset.s32 $0xFFFFF086  }
0x25: {  	[simem:s6], [sflag:s4] =	dma.local [hbm:s3], $0xF7A  }
0x26: {  	[smem:$0x3F95] =	sst s1;
	(tag) =	ssettag s2;
	_ =	strace s9  }
0x27: {  	s1 =	sld [smem:$0x3FA5]  }
0x28: {  	s2 =	sld [smem:$0x3FA6]  }
0x29: {  	s4 =	sld [smem:$0x3FA8]  }
0x2a: {  	p0 =	seq.s32 s5, $0x0;
	s5 =	sld [smem:$0x3FA9]  }
0x2b: {  	s6 =	sld [smem:$0x3FAA]  }
0x2c: {  	s7 =	sld [smem:$0x3FAB]  }
0x2d: {  	s3 =	simm.s32 $0x108;
	s8 =	sld [smem:$0x3FAC]  }
0x2e: {  	s3 =	simm.s32 @!p0 $0x1082;
	s9 =	sld [smem:$0x3FAD]  }
0x2f: {  	lr =	sadd.s32 s0, s3;
	s0 =	sld [smem:$0x3FA4]  }
0x30: {  	s3 =	sld [smem:$0x3FA7]  }
0x31: {  	[smem:$0x3FB0] =	sst s10  }
0x32: {  	s10 =	sld [smem:$0x3FAE];
	_ =	sdelay $0x3  }
0x33: {  	p0 =	seq.s32 s10, $0x1;
	s10 =	sld [smem:$0x3FB0];
	_ =	sdelay $0x3  }
0x34: {  	[smem:$0x3FB0] =	sst s10  }
0x35: {  	s10 =	sld [smem:$0x3FAF];
	_ =	sdelay $0x3  }
0x36: {  	p1 =	seq.s32 s10, $0x1;
	s10 =	sld [smem:$0x3FB0];
	_ =	sdelay $0x3  }
0x37: {  	[smem:$0x3FB0] =	sst s10  }
0x38: {  	s10 =	sld [smem:$0x3FB1]  }
0x39: {  	_ = 	snop;
	(pc) =	sbr.ind lr, $3  }
0x3a: {  	_ = 	snop  }
0x3b: {  	_ = 	snop  }
0x3c: {  	p2 =	seq.s32 s10, $0x1;
	s10 =	sld [smem:$0x3FB0]  }
0x3d: {  	_ =	shalt  }
0x3e: {  	_ =	shalt  }
0x3f: {  	_ =	shalt  }
0x40: {  	_ =	shalt  }
0x41: {  	_ =	shalt  }
0x42: {  	_ =	shalt  }
0x43: {  	_ =	shalt  }
0x44: {  	_ =	shalt  }
0x45: {  	_ =	shalt  }
0x46: {  	_ =	shalt  }
0x47: {  	_ =	shalt  }
0x48: {  	_ =	shalt  }
0x49: {  	_ =	shalt  }
0x4a: {  	_ =	shalt  }
0x4b: {  	_ =	shalt  }
0x4c: {  	_ =	shalt  }
0x4d: {  	_ =	shalt  }
0x4e: {  	_ =	shalt  }
0x4f: {  	_ =	shalt  }
0x50: {  	_ =	shalt  }
0x51: {  	_ =	shalt  }
0x52: {  	_ =	shalt  }
0x53: {  	_ =	shalt  }
0x54: {  	_ =	shalt  }
0x55: {  	_ =	shalt  }
0x56: {  	_ =	shalt  }
0x57: {  	_ =	shalt  }
0x58: {  	_ =	shalt  }
0x59: {  	_ =	shalt  }
0x5a: {  	_ =	shalt  }
0x5b: {  	_ =	shalt  }
0x5c: {  	_ =	shalt  }
0x5d: {  	_ =	shalt  }
0x5e: {  	_ =	shalt  }
0x5f: {  	_ =	shalt  }
0x60: {  	_ =	shalt  }
0x61: {  	_ =	shalt  }
0x62: {  	_ =	shalt  }
0x63: {  	_ =	shalt  }
0x64: {  	_ =	shalt  }
0x65: {  	_ =	shalt  }
0x66: {  	_ =	shalt  }
0x67: {  	_ =	shalt  }
0x68: {  	_ =	shalt  }
0x69: {  	_ =	shalt  }
0x6a: {  	_ =	shalt  }
0x6b: {  	_ =	shalt  }
0x6c: {  	_ =	shalt  }
0x6d: {  	_ =	shalt  }
0x6e: {  	_ =	shalt  }
0x6f: {  	_ =	shalt  }
0x70: {  	_ =	shalt  }
0x71: {  	_ =	shalt  }
0x72: {  	_ =	shalt  }
0x73: {  	_ =	shalt  }
0x74: {  	_ =	shalt  }
0x75: {  	_ =	shalt  }
0x76: {  	_ =	shalt  }
0x77: {  	_ =	shalt  }
0x78: {  	_ =	shalt  }
0x79: {  	_ =	shalt  }
0x7a: {  	_ =	shalt  }
0x7b: {  	_ =	shalt  }
0x7c: {  	_ =	shalt  }
0x7d: {  	_ =	shalt  }
0x7e: {  	_ =	shalt  }
0x7f: {  	_ =	shalt  }
0x80: {  	_ =	shalt  }
0x81: {  	_ =	shalt  }
0x82: {  	_ =	shalt  }
0x83: {  	_ =	shalt  }
0x84: {  	_ =	shalt  }
0x85: {  	_ =	shalt  }
0x86: {  	_ =	shalt  }
0x87: {  	_ =	shalt  }
.Lfunc_end0:
.L_simem_size_0:
called_computation_lowered:
.L_overlay_start_0:
0x88: {  	s2 =	sld [smem:$0x3FD9]  }
0x89: {  	s3 =	sld [smem:$0x3FFE];
	_ =	sdelay $0x1  }
0x8a: {  	s1 =	srdreg.scid  }
0x8b: {  	s0 =	sand.u32 $0x1, s1  }
0x8c: {  	s17 =	sshll.u32 s0, $0xA;
	s2 =	sadd.s32 s3, s2  }
0x8d: {  	s2 =	sadd.s32 s2, s17  }
0x8e: {  	[smem:$0x3FBC] =	sst s2  }
0x8f: {  	_ = 	snop  }
0x90: {  	s2 =	sld [smem:$0x3FD0];
	(tm) =	ssettm $0x1  }
0x91: {  	s18 =	sld [smem:$0x3FFB];
	_ =	sdelay $0x3  }
0x92: {  	_ =	strace s18  }
0x93: {  	s3 =	sld [smem:$0x3FFC];
	_ =	sdelay $0x3  }
0x94: {  	_ =	strace s3  }
0x95: {  	s3 =	sld [smem:$0x3FFD];
	_ =	sdelay $0x3  }
0x96: {  	_ =	strace s3  }
0x97: {  	_ =	strace $0x8FFFFFFF  }
0x98: {  	s19 =	sld [smem:$0x3FDB];
	_ =	sdelay $0x1  }
0x99: {  	s4 =	simm.s32 $_scs_section_size  }
0x9a: {  	s5 =	simm.s32 $_size__tile_overlayer_lowered;
	s6 =	simm.s32 $_tile_overlayer_lowered  }
0x9b: {  	s22 =	simm.s32 $0x1BFF;
	s21 =	sshll.u32 s6, $0x1;
	s3 =	sadd.s32 s4, s19  }
0x9c: {  	s7 =	simm.s32 $0x0;
	s20 =	sshll.u32 s5, $0x1;
	s5 =	sadd.s32 s21, s3  }
0x9d: {  	[timem:s7], [sflag:s22] =	dma.local [hbm:s5], s20  }
0x9e: {  	_ =	swait.ge [sflag:s22], s20  }
0x9f: {  	s4 =	ssub.s32 $0x0, s20;
	[sflag:s22] =	ssyncset.done $0x0  }
0xa0: {  	[sflag:s22] =	ssyncadd.s32 s4;
	_ =	sdelay $0x1  }
0xa1: {  	s23 =	simm.s32 $0x1B8B  }
0xa2: {  	_ =	swait.ge [sflag:s23], $0x1  }
0xa3: {  	[sflag:s23] =	ssyncset.done $0x0  }
0xa4: {  	s25 =	simm.s32 $0x1B8E;
	s24 =	sld [smem:$0x3FFE];
	[sflag:s23] =	ssyncadd.s32 $0xFFFFFFFF  }
0xa5: {  	s26 =	simm.s32 $execute0_lowered;
	[smem:$0x3FD2] =	sst s25  }
0xa6: {  	s5 =	sshll.u32 s26, $0x1;
	_ =	strace $0x80000046;
	[dreg:$0x1] =	wrdreg $0xFFFFFFFF  }
0xa7: {  	s28 =	simm.s32 $_size_execute0_lowered;
	s3 =	sadd.s32 s3, s5;
	[dreg:$0x0] =	wrdreg $0x0  }
0xa8: {  	s5 =	sshll.u32 s28, $0x1;
	[dreg:$0x2] =	wrdreg s3  }
0xa9: {  	[dreg:$0x3] =	wrdreg s5  }
0xaa: {  	[dreg:$0x4] =	wrdreg $0xC0  }
0xab: {  	_ =	task [dreg:s7], $0x5FFFF  }
0xac: {  	[dreg:$0x1] =	wrdreg $0xFFFFFFFF  }
0xad: {  	[dreg:$0x0] =	wrdreg $0x60  }
0xae: {  	[dreg:$0x2] =	wrdreg s24  }
0xaf: {  	[dreg:$0x3] =	wrdreg s2  }
0xb0: {  	[dreg:$0x4] =	wrdreg $0x0  }
0xb1: {  	[dreg:$0x5] =	wrdreg $0x9  }
0xb2: {  	_ =	task.clear_ibuf [dreg:s7], $0x6FFFF;
	_ =	strace $0x90000046  }
0xb3: {  	s29 =	simm.s32 $0x9;
	_ =	strace $0x80000048  }
0xb4: {  	_ =	swait.ge [sflag:s29], $0x1  }
0xb5: {  	[sflag:s29] =	ssyncadd.s32 $0xFFFFFFFF  }
0xb6: {  	_ =	strace $0x90000048  }
0xb7: {  	_ =	sfence  }
0xb8: {  	s30 =	sld [smem:$0x0];
	_ =	sdelay $0x2  }
0xb9: {  	s31 =	sshll.u32 s1, $0xD;
	s1 =	sshrl.u32 s1, $0x2  }
0xba: {  	s3 =	sand.u32 $0x4000, s31;
	s1 =	sadd.s32 s1, s30  }
0xbb: {  	s0 =	sor.u32 s3, s0;
	s1 =	sshll.u32 s1, $0x11  }
0xbc: {  	s0 =	sor.u32 s1, s0  }
0xbd: {  	s0 =	sadd.s32 $0x8F2B, s0  }
0xbe: {  	[sflag:s0] =	ssyncadd.remote.s32 $0x1  }
0xbf: {  	_ =	sfence.sel $0xFFFF  }
0xc0: {  	[dreg:$0x0] =	wrdreg $0xFFFFFFFF;
	(pc) =	sbr.abs _section_cstart, $3  }
0xc1: {  	[dreg:$0x1] =	wrdreg $0xFFFFFFFF  }
0xc2: {  	_ =	task.clear_ibuf [dreg:s7], $0x2FFFF;
	_ =	strace $0x9FFFFFFF  }
0xc3: {  	(tm) =	ssettm $0x7FFFFFFF  }
tec
execute0_lowered:
.L_overlay_start_1:
0x0: {  	(tag) =	ssettag $0x1  }
0x1: {  	s0 =	rddreg [dreg:$0x0]  }
0x2: {  	s1 =	rddreg [dreg:$0x1];
	s23 =	stileid.u32  }
0x3: {  	s2 =	rddreg [dreg:$0x2];
	s4 =	smul.u32 $0x9C4, s23  }
0x4: {  	s5 =	srdreg.scid;
	s6 =	smul.u32 $0x4E20, s23  }
0x5: {  	s3 =	simm.s32 $0x0;
	s5 =	sand.u32 $0x1, s5;
	s9 =	smul.u32 $0x460, s23  }
0x6: {  	s29 =	simm.s32 $0x11170;
	s8 =	sor.u32 $0x10, s23;
	s7 =	smul.u32 $0x222E0, s5  }
0x7: {  	s30 =	simm.s32 $0xC;
	s11 =	sor.u32 $0x20, s23;
	s12 =	smul.u32 $0x460, s8  }
0x8: {  	s31 =	simm.s32 $0x1;
	s16 =	sor.u32 $0x30, s23;
	s14 =	smul.u32 $0x460, s11  }
0x9: {  	[smem:$0x7FF] =	sst s3;
	s17 =	sor.u32 $0x40, s23;
	s18 =	smul.u32 $0x460, s16  }
0xa: {  	s10 =	sadd.s32 $0xC200, s0;
	s19 =	sor.u32 $0x50, s23;
	s24 =	smul.u32 $0x460, s17  }
0xb: {  	s20 =	sor.u32 $0x60, s23;
	p3 =	sgt.u32 s23, $0xC;
	s21 =	smul.u32 $0x460, s19  }
0xc: {  	_ =	strace $0x80000047;
	s13 =	ssub.s32 $0x2, s5;
	s22 =	smul.u32 $0x460, s20  }
0xd: {  	p0 =	seq.s32 s5, $0x0;
	p1 =	sne.s32 s5, $0x0;
	s15 =	sshrl.u32 s13, $0x1  }
0xe: {  	s6 =	sshrl.u32 s6, $0x3;
	s13 =	ssub.s32 s13, s15;
	s1 =	sadd.s32 s1, s7  }
0xf: {  	s7 =	sor.u32 $0x70, s23;
	s9 =	sadd.s32 s1, s9;
	s25 =	sadd.s32 s1, s12  }
0x10: {  	s26 =	smul.u32 $0x460, s7;
	s28 =	sadd.s32 s1, s14;
	[dreg:$0x4] =	wrdreg s9  }
0x11: {  	s14 =	sadd.s32 s1, s18;
	s18 =	sadd.s32 s1, s24;
	[dreg:$0x5] =	wrdreg s25  }
0x12: {  	s21 =	sadd.s32 s1, s21;
	s24 =	sadd.s32 s1, s22;
	[dreg:$0x6] =	wrdreg s28  }
0x13: {  	s12 =	sadd.s32 $0x38400, s0;
	[dreg:$0x7] =	wrdreg s14;
	s28 =	smul.u32 $0x8C00, s23  }
0x14: {  	[dreg:$0x8] =	wrdreg s18;
	s25 =	sadd.s32 s10, s6;
	s6 =	smul.u32 $0x8C00, s8  }
0x15: {  	p5 =	sgt.u32 s7, $0x7C;
	[dreg:$0x9] =	wrdreg s21;
	s9 =	smul.u32 $0x8C00, s11  }
0x16: {  	[dreg:$0xa] =	wrdreg s24;
	s14 =	sadd.s32 $0x16000, s0;
	s11 =	smul.u32 $0x8C00, s17  }
0x17: {  	s8 =	smax.u32 s13, $0x1;
	s18 =	smul.u32 $0x8C00, s20;
	s1 =	sadd.s32 s1, s26  }
0x18: {  	s26 =	sadd.s32 s10, s4;
	s4 =	sadd.s32 s4, s0;
	s10 =	smul.u32 $0x8C00, s16  }
0x19: {  	s15 =	sadd.s32 $0x4E2, s25;
	[dreg:$0xd] =	wrdreg s8;
	s16 =	smul.u32 $0x8C00, s19  }
0x1a: {  	s19 =	smul.u32 $0x8C00, s7;
	s7 =	simm.s32 $0x1D420;
	[dreg:$0xb] =	wrdreg s1  }
0x1b: {  	s8 =	simm.s32 $0x2;
	[dreg:$0xc] =	wrdreg s26;
	s5 =	sshrl.u32 s28, $0x2  }
0x1c: {  	s0 =	sshrl.u32 s6, $0x2;
	s1 =	sshrl.u32 s9, $0x2;
	s26 =	sadd.s32 $0x2400, s4  }
0x1d: {  	s28 =	sadd.s32 $0x24FA, s4;
	s4 =	simm.s32 $0x16B20;
	s6 =	simm.s32 $0x1B120  }
0x1e: {  	s9 =	simm.s32 $0x6;
	s21 =	sadd.s32 s5, s2;
	s0 =	sadd.s32 s0, s2  }
0x1f: {  	s13 =	sshrl.u32 s10, $0x2;
	s1 =	sadd.s32 s1, s2;
	[dreg:$0x16] =	wrdreg s26  }
0x20: {  	s22 =	sshrl.u32 s16, $0x2;
	s25 =	sshrl.u32 s19, $0x2;
	[dreg:$0x17] =	wrdreg s28  }
0x21: {  	s5 =	simm.s32 $0x18E20;
	s10 =	simm.s32 $0x3;
	s16 =	simm.s32 $0x7  }
0x22: {  	s26 =	simm.s32 $0x8;
	s19 =	simm.s32 $0x0;
	[dreg:$0xf] =	wrdreg s0  }
0x23: {  	[dreg:$0x10] =	wrdreg s1;
	s17 =	sadd.s32 s13, s2;
	s0 =	sshrl.u32 s11, $0x2  }
0x24: {  	s1 =	sshrl.u32 s18, $0x2;
	s11 =	simm.s32 $0x4;
	[dreg:$0xe] =	wrdreg s21  }
0x25: {  	[dreg:$0x11] =	wrdreg s17;
	s20 =	sadd.s32 s0, s2;
	s0 =	sadd.s32 s22, s2  }
.Ltmp0:
0x26: {  	s24 =	sadd.s32 s1, s2;
	[dreg:$0x13] =	wrdreg s0;
	(pc) =	sbr.rel .LBB2_1-.Ltmp0, $4  }
0x27: {  	s13 =	simm.s32 $0x5;
	s1 =	simm.s32 $0x50;
	[dreg:$0x14] =	wrdreg s24  }
0x28: {  	s17 =	simm.s32 @!p5 $0x0;
	s0 =	sadd.s32 s25, s2;
	[dreg:$0x12] =	wrdreg s20  }
0x29: {  	s24 =	smov.u32 s14;
	s17 =	simm.s32 @p5 $0x1;
	[dreg:$0x15] =	wrdreg s0  }
0x2a: {  	v0 =	vimm.f32 $0.0e+00;
	s24 =	smov.u32 @p0 s12;
	s0 =	simm.s32 $0x14820;
	[smem:$0x7FD] =	sst s17  }
.LBB2_32:
0x2b: {  	s17 =	simm.s32 $0x9  }
0x2c: {  	_ =	swait.ge [sflag:s17], $0x2300  }
0x2d: {  	[sflag:s17] =	ssyncset.done $0x0  }
0x2e: {  	s21 =	simm.s32 $0xA;
	[sflag:s17] =	ssyncadd.s32 $0xFFFFDD00  }
0x2f: {  	_ =	swait.ge [sflag:s21], $0x2300  }
0x30: {  	[sflag:s21] =	ssyncset.done $0x0  }
0x31: {  	[sflag:s21] =	ssyncadd.s32 $0xFFFFDD00  }
0x32: {  	s22 =	stileid.u32;
	[bflag:$0x0] =	sbarrier.arrive $0xFFFF  }
0x33: {  	s17 =	sshll.u32 s22, $0x6;
	s21 =	rddreg [dreg:$0xe]  }
0x34: {  	s17 =	sor.u32 $0x1C01, s17;
	s19 =	rddreg [dreg:$0x4];
	s18 =	sshrl.u32 s21, $0x3  }
0x35: {  	[hbm:s19], [sflag:s17] =	dma.local [spmem:s18], $0x460  }
0x36: {  	s18 =	rddreg [dreg:$0xf]  }
0x37: {  	s19 =	rddreg [dreg:$0x5];
	s18 =	sshrl.u32 s18, $0x3  }
0x38: {  	[hbm:s19], [sflag:s17] =	dma.local [spmem:s18], $0x460  }
0x39: {  	s18 =	rddreg [dreg:$0x10]  }
0x3a: {  	s19 =	rddreg [dreg:$0x6];
	s18 =	sshrl.u32 s18, $0x3  }
0x3b: {  	[hbm:s19], [sflag:s17] =	dma.local [spmem:s18], $0x460  }
0x3c: {  	s18 =	rddreg [dreg:$0x11]  }
0x3d: {  	s19 =	rddreg [dreg:$0x7];
	s18 =	sshrl.u32 s18, $0x3  }
0x3e: {  	[hbm:s19], [sflag:s17] =	dma.local [spmem:s18], $0x460  }
0x3f: {  	s20 =	rddreg [dreg:$0x12]  }
0x40: {  	s19 =	rddreg [dreg:$0x8];
	s23 =	sshrl.u32 s20, $0x3  }
0x41: {  	[hbm:s19], [sflag:s17] =	dma.local [spmem:s23], $0x460  }
0x42: {  	s18 =	rddreg [dreg:$0x13]  }
0x43: {  	s19 =	rddreg [dreg:$0x9];
	s18 =	sshrl.u32 s18, $0x3  }
0x44: {  	[hbm:s19], [sflag:s17] =	dma.local [spmem:s18], $0x460  }
0x45: {  	s18 =	rddreg [dreg:$0x14]  }
0x46: {  	s19 =	rddreg [dreg:$0xa];
	s18 =	sshrl.u32 s18, $0x3  }
0x47: {  	[hbm:s19], [sflag:s17] =	dma.local [spmem:s18], $0x460  }
0x48: {  	s18 =	sld [smem:$0x7FD];
	_ =	sdelay $0x2  }
0x49: {  	p5 =	seq.s32 s18, $0x1;
	s18 =	rddreg [dreg:$0x15]  }
0x4a: {  	s19 =	rddreg [dreg:$0xb];
	s18 =	sshrl.u32 @!p5 s18, $0x3  }
0x4b: {  	[hbm:s19], [sflag:s17] =	dma.local @!p5 [spmem:s18], $0x460  }
0x4c: {  	_ =	swait.ge [sflag:s31], $0x460  }
0x4d: {  	[sflag:s31] =	ssyncset.done $0x0  }
0x4e: {  	[sflag:s31] =	ssyncadd.s32 $0xFFFFFBA0  }
0x4f: {  	_ =	swait.ge [sflag:s31], $0x460  }
0x50: {  	[sflag:s31] =	ssyncset.done $0x0  }
0x51: {  	[sflag:s31] =	ssyncadd.s32 $0xFFFFFBA0  }
0x52: {  	_ =	swait.ge [sflag:s31], $0x460  }
0x53: {  	[sflag:s31] =	ssyncset.done $0x0  }
0x54: {  	[sflag:s31] =	ssyncadd.s32 $0xFFFFFBA0  }
0x55: {  	_ =	swait.ge [sflag:s31], $0x460  }
0x56: {  	[sflag:s31] =	ssyncset.done $0x0  }
0x57: {  	[sflag:s31] =	ssyncadd.s32 $0xFFFFFBA0  }
0x58: {  	_ =	swait.ge [sflag:s31], $0x460  }
0x59: {  	[sflag:s31] =	ssyncset.done $0x0  }
0x5a: {  	[sflag:s31] =	ssyncadd.s32 $0xFFFFFBA0  }
0x5b: {  	_ =	swait.ge [sflag:s31], $0x460  }
0x5c: {  	[sflag:s31] =	ssyncset.done $0x0  }
0x5d: {  	[sflag:s31] =	ssyncadd.s32 $0xFFFFFBA0  }
0x5e: {  	_ =	swait.ge [sflag:s31], $0x460  }
0x5f: {  	[sflag:s31] =	ssyncset.done $0x0  }
0x60: {  	s17 =	simm.s32 @!p3 $0x1;
	[sflag:s31] =	ssyncadd.s32 $0xFFFFFBA0  }
0x61: {  	_ =	swait.ge @!p3 [sflag:s17], $0x460  }
0x62: {  	s25 =	rddreg [dreg:$0x18]  }
0x63: {  	s28 =	rddreg [dreg:$0xd];
	s19 =	sadd.s32 $0x1, s25  }
0x64: {  	p2 =	sne.s32 s19, s28  }
.Ltmp1:
0x65: {  	_ = 	snop;
	(pc) =	sbr.rel @!p2 .LBB2_33-.Ltmp1, $3  }
0x66: {  	_ =	sdelay $0x1  }
0x67: {  	[sflag:s17] =	ssyncset.done @!p3 $0x0  }
0x68: {  	[sflag:s17] =	ssyncadd.s32 @!p3 $0xFFFFFBA0  }
.LBB2_1:
0x69: {  	[dreg:$0x18] =	wrdreg s19;
	s17 =	simm.s32 $0x0;
	s18 =	simm.s32 $0x1C0  }
.LBB2_2:
0x6a: {  	p4 =	sne.s32 s18, $0x8A40;
	[tilespmem:s17+$0x14880] =	vst v0  }
0x6b: {  	[tilespmem:s17+$0x14820] =	vst v0  }
.Ltmp2:
0x6c: {  	[tilespmem:s17+$0x14830] =	vst v0;
	(pc) =	sbr.rel @p4 .LBB2_2-.Ltmp2, $4  }
0x6d: {  	[tilespmem:s17+$0x14840] =	vst v0  }
0x6e: {  	[tilespmem:s17+$0x14850] =	vst v0  }
0x6f: {  	[tilespmem:s17+$0x14860] =	vst v0  }
0x70: {  	[tilespmem:s17+$0x14870] =	vst v0;
	s17 =	sshra.s32 s18, $0x2;
	s18 =	sadd.s32 $0x1C0, s18  }
0x71: {  	[tilespmem:s17+$0x14880] =	vst v0  }
0x72: {  	[tilespmem:s17+$0x14820] =	vst v0  }
0x73: {  	[tilespmem:s17+$0x14830] =	vst v0  }
0x74: {  	[tilespmem:s17+$0x14840] =	vst v0  }
0x75: {  	[tilespmem:s17+$0x14850] =	vst v0  }
0x76: {  	[tilespmem:s17+$0x14860] =	vst v0  }
0x77: {  	[tilespmem:s17+$0x14870] =	vst v0;
	s25 =	rddreg [dreg:$0xc]  }
0x78: {  	[tilespmem:s29], [sflag:$0xC] =	stream.linear.gather [hbm4b:s25+s3], $0x2710, $0x38;
	[tilespmem:$0x1F720] =	vst v63  }
0x79: {  	_ =	swait.ge [sflag:s30], $0x2710  }
0x7a: {  	[sflag:s30] =	ssyncset.done $0x0  }
0x7b: {  	s18 =	simm.s32 $0x13880;
	s28 =	rddreg [dreg:$0x16];
	[sflag:s30] =	ssyncadd.s32 $0xFFFFD8F0  }
0x7c: {  	[tilespmem:s18], [sflag:$0xC] =	stream.linear.gather [hbm4b:s28+s3], $0x7D0, $0x38;
	[tilespmem:$0x1F720] =	vst v63  }
0x7d: {  	_ =	swait.ge [sflag:s30], $0x7D0  }
0x7e: {  	[sflag:s30] =	ssyncset.done $0x0  }
0x7f: {  	[sflag:s30] =	ssyncadd.s32 $0xFFFFF830  }
0x80: {  	[spmem:s21] =	stream.linear.scatter [tilespmem:s0], [sflag:$0x1], $0x2300, $0x38;
	[tilespmem:$0x1F720] =	vst v63  }
0x81: {  	s18 =	rddreg [dreg:$0xf]  }
0x82: {  	[spmem:s18] =	stream.linear.scatter [tilespmem:s0], [sflag:$0x1], $0x2300, $0x38;
	[tilespmem:$0x1F720] =	vst v63  }
0x83: {  	s19 =	rddreg [dreg:$0x10]  }
0x84: {  	[spmem:s19] =	stream.linear.scatter [tilespmem:s0], [sflag:$0x1], $0x2300, $0x38;
	[tilespmem:$0x1F720] =	vst v63  }
0x85: {  	s21 =	rddreg [dreg:$0x11]  }
0x86: {  	[spmem:s21] =	stream.linear.scatter [tilespmem:s0], [sflag:$0x1], $0x2300, $0x38;
	[tilespmem:$0x1F720] =	vst v63  }
0x87: {  	_ = 	snop  }
0x88: {  	[spmem:s20] =	stream.linear.scatter [tilespmem:s0], [sflag:$0x1], $0x2300, $0x38;
	[tilespmem:$0x1F720] =	vst v63  }
0x89: {  	s22 =	rddreg [dreg:$0x13]  }
0x8a: {  	[spmem:s22] =	stream.linear.scatter [tilespmem:s0], [sflag:$0x1], $0x2300, $0x38;
	[tilespmem:$0x1F720] =	vst v63  }
0x8b: {  	s23 =	rddreg [dreg:$0x14]  }
0x8c: {  	[spmem:s23] =	stream.linear.scatter [tilespmem:s0], [sflag:$0x1], $0x2300, $0x38;
	[tilespmem:$0x1F720] =	vst v63  }
0x8d: {  	s17 =	simm.s32 @!p5 $0x14820;
	s18 =	rddreg [dreg:$0x15]  }
0x8e: {  	[spmem:s18] =	stream.linear.scatter @!p5 [tilespmem:s17], [sflag:$0x1], $0x2300, $0x38;
	[tilespmem:$0x1F720] =	vst v63  }
0x8f: {  	_ =	swait.ge [sflag:s31], $0x2300  }
0x90: {  	[sflag:s31] =	ssyncset.done $0x0  }
0x91: {  	[sflag:s31] =	ssyncadd.s32 $0xFFFFDD00  }
0x92: {  	_ =	swait.ge [sflag:s31], $0x2300  }
0x93: {  	[sflag:s31] =	ssyncset.done $0x0  }
0x94: {  	[sflag:s31] =	ssyncadd.s32 $0xFFFFDD00  }
0x95: {  	_ =	swait.ge [sflag:s31], $0x2300  }
0x96: {  	[sflag:s31] =	ssyncset.done $0x0  }
0x97: {  	[sflag:s31] =	ssyncadd.s32 $0xFFFFDD00  }
0x98: {  	_ =	swait.ge [sflag:s31], $0x2300  }
0x99: {  	[sflag:s31] =	ssyncset.done $0x0  }
0x9a: {  	[sflag:s31] =	ssyncadd.s32 $0xFFFFDD00  }
0x9b: {  	_ =	swait.ge [sflag:s31], $0x2300  }
0x9c: {  	[sflag:s31] =	ssyncset.done $0x0  }
0x9d: {  	[sflag:s31] =	ssyncadd.s32 $0xFFFFDD00  }
0x9e: {  	_ =	swait.ge [sflag:s31], $0x2300  }
0x9f: {  	[sflag:s31] =	ssyncset.done $0x0  }
0xa0: {  	[sflag:s31] =	ssyncadd.s32 $0xFFFFDD00  }
0xa1: {  	_ =	swait.ge [sflag:s31], $0x2300  }
0xa2: {  	[sflag:s31] =	ssyncset.done $0x0  }
0xa3: {  	s17 =	simm.s32 @!p3 $0x1;
	[sflag:s31] =	ssyncadd.s32 $0xFFFFDD00  }
0xa4: {  	_ =	swait.ge @!p3 [sflag:s17], $0x2300  }
0xa5: {  	[sflag:s17] =	ssyncset.done @!p3 $0x0  }
0xa6: {  	[sflag:s17] =	ssyncadd.s32 @!p3 $0xFFFFDD00  }
0xa7: {  	[bflag:$0x0] =	sbarrier.arrive $0xFFFF  }
0xa8: {  	[tilespmem:s0], [sflag:$0x1] =	stream.indirect.gather [hbm4b:s24+s1], $0x70, s29, s1, $0xb8;
	[tilespmem:$0x1F720] =	vst v63  }
.Ltmp3:
0xa9: {  	_ = 	snop;
	(pc) =	sbr.rel .LBB2_4-.Ltmp3, $4  }
0xaa: {  	s25 =	simm.s32 $0x111C0;
	s28 =	simm.s32 $0x11210  }
0xab: {  	[tilespmem:s4], [sflag:$0x2] =	stream.indirect.gather [hbm4b:s24+s1], $0x70, s25, s1, $0xb8;
	[tilespmem:$0x1F720] =	vst v63  }
0xac: {  	s18 =	simm.s32 $0x4;
	s17 =	simm.s32 $0x0;
	s19 =	rddreg [dreg:$0x17]  }
0xad: {  	[tilespmem:s5], [sflag:$0x3] =	stream.indirect.gather [hbm4b:s24+s1], $0x70, s28, s1, $0xb8;
	[tilespmem:$0x1F720] =	vst v63  }
.LBB2_30:
0xae: {  	s20 =	sand.u32 $0xFF, s18  }
0xaf: {  	s20 =	smul.u32 $0x29, s20;
	_ =	sdelay $0x1  }
0xb0: {  	s20 =	sshrl.u32 s20, $0xA  }
0xb1: {  	s21 =	smul.u32 $0x19, s20  }
0xb2: {  	_ =	swait.ge [sflag:s13], $0x2300  }
0xb3: {  	[sflag:s13] =	ssyncset.done $0x0;
	s20 =	sand.u32 $0x1, s20;
	s21 =	ssub.s32 s18, s21  }
0xb4: {  	p2 =	seq.s32 s20, $0x1;
	s20 =	simm.s32 $0x14050;
	s21 =	sand.u32 $0xFF, s21  }
0xb5: {  	[sflag:s13] =	ssyncadd.s32 $0xFFFFDD00;
	s20 =	simm.s32 @!p2 $0x13880;
	s21 =	smul.u32 $0x140, s21  }
.LBB2_31:
0xb6: {  	s18 =	sadd.s32 $0x5, s18  }
0xb7: {  	p2 =	sne.s32 s18, $0xFE  }
.Ltmp4:
0xb8: {  	_ = 	snop;
	(pc) =	sbr.rel @!p2 .LBB2_32-.Ltmp4, $4  }
0xb9: {  	_ = 	snop  }
0xba: {  	s21 =	sshrl.u32 s21, $0x2  }
0xbb: {  	s17 =	sadd.s32 $0x1, s17;
	s19 =	sadd.s32 $0x32, s19;
	s20 =	sadd.s32 s21, s20  }
0xbc: {  	[spmem:s2] =	stream.indirect.scatter.add.f32 [tilespmem:s7], [sflag:$0xA], $0x70, s20, s1, $0xb8;
	[tilespmem:$0x1F720] =	vst v63  }
.LBB2_4:
0xbd: {  	s20 =	sadd.s32 $0xFFFFFFFC, s18  }
0xbe: {  	s22 =	sand.u32 $0xFF, s20  }
0xbf: {  	s22 =	smul.u32 $0x29, s22  }
0xc0: {  	s21 =	smul.u32 $0xCD, s17  }
0xc1: {  	p4 =	sne.s32 s18, $0x4;
	s22 =	sshrl.u32 s22, $0xA  }
0xc2: {  	s23 =	simm.s32 $0x1;
	s21 =	sshrl.u32 s21, $0xA;
	s22 =	smul.u32 $0x19, s22  }
0xc3: {  	s23 =	simm.s32 @!p4 $0x0;
	s21 =	sand.u32 $0x1, s21  }
0xc4: {  	p4 =	seq.s32 s23, s21;
	s22 =	ssub.s32 s20, s22  }
0xc5: {  	s23 =	sand.u32 @!p4 $0xFF, s22  }
0xc6: {  	p5 =	sne.s32 @!p4 s23, $0x0  }
0xc7: {  	p4 =	por p5, p4  }
0xc8: {  	s22 =	sand.u32 $0xFF, s22;
	p5 =	seq.s32 s21, $0x1;
	s21 =	simm.s32 @!p4 $0xB  }
0xc9: {  	p6 =	sne.s32 s22, $0x0;
	p2 =	por !p5, !p5;
	_ =	swait.ge @!p4 [sflag:s21], $0x7D0  }
0xca: {  	p2 =	por p6, p2;
	[sflag:s21] =	ssyncset.done @!p4 $0x0  }
0xcb: {  	s25 =	sadd.s32 $0xFFFFFF82, s18;
	s23 =	simm.s32 @!p2 $0xB;
	[sflag:s21] =	ssyncadd.s32 @!p4 $0xFFFFF830  }
0xcc: {  	p6 =	slt.u32 s17, $0x19;
	s21 =	sadd.s32 $0xFFFFFFFF, s18;
	_ =	swait.ge @!p2 [sflag:s23], $0x7D0  }
0xcd: {  	p4 =	seq.s32 s18, $0x4;
	s25 =	smov.u32 @p6 s21;
	[sflag:s23] =	ssyncset.done @!p2 $0x0  }
0xce: {  	s25 =	smul.u32 $0x140, s25;
	[sflag:s23] =	ssyncadd.s32 @!p2 $0xFFFFF830;
	s23 =	simm.s32 @!p4 $0x9  }
0xcf: {  	_ =	swait.ge @!p4 [sflag:s23], $0x2300  }
0xd0: {  	s22 =	smul.u32 $0x140, s22;
	s25 =	sshra.s32 s25, $0x2;
	[sflag:s23] =	ssyncset.done @!p4 $0x0  }
0xd1: {  	s28 =	sadd.s32 $0x11170, s25;
	[sflag:s23] =	ssyncadd.s32 @!p4 $0xFFFFDD00;
	s23 =	simm.s32 $0x14050  }
0xd2: {  	[tilespmem:s6], [sflag:$0x4] =	stream.indirect.gather [hbm4b:s24+s1], $0x70, s28, s1, $0xb8;
	[tilespmem:$0x1F720] =	vst v63  }
0xd3: {  	s22 =	sshrl.u32 s22, $0x2;
	s23 =	simm.s32 @!p5 $0x13880;
	_ =	swait.ge [sflag:s31], $0x2300  }
0xd4: {  	s22 =	sadd.s32 s22, s23;
	s23 =	sadd.s32 $0x1, s20;
	[sflag:s31] =	ssyncset.done $0x0  }
0xd5: {  	s25 =	sand.u32 $0xFF, s23;
	[sflag:s31] =	ssyncadd.s32 $0xFFFFDD00  }
0xd6: {  	[spmem:s2] =	stream.indirect.scatter.add.f32 [tilespmem:s0], [sflag:$0x6], $0x70, s22, s1, $0xb8;
	[tilespmem:$0x1F720] =	vst v63  }
0xd7: {  	s28 =	simm.s32 @!p4 $0xA;
	s25 =	smul.u32 $0x29, s25;
	s22 =	sadd.s32 $0xFFFFFF83, s18  }
0xd8: {  	s22 =	smov.u32 @p6 s18;
	_ =	swait.ge @!p4 [sflag:s28], $0x2300  }
0xd9: {  	s25 =	sshrl.u32 s25, $0xA;
	s22 =	smul.u32 $0x140, s22;
	[sflag:s28] =	ssyncset.done @!p4 $0x0  }
0xda: {  	[sflag:s28] =	ssyncadd.s32 @!p4 $0xFFFFDD00;
	s28 =	smul.u32 $0x19, s25  }
0xdb: {  	s22 =	sshra.s32 s22, $0x2  }
0xdc: {  	s22 =	sadd.s32 $0x11170, s22;
	s23 =	ssub.s32 s23, s28  }
0xdd: {  	[tilespmem:s7], [sflag:$0x5] =	stream.indirect.gather [hbm4b:s24+s1], $0x70, s22, s1, $0xb8;
	[tilespmem:$0x1F720] =	vst v63  }
0xde: {  	s22 =	sand.u32 $0xFF, s23;
	s23 =	sadd.s32 $0xFFFFFFFE, s18  }
0xdf: {  	s25 =	sand.u32 $0x1, s25;
	s22 =	smul.u32 $0x140, s22;
	s28 =	sand.u32 $0xFF, s23  }
0xe0: {  	p2 =	seq.s32 s25, $0x1;
	s25 =	simm.s32 $0x14050;
	s28 =	smul.u32 $0x29, s28  }
0xe1: {  	s25 =	simm.s32 @!p2 $0x13880;
	_ =	swait.ge [sflag:s8], $0x2300  }
0xe2: {  	[sflag:s8] =	ssyncset.done $0x0;
	s22 =	sshrl.u32 s22, $0x2;
	s28 =	sshrl.u32 s28, $0xA  }
0xe3: {  	[sflag:s8] =	ssyncadd.s32 $0xFFFFDD00;
	s22 =	sadd.s32 s22, s25;
	s25 =	smul.u32 $0x19, s28  }
0xe4: {  	[spmem:s2] =	stream.indirect.scatter.add.f32 [tilespmem:s4], [sflag:$0x7], $0x70, s22, s1, $0xb8;
	[tilespmem:$0x1F720] =	vst v63  }
0xe5: {  	s25 =	ssub.s32 s23, s25  }
0xe6: {  	s22 =	sand.u32 $0xFF, s25  }
0xe7: {  	p6 =	slt.u32 s17, $0x2D;
	p5 =	seq.s32 s22, $0x2  }
0xe8: {  	s28 =	sand.u32 $0x1, s28;
	p2 =	por !p6, !p5  }
0xe9: {  	p5 =	seq.s32 s28, $0x1;
	p2 =	por !p2, !p2  }
0xea: {  	s23 =	simm.s32 @p2 $0x1;
	p4 =	por !p5, !p2  }
0xeb: {  	_ =	swait.ge [sflag:s9], $0x2300;
	s23 =	simm.s32 @p4 $0x0  }
0xec: {  	[sflag:s9] =	ssyncset.done $0x0;
	p4 =	seq.s32 @p2 s23, $0x1  }
0xed: {  	[sflag:s9] =	ssyncadd.s32 $0xFFFFDD00;
	p4 =	por p4, !p2;
	p2 =	por !p2, !p5  }
0xee: {  	s23 =	simm.s32 @!p4 $0x0;
	s25 =	simm.s32 @!p4 $0x14050;
	p2 =	por !p2, !p2  }
0xef: {  	[tilespmem:s25], [sflag:$0xB] =	stream.linear.gather @!p4 [hbm4b:s19+s23], $0x7D0, $0x38;
	[tilespmem:$0x1F720] =	vst v63  }
0xf0: {  	s23 =	simm.s32 @p2 $0x0;
	s25 =	simm.s32 @p2 $0x13880  }
0xf1: {  	[tilespmem:s25], [sflag:$0xB] =	stream.linear.gather @p2 [hbm4b:s19+s23], $0x7D0, $0x38;
	[tilespmem:$0x1F720] =	vst v63  }
0xf2: {  	p2 =	sne.s32 s18, $0x7C  }
.Ltmp5:
0xf3: {  	_ = 	snop;
	(pc) =	sbr.rel @p2 .LBB2_6-.Ltmp5, $1  }
0xf4: {  	_ =	sdelay $0x3  }
0xf5: {  	_ =	swait.ge [sflag:s10], $0x2300  }
0xf6: {  	[sflag:s10] =	ssyncset.done $0x0  }
0xf7: {  	[sflag:s10] =	ssyncadd.s32 $0xFFFFDD00  }
0xf8: {  	_ =	swait.ge [sflag:s11], $0x2300  }
0xf9: {  	[sflag:s11] =	ssyncset.done $0x0  }
0xfa: {  	[sflag:s11] =	ssyncadd.s32 $0xFFFFDD00  }
0xfb: {  	_ =	swait.ge [sflag:s13], $0x2300  }
0xfc: {  	[sflag:s13] =	ssyncset.done $0x0  }
0xfd: {  	s23 =	simm.s32 @p0 $0x50;
	[sflag:s13] =	ssyncadd.s32 $0xFFFFDD00  }
0xfe: {  	[tilespmem:s29], [sflag:$0xC] =	stream.linear.gather [hbm4b:s15+s3], $0x2710, $0x38;
	[tilespmem:$0x1F720] =	vst v63  }
0xff: {  	s25 =	simm.s32 @p0 $0x11170;
	p4 =	por @p0 $0x0, $0x0;
	_ =	swait.ge [sflag:s30], $0x2710  }
.Ltmp6:
0x100: {  	p2 =	por @!p0 $0x0, $0x0;
	[sflag:s30] =	ssyncset.done $0x0;
	(pc) =	sbr.rel .LBB2_13-.Ltmp6, $4  }
0x101: {  	s28 =	simm.s32 @p0 $0x14820;
	p4 =	por @!p0 p2, p2;
	[sflag:s30] =	ssyncadd.s32 $0xFFFFD8F0  }
0x102: {  	[tilespmem:s28], [sflag:$0x1] =	stream.indirect.gather @p0 [hbm4b:s12+s23], $0x70, s25, s23, $0xb8;
	[tilespmem:$0x1F720] =	vst v63  }
0x103: {  	s23 =	simm.s32 @!p0 $0x50;
	s25 =	simm.s32 @!p0 $0x11170;
	s28 =	simm.s32 @!p0 $0x14820  }
0x104: {  	[tilespmem:s28], [sflag:$0x1] =	stream.indirect.gather @!p0 [hbm4b:s14+s23], $0x70, s25, s23, $0xb8;
	[tilespmem:$0x1F720] =	vst v63  }
.LBB2_6:
0x105: {  	p4 =	seq.s32 s18, $0xF9  }
.Ltmp7:
0x106: {  	_ = 	snop;
	(pc) =	sbr.rel @!p4 .LBB2_7-.Ltmp7, $1  }
0x107: {  	_ =	sdelay $0x3  }
.Ltmp8:
0x108: {  	(pc) =	sbr.rel @p1 .LBB2_9-.Ltmp8, $4  }
.Ltmp9:
0x109: {  	(pc) =	sbr.rel @!p1 .LBB2_12-.Ltmp9, $4  }
0x10a: {  	_ = 	snop  }
0x10b: {  	_ = 	snop  }
0x10c: {  	_ = 	snop  }
0x10d: {  	_ = 	snop  }
.LBB2_7:
0x10e: {  	s23 =	sadd.s32 $0x5, s20  }
0x10f: {  	s25 =	sand.u32 $0xFF, s23  }
0x110: {  	s25 =	smul.u32 $0x7, s25;
	_ =	sdelay $0x1  }
0x111: {  	s25 =	sshrl.u32 s25, $0x8  }
0x112: {  	s28 =	ssub.s32 s23, s25  }
0x113: {  	s28 =	sand.u32 $0xFE, s28  }
0x114: {  	s28 =	sshrl.u32 s28, $0x1  }
0x115: {  	s25 =	sadd.s32 s25, s28  }
0x116: {  	s25 =	sshrl.u32 s25, $0x6  }
0x117: {  	s25 =	smul.u32 $0x7D, s25;
	_ =	sdelay $0x1  }
0x118: {  	s23 =	ssub.s32 s23, s25  }
.Ltmp10:
0x119: {  	s23 =	sand.u32 $0xFF, s23;
	(pc) =	sbr.rel @!p0 .LBB2_8-.Ltmp10, $3  }
0x11a: {  	s23 =	smul.u32 $0x140, s23;
	_ =	sdelay $0x1  }
0x11b: {  	s23 =	sshrl.u32 s23, $0x2  }
0x11c: {  	s23 =	sadd.s32 $0x11170, s23  }
0x11d: {  	[tilespmem:s0], [sflag:$0x1] =	stream.indirect.gather [hbm4b:s12+s1], $0x70, s23, s1, $0xb8;
	[tilespmem:$0x1F720] =	vst v63  }
.LBB2_12:
.Ltmp11:
0x11e: {  	(pc) =	sbr.rel .LBB2_13-.Ltmp11, $4  }
0x11f: {  	_ = 	snop  }
0x120: {  	_ =	swait.ge [sflag:s10], $0x2300  }
0x121: {  	[sflag:s10] =	ssyncset.done $0x0  }
0x122: {  	[sflag:s10] =	ssyncadd.s32 $0xFFFFDD00  }
.LBB2_8:
0x123: {  	[tilespmem:s0], [sflag:$0x1] =	stream.indirect.gather [hbm4b:s14+s1], $0x70, s23, s1, $0xb8;
	[tilespmem:$0x1F720] =	vst v63  }
.LBB2_9:
0x124: {  	_ =	swait.ge [sflag:s10], $0x2300  }
0x125: {  	[sflag:s10] =	ssyncset.done $0x0  }
0x126: {  	[sflag:s10] =	ssyncadd.s32 $0xFFFFDD00  }
.LBB2_13:
0x127: {  	s22 =	smul.u32 $0x140, s22  }
0x128: {  	s23 =	simm.s32 $0x14050  }
0x129: {  	s23 =	simm.s32 @!p5 $0x13880;
	s22 =	sshrl.u32 s22, $0x2  }
.Ltmp12:
0x12a: {  	s22 =	sadd.s32 s22, s23;
	(pc) =	sbr.rel @!p4 .LBB2_14-.Ltmp12, $4  }
0x12b: {  	[spmem:s2] =	stream.indirect.scatter.add.f32 [tilespmem:s5], [sflag:$0x8], $0x70, s22, s1, $0xb8;
	[tilespmem:$0x1F720] =	vst v63  }
0x12c: {  	_ =	swait.ge [sflag:s16], $0x2300  }
0x12d: {  	[sflag:s16] =	ssyncset.done $0x0  }
0x12e: {  	p5 =	seq.s32 s18, $0x7C;
	[sflag:s16] =	ssyncadd.s32 $0xFFFFDD00  }
.Ltmp13:
0x12f: {  	(pc) =	sbr.rel @!p5 .LBB2_21-.Ltmp13, $1  }
0x130: {  	_ =	sdelay $0x3  }
.Ltmp14:
0x131: {  	(pc) =	sbr.rel .LBB2_22-.Ltmp14, $2  }
0x132: {  	_ =	sdelay $0x2  }
0x133: {  	s21 =	simm.s32 $0x13880;
	s22 =	simm.s32 $0x1CC0  }
.LBB2_14:
0x134: {  	s22 =	sadd.s32 $0x6, s20  }
0x135: {  	s23 =	sand.u32 $0xFF, s22  }
0x136: {  	s23 =	smul.u32 $0x7, s23;
	_ =	sdelay $0x1  }
0x137: {  	s23 =	sshrl.u32 s23, $0x8  }
0x138: {  	s25 =	ssub.s32 s22, s23  }
0x139: {  	s25 =	sand.u32 $0xFE, s25  }
0x13a: {  	s25 =	sshrl.u32 s25, $0x1  }
0x13b: {  	s23 =	sadd.s32 s23, s25  }
0x13c: {  	s23 =	sshrl.u32 s23, $0x6  }
0x13d: {  	s23 =	smul.u32 $0x7D, s23;
	_ =	sdelay $0x1  }
0x13e: {  	s22 =	ssub.s32 s22, s23  }
.Ltmp15:
0x13f: {  	s22 =	sand.u32 $0xFF, s22;
	(pc) =	sbr.rel @!p0 .LBB2_19-.Ltmp15, $3  }
0x140: {  	s22 =	smul.u32 $0x140, s22;
	_ =	sdelay $0x1  }
0x141: {  	s22 =	sshrl.u32 s22, $0x2  }
0x142: {  	s22 =	sadd.s32 $0x11170, s22  }
.Ltmp16:
0x143: {  	(pc) =	sbr.rel @!p5 .LBB2_21-.Ltmp16, $2  }
0x144: {  	_ =	sdelay $0x2  }
0x145: {  	[tilespmem:s4], [sflag:$0x2] =	stream.indirect.gather [hbm4b:s12+s1], $0x70, s22, s1, $0xb8;
	[tilespmem:$0x1F720] =	vst v63  }
.Ltmp17:
0x146: {  	(pc) =	sbr.rel .LBB2_22-.Ltmp17, $2  }
0x147: {  	_ =	sdelay $0x2  }
0x148: {  	s21 =	simm.s32 $0x13880;
	s22 =	simm.s32 $0x1CC0  }
.LBB2_19:
.Ltmp18:
0x149: {  	(pc) =	sbr.rel @!p5 .LBB2_21-.Ltmp18, $2  }
0x14a: {  	_ =	sdelay $0x2  }
0x14b: {  	[tilespmem:s4], [sflag:$0x2] =	stream.indirect.gather [hbm4b:s14+s1], $0x70, s22, s1, $0xb8;
	[tilespmem:$0x1F720] =	vst v63  }
.Ltmp19:
0x14c: {  	(pc) =	sbr.rel .LBB2_22-.Ltmp19, $2  }
0x14d: {  	_ =	sdelay $0x2  }
0x14e: {  	s21 =	simm.s32 $0x13880;
	s22 =	simm.s32 $0x1CC0  }
.LBB2_21:
0x14f: {  	s22 =	sand.u32 $0xFF, s21  }
0x150: {  	s22 =	smul.u32 $0x29, s22;
	_ =	sdelay $0x1  }
0x151: {  	s22 =	sshrl.u32 s22, $0xA  }
0x152: {  	s23 =	smul.u32 $0x19, s22  }
0x153: {  	_ =	swait.ge [sflag:s11], $0x2300  }
0x154: {  	[sflag:s11] =	ssyncset.done $0x0;
	s22 =	sand.u32 $0x1, s22;
	s28 =	ssub.s32 s21, s23  }
0x155: {  	p2 =	seq.s32 s22, $0x1;
	s21 =	simm.s32 $0x14050;
	s23 =	sand.u32 $0xFF, s28  }
0x156: {  	[sflag:s11] =	ssyncadd.s32 $0xFFFFDD00;
	s21 =	simm.s32 @!p2 $0x13880;
	s22 =	smul.u32 $0x140, s23  }
.LBB2_22:
0x157: {  	_ = 	snop  }
0x158: {  	s22 =	sshrl.u32 s22, $0x2  }
.Ltmp20:
0x159: {  	s21 =	sadd.s32 s22, s21;
	(pc) =	sbr.rel @!p4 .LBB2_23-.Ltmp20, $4  }
0x15a: {  	[spmem:s2] =	stream.indirect.scatter.add.f32 [tilespmem:s6], [sflag:$0x9], $0x70, s21, s1, $0xb8;
	[tilespmem:$0x1F720] =	vst v63  }
0x15b: {  	_ =	swait.ge [sflag:s26], $0x2300  }
0x15c: {  	[sflag:s26] =	ssyncset.done $0x0  }
0x15d: {  	[sflag:s26] =	ssyncadd.s32 $0xFFFFDD00  }
.Ltmp21:
0x15e: {  	(pc) =	sbr.rel @!p5 .LBB2_30-.Ltmp21, $1  }
0x15f: {  	_ =	sdelay $0x3  }
.Ltmp22:
0x160: {  	(pc) =	sbr.rel .LBB2_31-.Ltmp22, $2  }
0x161: {  	_ =	sdelay $0x2  }
0x162: {  	s20 =	simm.s32 $0x13880;
	s21 =	simm.s32 $0x1E00  }
.LBB2_23:
0x163: {  	s20 =	sadd.s32 $0x7, s20  }
0x164: {  	s21 =	sand.u32 $0xFF, s20  }
0x165: {  	s21 =	smul.u32 $0x7, s21;
	_ =	sdelay $0x1  }
0x166: {  	s21 =	sshrl.u32 s21, $0x8  }
0x167: {  	s22 =	ssub.s32 s20, s21  }
0x168: {  	s22 =	sand.u32 $0xFE, s22  }
0x169: {  	s22 =	sshrl.u32 s22, $0x1  }
0x16a: {  	s21 =	sadd.s32 s21, s22  }
0x16b: {  	s21 =	sshrl.u32 s21, $0x6  }
0x16c: {  	s21 =	smul.u32 $0x7D, s21;
	_ =	sdelay $0x1  }
0x16d: {  	s20 =	ssub.s32 s20, s21  }
.Ltmp23:
0x16e: {  	s20 =	sand.u32 $0xFF, s20;
	(pc) =	sbr.rel @!p0 .LBB2_28-.Ltmp23, $3  }
0x16f: {  	s20 =	smul.u32 $0x140, s20;
	_ =	sdelay $0x1  }
0x170: {  	s20 =	sshrl.u32 s20, $0x2  }
0x171: {  	s20 =	sadd.s32 $0x11170, s20  }
.Ltmp24:
0x172: {  	(pc) =	sbr.rel @!p5 .LBB2_30-.Ltmp24, $2  }
0x173: {  	_ =	sdelay $0x2  }
0x174: {  	[tilespmem:s5], [sflag:$0x3] =	stream.indirect.gather [hbm4b:s12+s1], $0x70, s20, s1, $0xb8;
	[tilespmem:$0x1F720] =	vst v63  }
.Ltmp25:
0x175: {  	(pc) =	sbr.rel .LBB2_31-.Ltmp25, $2  }
0x176: {  	_ =	sdelay $0x2  }
0x177: {  	s20 =	simm.s32 $0x13880;
	s21 =	simm.s32 $0x1E00  }
.LBB2_28:
.Ltmp26:
0x178: {  	(pc) =	sbr.rel @!p5 .LBB2_30-.Ltmp26, $2  }
0x179: {  	_ =	sdelay $0x2  }
0x17a: {  	[tilespmem:s5], [sflag:$0x3] =	stream.indirect.gather [hbm4b:s14+s1], $0x70, s20, s1, $0xb8;
	[tilespmem:$0x1F720] =	vst v63  }
.Ltmp27:
0x17b: {  	(pc) =	sbr.rel .LBB2_31-.Ltmp27, $2  }
0x17c: {  	_ =	sdelay $0x2  }
0x17d: {  	s20 =	simm.s32 $0x13880;
	s21 =	simm.s32 $0x1E00  }
.LBB2_33:
0x17e: {  	_ =	sfence.sel $0x180000  }
0x17f: {  	[bflag:$0x0] =	sbarrier.arrive $0xFFFF  }
0x180: {  	_ =	strace $0x90000047  }
0x181: {  	s0 =	stileid.u32;
	[bflag:$0x2] =	sbarrier.arrive $0xFFFF  }
0x182: {  	p0 =	sne.s32 s0, $0x0;
	s0 =	rddreg [dreg:$0x3]  }
0x183: {  	s0 =	sadd.s32 @!p0 $0x100000, s0  }
0x184: {  	[sflag:s0] =	ssyncadd.tile.s32 @!p0 $0x1;
	_ =	shalt  }
.Lfunc_end2:
_tile_overlayer_lowered:
.L_overlay_start_2:
0x185: {  	(tag) =	ssettag $0x2  }
0x186: {  	s0 =	rddreg [dreg:$0x0];
	s2 =	stileid.u32  }
0x187: {  	s1 =	rddreg [dreg:$0x1];
	p0 =	sne.s32 s2, $0x0  }
0x188: {  	s3 =	rddreg [dreg:$0x2];
	[bflag:$0x3] =	sbarrier.arrive $0xFFFF;
	s2 =	simm.s32 @!p0 $0x1C0C  }
0x189: {  	[timem:s3], [sflag:s2] =	dma.local @!p0 [hbm:s0], s1  }
0x18a: {  	s0 =	simm.s32 @!p0 $0xC  }
0x18b: {  	_ =	swait.ge @!p0 [sflag:s0], s1  }
0x18c: {  	s1 =	ssub.s32 @!p0 $0x0, s1;
	[sflag:s0] =	ssyncset.done @!p0 $0x0  }
0x18d: {  	[sflag:s0] =	ssyncadd.s32 @!p0 s1  }
0x18e: {  	[bflag:$0x3] =	sbarrier.arrive $0xFFFF  }
0x18f: {  	_ =	shalt  }

</sc_bundles>
